<compile_context>
chip_gen: v7x
topology: tpu7x:2x2x1
jax: 0.10.2.dev20260603
libtpu: 0.0.44.dev20260713+nightly
codegen_flags: <defaults>
</compile_context>

<pallas_src>
import functools

import jax
import jax.numpy as jnp
from jax import lax
from jax.experimental import pallas as pl
from jax.experimental.pallas import tpu as pltpu
from jax.experimental.pallas import tpu_sc as plsc

_B, _C, _N, _K = 4, 32, 4096, 24
_OC3 = 3 * _C
_E = _B * _N * _K
_EPB = _N * _K
_RB = 256
_MB = 2048
_NB = 256
_NW = 32
_CH = 128
_NCHUNK = _E // (_NW * _CH)


def _knn_body(xvt_ref, xv_ref, out_ref):
    b = pl.program_id(0)
    xr = xvt_ref[0]
    xv = xv_ref[0]
    dot = lax.dot_general(xr, xv, (((1,), (0,)), ((), ())),
                          preferred_element_type=jnp.float32)
    inner = -2.0 * dot
    xx_r = jnp.sum(xr * xr, axis=1, keepdims=True)
    xx_c = jnp.sum(xv * xv, axis=0, keepdims=True)
    s = -xx_r - inner - xx_c
    col = lax.broadcasted_iota(jnp.int32, (_RB, _N), 1).astype(jnp.float32)
    tcol = lax.broadcasted_iota(jnp.int32, (_RB, _K), 1).astype(jnp.float32)
    acc = jnp.zeros((_RB, _K), jnp.float32)
    big = jnp.float32(3.0e38)
    for t in range(_K):
        m = jnp.max(s, axis=1, keepdims=True)
        cand = jnp.where(s == m, col, big)
        am = jnp.min(cand, axis=1, keepdims=True)
        acc = jnp.where(tcol == t, jnp.broadcast_to(am, (_RB, _K)), acc)
        s = jnp.where(col == am, jnp.float32(-3.0e38), s)
    out_ref[0] = acc.astype(jnp.int32) + b * _N


def _knn(xvt, xv):
    return pl.pallas_call(
        _knn_body,
        grid=(_B, _N // _RB),
        in_specs=[
            pl.BlockSpec((1, _RB, _C), lambda b, r: (b, r, 0)),
            pl.BlockSpec((1, _C, _N), lambda b, r: (b, 0, 0)),
        ],
        out_specs=pl.BlockSpec((1, _RB, _K), lambda b, r: (b, r, 0)),
        out_shape=jax.ShapeDtypeStruct((_B, _N, _K), jnp.int32),
    )(xvt, xv)


def _proj_body(xc_ref, xn_ref, wac_ref, wan_ref, wgc_ref, wgn_ref, bias_ref,
               a_ref, g_ref):
    xc = xc_ref[0]
    xn = xn_ref[0]
    dn = lambda x, w: lax.dot_general(x, w, (((1,), (0,)), ((), ())),
                                      preferred_element_type=jnp.float32)
    a = jnp.concatenate([dn(xc, wac_ref[...]), dn(xn, wan_ref[...])], axis=1)
    a_ref[0] = a + bias_ref[0:1, :]
    g_ref[0] = jnp.concatenate([dn(xc, wgc_ref[...]), dn(xn, wgn_ref[...])],
                               axis=1)


def _proj(xc_p, xn_p, wac, wan, wgc, wgn, bias):
    full = lambda shape: pl.BlockSpec(shape, lambda b: (0,) * len(shape))
    return pl.pallas_call(
        _proj_body,
        grid=(_B,),
        in_specs=[
            pl.BlockSpec((1, _N, _C), lambda b: (b, 0, 0)),
            pl.BlockSpec((1, _N, _C), lambda b: (b, 0, 0)),
            full((_C, _C)), full((_C, 2 * _C)),
            full((_C, _C)), full((_C, 2 * _C)),
            full((8, _OC3)),
        ],
        out_specs=[
            pl.BlockSpec((1, _N, _OC3), lambda b: (b, 0, 0)),
            pl.BlockSpec((1, _N, _OC3), lambda b: (b, 0, 0)),
        ],
        out_shape=[
            jax.ShapeDtypeStruct((_B, _N, _OC3), jnp.float32),
            jax.ShapeDtypeStruct((_B, _N, _OC3), jnp.float32),
        ],
    )(xc_p, xn_p, wac, wan, wgc, wgn, bias)


def _gather_body(table_ref, idx_ref, out_ref, idx_v, rows_v,
                 sem_i, sem_g, sem_o):
    wid = lax.axis_index("s") * 2 + lax.axis_index("c")
    pltpu.async_copy(idx_ref.at[wid, 0], idx_v.at[0], sem_i)

    def pair(i, carry):
        for par in range(2):
            q = 2 * i + par
            obase = (wid * _NCHUNK + q) * _CH

            @pl.when(q >= 2)
            def _():
                pltpu.make_async_copy(
                    rows_v.at[par],
                    out_ref.at[pl.ds((wid * _NCHUNK + q - 2) * _CH, _CH)],
                    sem_o).wait()

            pltpu.make_async_copy(idx_ref.at[wid, q], idx_v.at[par],
                                  sem_i).wait()
            gat = pltpu.async_copy(table_ref.at[idx_v.at[par]],
                                   rows_v.at[par], sem_g)

            @pl.when(q + 1 < _NCHUNK)
            def _():
                pltpu.async_copy(idx_ref.at[wid, q + 1],
                                 idx_v.at[1 - par], sem_i)

            gat.wait()
            pltpu.async_copy(rows_v.at[par], out_ref.at[pl.ds(obase, _CH)],
                             sem_o)
        return carry

    lax.fori_loop(0, _NCHUNK // 2, pair, 0)
    for q in (_NCHUNK - 2, _NCHUNK - 1):
        pltpu.make_async_copy(
            rows_v.at[q % 2],
            out_ref.at[pl.ds((wid * _NCHUNK + q) * _CH, _CH)],
            sem_o).wait()


def _sc_gather(table, idx):
    mesh = plsc.VectorSubcoreMesh(core_axis_name="c", subcore_axis_name="s")
    f = functools.partial(
        pl.kernel,
        mesh=mesh,
        compiler_params=pltpu.CompilerParams(use_tc_tiling_on_sc=False),
        out_type=jax.ShapeDtypeStruct((_E, _OC3), jnp.float32),
        scratch_types=[
            pltpu.VMEM((2, _CH), jnp.int32),
            pltpu.VMEM((2, _CH, _OC3), jnp.float32),
            pltpu.SemaphoreType.DMA,
            pltpu.SemaphoreType.DMA,
            pltpu.SemaphoreType.DMA,
        ],
    )(_gather_body)
    return f(table, idx)


def _stats_body(a_ref, h_ref, gb_ref, o_ref):
    b = pl.program_id(0)
    pb = pl.program_id(1)
    y = a_ref[0] + h_ref[0]
    ps = jnp.sum(y, axis=0, keepdims=True)
    pq = jnp.sum(y * y, axis=0, keepdims=True)

    @pl.when((b == 0) & (pb == 0))
    def _():
        o_ref[...] = jnp.zeros((8, _OC3), jnp.float32)

    o_ref[0:1, :] += ps
    o_ref[1:2, :] += pq

    @pl.when((b == _B - 1) & (pb == _EPB // _MB - 1))
    def _():
        inv_e = jnp.float32(1.0 / _E)
        mean = o_ref[0:1, :] * inv_e
        var = o_ref[1:2, :] * inv_e - mean * mean
        scale = gb_ref[0:1, :] / jnp.sqrt(var + 1e-5)
        shift = gb_ref[1:2, :] - mean * scale
        o_ref[0:1, :] = scale
        o_ref[1:2, :] = shift


def _stats(a_tab, h_edges, gb):
    return pl.pallas_call(
        _stats_body,
        grid=(_B, _EPB // _MB),
        in_specs=[
            pl.BlockSpec((1, _MB, _OC3),
                         lambda b, p: (b, p % (_N // _MB), 0)),
            pl.BlockSpec((1, _MB, _OC3), lambda b, p: (b, p, 0)),
            pl.BlockSpec((2, _OC3), lambda b, p: (0, 0)),
        ],
        out_specs=pl.BlockSpec((8, _OC3), lambda b, p: (0, 0)),
        out_shape=jax.ShapeDtypeStruct((8, _OC3), jnp.float32),
    )(a_tab, h_edges, gb)


def _edge_body(a_ref, h_ref, st_ref, xc_ref, xn_ref):
    scale = st_ref[0:1, :]
    shift = st_ref[1:2, :]
    a = a_ref[0]
    zts = []
    for j in range(_K):
        y = a + h_ref[0, j]
        z = y * scale + shift
        z = jnp.where(z >= 0, z, 0.01 * z)
        zts.append(jnp.transpose(z, (1, 0)))
    z3 = jnp.stack(zts, axis=0)

    def group(br, t):
        u0 = 32 * t
        c_lo, j0 = u0 // _K, u0 % _K
        c0 = br * _C + c_lo
        p1 = z3[j0:_K, c0, :]
        p2 = z3[0:32 - (_K - j0), c0 + 1, :]
        return jnp.concatenate([p1, p2], axis=0)

    acc = jnp.zeros((_C, _NB), jnp.float32)
    mx = None
    for t in range(_K):
        g1 = group(1, t)
        e = jnp.exp(g1 - jnp.max(g1, axis=0, keepdims=True))
        attn = e / jnp.sum(e, axis=0, keepdims=True)
        acc = acc + attn * group(0, t)
        g2 = group(2, t)
        mx = g2 if t == 0 else jnp.maximum(mx, g2)
    xc_ref[0] = acc
    xn_ref[0] = mx


def _edge(a_tab, h4, st):
    return pl.pallas_call(
        _edge_body,
        grid=(_B, _N // _NB),
        in_specs=[
            pl.BlockSpec((1, _NB, _OC3), lambda b, n: (b, n, 0)),
            pl.BlockSpec((1, _K, _NB, _OC3), lambda b, n: (b, 0, n, 0)),
            pl.BlockSpec((8, _OC3), lambda b, n: (0, 0)),
        ],
        out_specs=[
            pl.BlockSpec((1, _C, _NB), lambda b, n: (b, 0, n)),
            pl.BlockSpec((1, _C, _NB), lambda b, n: (b, 0, n)),
        ],
        out_shape=[
            jax.ShapeDtypeStruct((_B, _C, _N), jnp.float32),
            jax.ShapeDtypeStruct((_B, _C, _N), jnp.float32),
        ],
    )(a_tab, h4, st)


def kernel(xc, xn, W0, b0, g0, be0, W1, b1, g1, be1, W2, b2, g2, be2):
    xc_p = jnp.transpose(xc, (0, 2, 1))
    xn_p = jnp.transpose(xn, (0, 2, 1))
    xv = xc_p.reshape(_B, _C, _N)
    xvt = jnp.transpose(xv, (0, 2, 1))

    idx = _knn(xvt, xv)

    wa0, wg0 = W0[:, :_C], W0[:, _C:]
    wa1, wg1 = W1[:, :_C], W1[:, _C:]
    wa2, wg2 = W2[:, :_C], W2[:, _C:]
    wac = wa0.T
    wan = jnp.concatenate([(wa1 + wg1).T, wa2.T], axis=1)
    wgc = wg0.T
    wgn = jnp.concatenate([(-wg1).T, wg2.T], axis=1)
    bias = jnp.broadcast_to(
        jnp.concatenate([b0, b1, b2])[None, :], (8, _OC3))
    a_tab, g_tab = _proj(xc_p, xn_p, wac, wan, wgc, wgn, bias)

    h = _sc_gather(g_tab.reshape(_B * _N, _OC3),
                   idx.reshape(_NW, _NCHUNK, _CH))

    gb = jnp.stack([jnp.concatenate([g0, g1, g2]),
                    jnp.concatenate([be0, be1, be2])])
    st = _stats(a_tab, h.reshape(_B, _EPB, _OC3), gb)

    return _edge(a_tab, h.reshape(_B, _K, _N, _OC3), st)

# --- scband reference (transcript-rebuilt; emitter-appended) ---
"""Pipeline reference for scband-tsgcn-attention-block-80917183857420 (READ-ONLY COPY).

The authoritative reference and input builder live on the scoring server;
editing this copy changes nothing except your own understanding.
"""

import jax, jax.numpy as jnp
import numpy as np

B, IN_C, OUT_C, N, K = 4, 32, 32, 4096, 24


def setup_inputs(seed: int = 0) -> dict:
    key = jax.random.key(seed)
    ks = jax.random.split(key, 16)
    inp = {}
    inp['xc'] = jax.random.normal(ks[0], (B, IN_C, N), dtype=jnp.float32)
    inp['xn'] = jax.random.normal(ks[1], (B, IN_C, N), dtype=jnp.float32)
    s = 1.0 / np.sqrt(2 * IN_C)
    for i, nm in enumerate(['0', '1', '2']):
        inp['W' + nm] = jax.random.uniform(ks[2 + i], (OUT_C, 2 * IN_C), minval=-s, maxval=s, dtype=jnp.float32)
        inp['b' + nm] = jax.random.uniform(ks[5 + i], (OUT_C,), minval=-s, maxval=s, dtype=jnp.float32)
        inp['g' + nm] = jnp.ones((OUT_C,), jnp.float32)
        inp['be' + nm] = jnp.zeros((OUT_C,), jnp.float32)
    return inp


def _conv_bn_lrelu(x, W, b, g, be):
    # 1x1 Conv1d + BatchNorm1d (training-mode batch stats) + LeakyReLU(0.01)
    y = jnp.einsum('oc,bcl->bol', W, x) + b[None, :, None]
    mean = jnp.mean(y, axis=(0, 2), keepdims=True)
    var = jnp.var(y, axis=(0, 2), keepdims=True)
    y = (y - mean) / jnp.sqrt(var + 1e-5)
    y = y * g[None, :, None] + be[None, :, None]
    return jax.nn.leaky_relu(y, negative_slope=0.01)


def _forward(xc, xn, W0, b0, g0, be0, W1, b1, g1, be1, W2, b2, g2, be2):
    Bs, D, Np = xc.shape
    k = K
    xc_p = jnp.transpose(xc, (0, 2, 1))  # [B, N, D]
    # get_knn_idx: view(B, -1, N) on contiguous [B, N, D] (reshape, as in torch)
    xv = xc_p.reshape(Bs, -1, Np)  # [B, D, N]
    inner = -2.0 * jnp.matmul(jnp.transpose(xv, (0, 2, 1)), xv)  # [B, N, N]
    xx = jnp.sum(xv ** 2, axis=1, keepdims=True)  # [B, 1, N]
    pairwise = -xx - inner - jnp.transpose(xx, (0, 2, 1))
    idx = jax.lax.top_k(pairwise, k)[1]  # [B, N, k] indices
    idx = jax.lax.stop_gradient(idx).reshape(Bs, -1)  # [B, N*k]
    idx3 = idx[:, :, None]  # [B, N*k, 1]
    neigh_xyz = jnp.take_along_axis(xc_p, jnp.broadcast_to(idx3, (Bs, Np * k, D)), axis=1)  # [B, N*k, D]
    xn_p = jnp.transpose(xn, (0, 2, 1))  # [B, N, Dn]
    Dn = xn_p.shape[2]
    neigh_feat = jnp.take_along_axis(xn_p, jnp.broadcast_to(idx3, (Bs, Np * k, Dn)), axis=1)
    tile_feat = jnp.tile(xn_p[:, :, None, :], (1, 1, k, 1))  # [B, N, k, Dn]
    tile_xyz = jnp.tile(xc_p[:, :, None, :], (1, 1, k, 1))
    tile_feat = jnp.transpose(tile_feat, (0, 3, 2, 1)).reshape(Bs, Dn, -1)  # [B, Dn, k*N]
    tile_xyz = jnp.transpose(tile_xyz, (0, 3, 2, 1)).reshape(Bs, D, -1)
    neigh_xyz = jnp.transpose(neigh_xyz, (0, 2, 1))  # [B, D, N*k]
    neigh_feat = jnp.transpose(neigh_feat, (0, 2, 1))
    xc01 = jnp.concatenate((tile_xyz, neigh_xyz), axis=1)  # [B, 2D, k*N]
    xn01 = jnp.concatenate((tile_feat, neigh_feat), axis=1)
    f_cap01 = _conv_bn_lrelu(xc01, W0, b0, g0, be0).reshape(Bs * k, -1, Np)
    a3 = tile_feat - neigh_feat
    attn_ip = jnp.concatenate((tile_feat, a3), axis=1)
    attn = _conv_bn_lrelu(attn_ip, W1, b1, g1, be1).reshape(Bs * k, -1, Np)
    attn = jax.nn.softmax(attn, axis=1)
    res = (attn * f_cap01).reshape(Bs, k, OUT_C, Np)
    xc1 = jnp.sum(res, axis=1)
    f_cap11 = _conv_bn_lrelu(xn01, W2, b2, g2, be2).reshape(Bs, k, OUT_C, Np)
    xn1 = jnp.max(f_cap11, axis=1)
    return (xc1, xn1)


def reference(xc, xn, W0, b0, g0, be0, W1, b1, g1, be1, W2, b2, g2, be2):
    return _forward(xc, xn, W0, b0, g0, be0, W1, b1, g1, be1, W2, b2, g2, be2)

if __name__ == "__main__":
    import jax
    _d = setup_inputs()
    print(jax.jit(kernel)(*tuple(_d.values())))

</pallas_src>

<mosaic_0001>
#map = affine_map<(d0, d1) -> (0, 0)>
#map1 = affine_map<(d0, d1) -> (0, 0, 0)>
module attributes {stable_mosaic.version = 14 : i64} {
  func.func @_gather_body(%arg0: i32, %arg1: i32, %arg2: memref<16384x96xf32, #tpu.memory_space<hbm>>, %arg3: memref<32x96x128xi32, #tpu.memory_space<hbm>>, %arg4: memref<393216x96xf32, #tpu.memory_space<hbm>>, %arg5: memref<2x128xi32, #tpu.memory_space<vmem>>, %arg6: memref<2x128x96xf32, #tpu.memory_space<vmem>>, %arg7: memref<!tpu.dma_semaphore, #tpu.memory_space<semaphore_mem>>, %arg8: memref<!tpu.dma_semaphore, #tpu.memory_space<semaphore_mem>>, %arg9: memref<!tpu.dma_semaphore, #tpu.memory_space<semaphore_mem>>) attributes {dimension_semantics = [#tpu.dimension_semantics<core_parallel>, #tpu.dimension_semantics<subcore_parallel>], iteration_bounds = array<i64: 2, 16>, scalar_prefetch = 0 : i64, scratch_operands = 5 : i64, tpu.core_type = #tpu.core_type<sc_vector_subcore>, window_params = [{transform_indices = #map}, {transform_indices = #map1}, {transform_indices = #map}]} {
    %mul3A = arith.constant 2 : i32
    %mul3A_0 = arith.muli %arg1, %mul3A : i32
    %add3A = arith.addi %mul3A_0, %arg0 : i32
    %dma_start3A = arith.constant 0 : i32
    %dma_start3A_1 = arith.constant 0 : i32
    %dma_start3A_2 = arith.constant 0 : i32
    %dma_start3A_3 = tpu.memref_slice %arg5[%dma_start3A_1, %dma_start3A_2] : memref<2x128xi32, #tpu.memory_space<vmem>> -> memref<1x128xi32, #tpu.memory_space<vmem>>
    %dma_start3A_4 = tpu.memref_squeeze %dma_start3A_3 : memref<1x128xi32, #tpu.memory_space<vmem>> -> memref<128xi32, #tpu.memory_space<vmem>>
    %dma_start3A_5 = arith.constant 0 : i32
    %dma_start3A_6 = tpu.memref_slice %arg3[%add3A, %dma_start3A, %dma_start3A_5] : memref<32x96x128xi32, #tpu.memory_space<hbm>> -> memref<1x1x128xi32, #tpu.memory_space<hbm>>
    %dma_start3A_7 = tpu.memref_squeeze %dma_start3A_6 : memref<1x1x128xi32, #tpu.memory_space<hbm>> -> memref<128xi32, #tpu.memory_space<hbm>>
    %dma_start3A_8 = arith.constant 0 : i32
    %dma_start3A_9 = tpu.memref_slice %arg5[%dma_start3A_1, %dma_start3A_8] : memref<2x128xi32, #tpu.memory_space<vmem>> -> memref<1x128xi32, #tpu.memory_space<vmem>>
    %dma_start3A_10 = tpu.memref_squeeze %dma_start3A_9 : memref<1x128xi32, #tpu.memory_space<vmem>> -> memref<128xi32, #tpu.memory_space<vmem>>
    %dma_start3A_11 = arith.constant 0 : i32
    %dma_start3A_12 = tpu.memref_slice %arg3[%add3A, %dma_start3A, %dma_start3A_11] : memref<32x96x128xi32, #tpu.memory_space<hbm>> -> memref<1x1x128xi32, #tpu.memory_space<hbm>>
    %dma_start3A_13 = tpu.memref_squeeze %dma_start3A_12 : memref<1x1x128xi32, #tpu.memory_space<hbm>> -> memref<128xi32, #tpu.memory_space<hbm>>
    tpu.enqueue_dma source(%dma_start3A_13 : memref<128xi32, #tpu.memory_space<hbm>>) target(%dma_start3A_10 : memref<128xi32, #tpu.memory_space<vmem>>) target_semaphore(%arg7 : memref<!tpu.dma_semaphore, #tpu.memory_space<semaphore_mem>>)
    %scan3A = arith.constant 0 : i32
    %scan3A_14 = arith.constant 0 : i32
    %scan3A_15 = arith.constant 48 : i32
    %scan3A_16 = arith.addi %scan3A_14, %scan3A_15 : i32
    %scan3A_17 = arith.constant 1 : i32
    scf.for %scan3A_56 = %scan3A_14 to %scan3A_16 step %scan3A_17  : i32 {
      %mul3A_57 = arith.constant 2 : i32
      %mul3A_58 = arith.muli %mul3A_57, %scan3A_56 : i32
      %add3A_59 = arith.constant 0 : i32
      %add3A_60 = arith.addi %mul3A_58, %add3A_59 : i32
      %mul3A_61 = arith.constant 96 : i32
      %mul3A_62 = arith.muli %add3A, %mul3A_61 : i32
      %add3A_63 = arith.addi %mul3A_62, %add3A_60 : i32
      %mul3A_64 = arith.constant 128 : i32
      %mul3A_65 = arith.muli %add3A_63, %mul3A_64 : i32
      %ge3A = arith.constant 2 : i32
      %ge3A_66 = arith.cmpi sge, %add3A_60, %ge3A : i32
      %convert_element_type3A = arith.extui %ge3A_66 : i1 to i32
      %cond3A = arith.constant 0 : i32
      %cond3A_67 = arith.cmpi ne, %convert_element_type3A, %cond3A : i32
      scf.if %cond3A_67 {
        %mul3A_195 = arith.constant 96 : i32
        %mul3A_196 = arith.muli %add3A, %mul3A_195 : i32
        %add3A_197 = arith.addi %mul3A_196, %add3A_60 : i32
        %sub3A = arith.constant 2 : i32
        %sub3A_198 = arith.subi %add3A_197, %sub3A : i32
        %mul3A_199 = arith.constant 128 : i32
        %mul3A_200 = arith.muli %sub3A_198, %mul3A_199 : i32
        %dma_wait3A_201 = arith.constant 0 : i32
        %dma_wait3A_202 = arith.constant 0 : i32
        %dma_wait3A_203 = arith.constant 0 : i32
        %dma_wait3A_204 = tpu.memref_slice %arg6[%dma_wait3A_201, %dma_wait3A_202, %dma_wait3A_203] : memref<2x128x96xf32, #tpu.memory_space<vmem>> -> memref<1x128x96xf32, #tpu.memory_space<vmem>>
        %dma_wait3A_205 = tpu.memref_squeeze %dma_wait3A_204 : memref<1x128x96xf32, #tpu.memory_space<vmem>> -> memref<128x96xf32, #tpu.memory_space<vmem>>
        %dma_wait3A_206 = arith.constant 0 : i32
        %dma_wait3A_207 = tpu.memref_slice %arg4[%mul3A_200, %dma_wait3A_206] : memref<393216x96xf32, #tpu.memory_space<hbm>> -> memref<128x96xf32, #tpu.memory_space<hbm>>
        %dma_wait3A_208 = arith.constant 0 : i32
        %dma_wait3A_209 = tpu.memref_slice %arg4[%mul3A_200, %dma_wait3A_208] : memref<393216x96xf32, #tpu.memory_space<hbm>> -> memref<128x96xf32, #tpu.memory_space<hbm>>
        %dma_wait3A_210 = arith.constant 0 : i32
        %dma_wait3A_211 = arith.constant 0 : i32
        %dma_wait3A_212 = tpu.memref_slice %arg6[%dma_wait3A_201, %dma_wait3A_210, %dma_wait3A_211] : memref<2x128x96xf32, #tpu.memory_space<vmem>> -> memref<1x128x96xf32, #tpu.memory_space<vmem>>
        %dma_wait3A_213 = tpu.memref_squeeze %dma_wait3A_212 : memref<1x128x96xf32, #tpu.memory_space<vmem>> -> memref<128x96xf32, #tpu.memory_space<vmem>>
        tpu.wait_dma2 semaphore(%arg9 : memref<!tpu.dma_semaphore, #tpu.memory_space<semaphore_mem>>) src(%dma_wait3A_213 : memref<128x96xf32, #tpu.memory_space<vmem>>) dst(%dma_wait3A_209 : memref<128x96xf32, #tpu.memory_space<hbm>>)
      } else {
      }
      %dma_wait3A_68 = arith.constant 0 : i32
      %dma_wait3A_69 = arith.constant 0 : i32
      %dma_wait3A_70 = tpu.memref_slice %arg5[%dma_wait3A_68, %dma_wait3A_69] : memref<2x128xi32, #tpu.memory_space<vmem>> -> memref<1x128xi32, #tpu.memory_space<vmem>>
      %dma_wait3A_71 = tpu.memref_squeeze %dma_wait3A_70 : memref<1x128xi32, #tpu.memory_space<vmem>> -> memref<128xi32, #tpu.memory_space<vmem>>
      %dma_wait3A_72 = arith.constant 0 : i32
      %dma_wait3A_73 = tpu.memref_slice %arg3[%add3A, %add3A_60, %dma_wait3A_72] : memref<32x96x128xi32, #tpu.memory_space<hbm>> -> memref<1x1x128xi32, #tpu.memory_space<hbm>>
      %dma_wait3A_74 = tpu.memref_squeeze %dma_wait3A_73 : memref<1x1x128xi32, #tpu.memory_space<hbm>> -> memref<128xi32, #tpu.memory_space<hbm>>
      %dma_wait3A_75 = arith.constant 0 : i32
      %dma_wait3A_76 = tpu.memref_slice %arg5[%dma_wait3A_68, %dma_wait3A_75] : memref<2x128xi32, #tpu.memory_space<vmem>> -> memref<1x128xi32, #tpu.memory_space<vmem>>
      %dma_wait3A_77 = tpu.memref_squeeze %dma_wait3A_76 : memref<1x128xi32, #tpu.memory_space<vmem>> -> memref<128xi32, #tpu.memory_space<vmem>>
      %dma_wait3A_78 = arith.constant 0 : i32
      %dma_wait3A_79 = tpu.memref_slice %arg3[%add3A, %add3A_60, %dma_wait3A_78] : memref<32x96x128xi32, #tpu.memory_space<hbm>> -> memref<1x1x128xi32, #tpu.memory_space<hbm>>
      %dma_wait3A_80 = tpu.memref_squeeze %dma_wait3A_79 : memref<1x1x128xi32, #tpu.memory_space<hbm>> -> memref<128xi32, #tpu.memory_space<hbm>>
      tpu.wait_dma2 semaphore(%arg7 : memref<!tpu.dma_semaphore, #tpu.memory_space<semaphore_mem>>) src(%dma_wait3A_80 : memref<128xi32, #tpu.memory_space<hbm>>) dst(%dma_wait3A_77 : memref<128xi32, #tpu.memory_space<vmem>>)
      %dma_start3A_81 = arith.constant 0 : i32
      %dma_start3A_82 = arith.constant 0 : i32
      %dma_start3A_83 = arith.constant 0 : i32
      %dma_start3A_84 = arith.constant 0 : i32
      %dma_start3A_85 = tpu.memref_slice %arg6[%dma_start3A_82, %dma_start3A_83, %dma_start3A_84] : memref<2x128x96xf32, #tpu.memory_space<vmem>> -> memref<1x128x96xf32, #tpu.memory_space<vmem>>
      %dma_start3A_86 = tpu.memref_squeeze %dma_start3A_85 : memref<1x128x96xf32, #tpu.memory_space<vmem>> -> memref<128x96xf32, #tpu.memory_space<vmem>>
      %dma_start3A_87 = arith.constant 0 : i32
      %dma_start3A_88 = tpu.memref_slice %arg5[%dma_start3A_81, %dma_start3A_87] : memref<2x128xi32, #tpu.memory_space<vmem>> -> memref<1x128xi32, #tpu.memory_space<vmem>>
      %dma_start3A_89 = tpu.memref_squeeze %dma_start3A_88 : memref<1x128xi32, #tpu.memory_space<vmem>> -> memref<128xi32, #tpu.memory_space<vmem>>
      %dma_start3A_90 = arith.constant 0 : i32
      %dma_start3A_91 = arith.constant 0 : i32
      %dma_start3A_92 = tpu.memref_slice %arg2[%dma_start3A_90, %dma_start3A_91] : memref<16384x96xf32, #tpu.memory_space<hbm>> -> memref<16384x96xf32, #tpu.memory_space<hbm>>
      tpu.enqueue_indirect_dma source(%dma_start3A_92 : memref<16384x96xf32, #tpu.memory_space<hbm>>) target(%dma_start3A_86 : memref<128x96xf32, #tpu.memory_space<vmem>>) offsets(%dma_start3A_89 : memref<128xi32, #tpu.memory_space<vmem>>) semaphore(%arg8 : memref<!tpu.dma_semaphore, #tpu.memory_space<semaphore_mem>>)
      %add3A_93 = arith.constant 1 : i32
      %add3A_94 = arith.addi %add3A_60, %add3A_93 : i32
      %lt3A = arith.constant 96 : i32
      %lt3A_95 = arith.cmpi slt, %add3A_94, %lt3A : i32
      %convert_element_type3A_96 = arith.extui %lt3A_95 : i1 to i32
      %cond3A_97 = arith.constant 0 : i32
      %cond3A_98 = arith.cmpi ne, %convert_element_type3A_96, %cond3A_97 : i32
      scf.if %cond3A_98 {
        %add3A_195 = arith.constant 1 : i32
        %add3A_196 = arith.addi %add3A_60, %add3A_195 : i32
        %dma_start3A_197 = arith.constant 1 : i32
        %dma_start3A_198 = arith.constant 0 : i32
        %dma_start3A_199 = tpu.memref_slice %arg5[%dma_start3A_197, %dma_start3A_198] : memref<2x128xi32, #tpu.memory_space<vmem>> -> memref<1x128xi32, #tpu.memory_space<vmem>>
        %dma_start3A_200 = tpu.memref_squeeze %dma_start3A_199 : memref<1x128xi32, #tpu.memory_space<vmem>> -> memref<128xi32, #tpu.memory_space<vmem>>
        %dma_start3A_201 = arith.constant 0 : i32
        %dma_start3A_202 = tpu.memref_slice %arg3[%add3A, %add3A_196, %dma_start3A_201] : memref<32x96x128xi32, #tpu.memory_space<hbm>> -> memref<1x1x128xi32, #tpu.memory_space<hbm>>
        %dma_start3A_203 = tpu.memref_squeeze %dma_start3A_202 : memref<1x1x128xi32, #tpu.memory_space<hbm>> -> memref<128xi32, #tpu.memory_space<hbm>>
        %dma_start3A_204 = arith.constant 0 : i32
        %dma_start3A_205 = tpu.memref_slice %arg5[%dma_start3A_197, %dma_start3A_204] : memref<2x128xi32, #tpu.memory_space<vmem>> -> memref<1x128xi32, #tpu.memory_space<vmem>>
        %dma_start3A_206 = tpu.memref_squeeze %dma_start3A_205 : memref<1x128xi32, #tpu.memory_space<vmem>> -> memref<128xi32, #tpu.memory_space<vmem>>
        %dma_start3A_207 = arith.constant 0 : i32
        %dma_start3A_208 = tpu.memref_slice %arg3[%add3A, %add3A_196, %dma_start3A_207] : memref<32x96x128xi32, #tpu.memory_space<hbm>> -> memref<1x1x128xi32, #tpu.memory_space<hbm>>
        %dma_start3A_209 = tpu.memref_squeeze %dma_start3A_208 : memref<1x1x128xi32, #tpu.memory_space<hbm>> -> memref<128xi32, #tpu.memory_space<hbm>>
        tpu.enqueue_dma source(%dma_start3A_209 : memref<128xi32, #tpu.memory_space<hbm>>) target(%dma_start3A_206 : memref<128xi32, #tpu.memory_space<vmem>>) target_semaphore(%arg7 : memref<!tpu.dma_semaphore, #tpu.memory_space<semaphore_mem>>)
      } else {
      }
      %dma_wait3A_99 = arith.constant 0 : i32
      %dma_wait3A_100 = arith.constant 0 : i32
      %dma_wait3A_101 = arith.constant 0 : i32
      %dma_wait3A_102 = arith.constant 0 : i32
      %dma_wait3A_103 = tpu.memref_slice %arg6[%dma_wait3A_100, %dma_wait3A_101, %dma_wait3A_102] : memref<2x128x96xf32, #tpu.memory_space<vmem>> -> memref<1x128x96xf32, #tpu.memory_space<vmem>>
      %dma_wait3A_104 = tpu.memref_squeeze %dma_wait3A_103 : memref<1x128x96xf32, #tpu.memory_space<vmem>> -> memref<128x96xf32, #tpu.memory_space<vmem>>
      %dma_wait3A_105 = arith.constant 0 : i32
      %dma_wait3A_106 = tpu.memref_slice %arg5[%dma_wait3A_99, %dma_wait3A_105] : memref<2x128xi32, #tpu.memory_space<vmem>> -> memref<1x128xi32, #tpu.memory_space<vmem>>
      %dma_wait3A_107 = tpu.memref_squeeze %dma_wait3A_106 : memref<1x128xi32, #tpu.memory_space<vmem>> -> memref<128xi32, #tpu.memory_space<vmem>>
      %dma_wait3A_108 = arith.constant 0 : i32
      %dma_wait3A_109 = arith.constant 0 : i32
      %dma_wait3A_110 = tpu.memref_slice %arg2[%dma_wait3A_108, %dma_wait3A_109] : memref<16384x96xf32, #tpu.memory_space<hbm>> -> memref<16384x96xf32, #tpu.memory_space<hbm>>
      tpu.wait_indirect_dma semaphore(%arg8 : memref<!tpu.dma_semaphore, #tpu.memory_space<semaphore_mem>>) src(%dma_wait3A_110 : memref<16384x96xf32, #tpu.memory_space<hbm>>) dst(%dma_wait3A_104 : memref<128x96xf32, #tpu.memory_space<vmem>>)
      %dma_start3A_111 = arith.constant 0 : i32
      %dma_start3A_112 = arith.constant 0 : i32
      %dma_start3A_113 = arith.constant 0 : i32
      %dma_start3A_114 = tpu.memref_slice %arg6[%dma_start3A_111, %dma_start3A_112, %dma_start3A_113] : memref<2x128x96xf32, #tpu.memory_space<vmem>> -> memref<1x128x96xf32, #tpu.memory_space<vmem>>
      %dma_start3A_115 = tpu.memref_squeeze %dma_start3A_114 : memref<1x128x96xf32, #tpu.memory_space<vmem>> -> memref<128x96xf32, #tpu.memory_space<vmem>>
      %dma_start3A_116 = arith.constant 0 : i32
      %dma_start3A_117 = tpu.memref_slice %arg4[%mul3A_65, %dma_start3A_116] : memref<393216x96xf32, #tpu.memory_space<hbm>> -> memref<128x96xf32, #tpu.memory_space<hbm>>
      %dma_start3A_118 = arith.constant 0 : i32
      %dma_start3A_119 = tpu.memref_slice %arg4[%mul3A_65, %dma_start3A_118] : memref<393216x96xf32, #tpu.memory_space<hbm>> -> memref<128x96xf32, #tpu.memory_space<hbm>>
      %dma_start3A_120 = arith.constant 0 : i32
      %dma_start3A_121 = arith.constant 0 : i32
      %dma_start3A_122 = tpu.memref_slice %arg6[%dma_start3A_111, %dma_start3A_120, %dma_start3A_121] : memref<2x128x96xf32, #tpu.memory_space<vmem>> -> memref<1x128x96xf32, #tpu.memory_space<vmem>>
      %dma_start3A_123 = tpu.memref_squeeze %dma_start3A_122 : memref<1x128x96xf32, #tpu.memory_space<vmem>> -> memref<128x96xf32, #tpu.memory_space<vmem>>
      tpu.enqueue_dma source(%dma_start3A_123 : memref<128x96xf32, #tpu.memory_space<vmem>>) target(%dma_start3A_119 : memref<128x96xf32, #tpu.memory_space<hbm>>) target_semaphore(%arg9 : memref<!tpu.dma_semaphore, #tpu.memory_space<semaphore_mem>>)
      %mul3A_124 = arith.constant 2 : i32
      %mul3A_125 = arith.muli %mul3A_124, %scan3A_56 : i32
      %add3A_126 = arith.constant 1 : i32
      %add3A_127 = arith.addi %mul3A_125, %add3A_126 : i32
      %mul3A_128 = arith.constant 96 : i32
      %mul3A_129 = arith.muli %add3A, %mul3A_128 : i32
      %add3A_130 = arith.addi %mul3A_129, %add3A_127 : i32
      %mul3A_131 = arith.constant 128 : i32
      %mul3A_132 = arith.muli %add3A_130, %mul3A_131 : i32
      %ge3A_133 = arith.constant 2 : i32
      %ge3A_134 = arith.cmpi sge, %add3A_127, %ge3A_133 : i32
      %convert_element_type3A_135 = arith.extui %ge3A_134 : i1 to i32
      %cond3A_136 = arith.constant 0 : i32
      %cond3A_137 = arith.cmpi ne, %convert_element_type3A_135, %cond3A_136 : i32
      scf.if %cond3A_137 {
        %mul3A_195 = arith.constant 96 : i32
        %mul3A_196 = arith.muli %add3A, %mul3A_195 : i32
        %add3A_197 = arith.addi %mul3A_196, %add3A_127 : i32
        %sub3A = arith.constant 2 : i32
        %sub3A_198 = arith.subi %add3A_197, %sub3A : i32
        %mul3A_199 = arith.constant 128 : i32
        %mul3A_200 = arith.muli %sub3A_198, %mul3A_199 : i32
        %dma_wait3A_201 = arith.constant 1 : i32
        %dma_wait3A_202 = arith.constant 0 : i32
        %dma_wait3A_203 = arith.constant 0 : i32
        %dma_wait3A_204 = tpu.memref_slice %arg6[%dma_wait3A_201, %dma_wait3A_202, %dma_wait3A_203] : memref<2x128x96xf32, #tpu.memory_space<vmem>> -> memref<1x128x96xf32, #tpu.memory_space<vmem>>
        %dma_wait3A_205 = tpu.memref_squeeze %dma_wait3A_204 : memref<1x128x96xf32, #tpu.memory_space<vmem>> -> memref<128x96xf32, #tpu.memory_space<vmem>>
        %dma_wait3A_206 = arith.constant 0 : i32
        %dma_wait3A_207 = tpu.memref_slice %arg4[%mul3A_200, %dma_wait3A_206] : memref<393216x96xf32, #tpu.memory_space<hbm>> -> memref<128x96xf32, #tpu.memory_space<hbm>>
        %dma_wait3A_208 = arith.constant 0 : i32
        %dma_wait3A_209 = tpu.memref_slice %arg4[%mul3A_200, %dma_wait3A_208] : memref<393216x96xf32, #tpu.memory_space<hbm>> -> memref<128x96xf32, #tpu.memory_space<hbm>>
        %dma_wait3A_210 = arith.constant 0 : i32
        %dma_wait3A_211 = arith.constant 0 : i32
        %dma_wait3A_212 = tpu.memref_slice %arg6[%dma_wait3A_201, %dma_wait3A_210, %dma_wait3A_211] : memref<2x128x96xf32, #tpu.memory_space<vmem>> -> memref<1x128x96xf32, #tpu.memory_space<vmem>>
        %dma_wait3A_213 = tpu.memref_squeeze %dma_wait3A_212 : memref<1x128x96xf32, #tpu.memory_space<vmem>> -> memref<128x96xf32, #tpu.memory_space<vmem>>
        tpu.wait_dma2 semaphore(%arg9 : memref<!tpu.dma_semaphore, #tpu.memory_space<semaphore_mem>>) src(%dma_wait3A_213 : memref<128x96xf32, #tpu.memory_space<vmem>>) dst(%dma_wait3A_209 : memref<128x96xf32, #tpu.memory_space<hbm>>)
      } else {
      }
      %dma_wait3A_138 = arith.constant 1 : i32
      %dma_wait3A_139 = arith.constant 0 : i32
      %dma_wait3A_140 = tpu.memref_slice %arg5[%dma_wait3A_138, %dma_wait3A_139] : memref<2x128xi32, #tpu.memory_space<vmem>> -> memref<1x128xi32, #tpu.memory_space<vmem>>
      %dma_wait3A_141 = tpu.memref_squeeze %dma_wait3A_140 : memref<1x128xi32, #tpu.memory_space<vmem>> -> memref<128xi32, #tpu.memory_space<vmem>>
      %dma_wait3A_142 = arith.constant 0 : i32
      %dma_wait3A_143 = tpu.memref_slice %arg3[%add3A, %add3A_127, %dma_wait3A_142] : memref<32x96x128xi32, #tpu.memory_space<hbm>> -> memref<1x1x128xi32, #tpu.memory_space<hbm>>
      %dma_wait3A_144 = tpu.memref_squeeze %dma_wait3A_143 : memref<1x1x128xi32, #tpu.memory_space<hbm>> -> memref<128xi32, #tpu.memory_space<hbm>>
      %dma_wait3A_145 = arith.constant 0 : i32
      %dma_wait3A_146 = tpu.memref_slice %arg5[%dma_wait3A_138, %dma_wait3A_145] : memref<2x128xi32, #tpu.memory_space<vmem>> -> memref<1x128xi32, #tpu.memory_space<vmem>>
      %dma_wait3A_147 = tpu.memref_squeeze %dma_wait3A_146 : memref<1x128xi32, #tpu.memory_space<vmem>> -> memref<128xi32, #tpu.memory_space<vmem>>
      %dma_wait3A_148 = arith.constant 0 : i32
      %dma_wait3A_149 = tpu.memref_slice %arg3[%add3A, %add3A_127, %dma_wait3A_148] : memref<32x96x128xi32, #tpu.memory_space<hbm>> -> memref<1x1x128xi32, #tpu.memory_space<hbm>>
      %dma_wait3A_150 = tpu.memref_squeeze %dma_wait3A_149 : memref<1x1x128xi32, #tpu.memory_space<hbm>> -> memref<128xi32, #tpu.memory_space<hbm>>
      tpu.wait_dma2 semaphore(%arg7 : memref<!tpu.dma_semaphore, #tpu.memory_space<semaphore_mem>>) src(%dma_wait3A_150 : memref<128xi32, #tpu.memory_space<hbm>>) dst(%dma_wait3A_147 : memref<128xi32, #tpu.memory_space<vmem>>)
      %dma_start3A_151 = arith.constant 1 : i32
      %dma_start3A_152 = arith.constant 1 : i32
      %dma_start3A_153 = arith.constant 0 : i32
      %dma_start3A_154 = arith.constant 0 : i32
      %dma_start3A_155 = tpu.memref_slice %arg6[%dma_start3A_152, %dma_start3A_153, %dma_start3A_154] : memref<2x128x96xf32, #tpu.memory_space<vmem>> -> memref<1x128x96xf32, #tpu.memory_space<vmem>>
      %dma_start3A_156 = tpu.memref_squeeze %dma_start3A_155 : memref<1x128x96xf32, #tpu.memory_space<vmem>> -> memref<128x96xf32, #tpu.memory_space<vmem>>
      %dma_start3A_157 = arith.constant 0 : i32
      %dma_start3A_158 = tpu.memref_slice %arg5[%dma_start3A_151, %dma_start3A_157] : memref<2x128xi32, #tpu.memory_space<vmem>> -> memref<1x128xi32, #tpu.memory_space<vmem>>
      %dma_start3A_159 = tpu.memref_squeeze %dma_start3A_158 : memref<1x128xi32, #tpu.memory_space<vmem>> -> memref<128xi32, #tpu.memory_space<vmem>>
      %dma_start3A_160 = arith.constant 0 : i32
      %dma_start3A_161 = arith.constant 0 : i32
      %dma_start3A_162 = tpu.memref_slice %arg2[%dma_start3A_160, %dma_start3A_161] : memref<16384x96xf32, #tpu.memory_space<hbm>> -> memref<16384x96xf32, #tpu.memory_space<hbm>>
      tpu.enqueue_indirect_dma source(%dma_start3A_162 : memref<16384x96xf32, #tpu.memory_space<hbm>>) target(%dma_start3A_156 : memref<128x96xf32, #tpu.memory_space<vmem>>) offsets(%dma_start3A_159 : memref<128xi32, #tpu.memory_space<vmem>>) semaphore(%arg8 : memref<!tpu.dma_semaphore, #tpu.memory_space<semaphore_mem>>)
      %add3A_163 = arith.constant 1 : i32
      %add3A_164 = arith.addi %add3A_127, %add3A_163 : i32
      %lt3A_165 = arith.constant 96 : i32
      %lt3A_166 = arith.cmpi slt, %add3A_164, %lt3A_165 : i32
      %convert_element_type3A_167 = arith.extui %lt3A_166 : i1 to i32
      %cond3A_168 = arith.constant 0 : i32
      %cond3A_169 = arith.cmpi ne, %convert_element_type3A_167, %cond3A_168 : i32
      scf.if %cond3A_169 {
        %add3A_195 = arith.constant 1 : i32
        %add3A_196 = arith.addi %add3A_127, %add3A_195 : i32
        %dma_start3A_197 = arith.constant 0 : i32
        %dma_start3A_198 = arith.constant 0 : i32
        %dma_start3A_199 = tpu.memref_slice %arg5[%dma_start3A_197, %dma_start3A_198] : memref<2x128xi32, #tpu.memory_space<vmem>> -> memref<1x128xi32, #tpu.memory_space<vmem>>
        %dma_start3A_200 = tpu.memref_squeeze %dma_start3A_199 : memref<1x128xi32, #tpu.memory_space<vmem>> -> memref<128xi32, #tpu.memory_space<vmem>>
        %dma_start3A_201 = arith.constant 0 : i32
        %dma_start3A_202 = tpu.memref_slice %arg3[%add3A, %add3A_196, %dma_start3A_201] : memref<32x96x128xi32, #tpu.memory_space<hbm>> -> memref<1x1x128xi32, #tpu.memory_space<hbm>>
        %dma_start3A_203 = tpu.memref_squeeze %dma_start3A_202 : memref<1x1x128xi32, #tpu.memory_space<hbm>> -> memref<128xi32, #tpu.memory_space<hbm>>
        %dma_start3A_204 = arith.constant 0 : i32
        %dma_start3A_205 = tpu.memref_slice %arg5[%dma_start3A_197, %dma_start3A_204] : memref<2x128xi32, #tpu.memory_space<vmem>> -> memref<1x128xi32, #tpu.memory_space<vmem>>
        %dma_start3A_206 = tpu.memref_squeeze %dma_start3A_205 : memref<1x128xi32, #tpu.memory_space<vmem>> -> memref<128xi32, #tpu.memory_space<vmem>>
        %dma_start3A_207 = arith.constant 0 : i32
        %dma_start3A_208 = tpu.memref_slice %arg3[%add3A, %add3A_196, %dma_start3A_207] : memref<32x96x128xi32, #tpu.memory_space<hbm>> -> memref<1x1x128xi32, #tpu.memory_space<hbm>>
        %dma_start3A_209 = tpu.memref_squeeze %dma_start3A_208 : memref<1x1x128xi32, #tpu.memory_space<hbm>> -> memref<128xi32, #tpu.memory_space<hbm>>
        tpu.enqueue_dma source(%dma_start3A_209 : memref<128xi32, #tpu.memory_space<hbm>>) target(%dma_start3A_206 : memref<128xi32, #tpu.memory_space<vmem>>) target_semaphore(%arg7 : memref<!tpu.dma_semaphore, #tpu.memory_space<semaphore_mem>>)
      } else {
      }
      %dma_wait3A_170 = arith.constant 1 : i32
      %dma_wait3A_171 = arith.constant 1 : i32
      %dma_wait3A_172 = arith.constant 0 : i32
      %dma_wait3A_173 = arith.constant 0 : i32
      %dma_wait3A_174 = tpu.memref_slice %arg6[%dma_wait3A_171, %dma_wait3A_172, %dma_wait3A_173] : memref<2x128x96xf32, #tpu.memory_space<vmem>> -> memref<1x128x96xf32, #tpu.memory_space<vmem>>
      %dma_wait3A_175 = tpu.memref_squeeze %dma_wait3A_174 : memref<1x128x96xf32, #tpu.memory_space<vmem>> -> memref<128x96xf32, #tpu.memory_space<vmem>>
      %dma_wait3A_176 = arith.constant 0 : i32
      %dma_wait3A_177 = tpu.memref_slice %arg5[%dma_wait3A_170, %dma_wait3A_176] : memref<2x128xi32, #tpu.memory_space<vmem>> -> memref<1x128xi32, #tpu.memory_space<vmem>>
      %dma_wait3A_178 = tpu.memref_squeeze %dma_wait3A_177 : memref<1x128xi32, #tpu.memory_space<vmem>> -> memref<128xi32, #tpu.memory_space<vmem>>
      %dma_wait3A_179 = arith.constant 0 : i32
      %dma_wait3A_180 = arith.constant 0 : i32
      %dma_wait3A_181 = tpu.memref_slice %arg2[%dma_wait3A_179, %dma_wait3A_180] : memref<16384x96xf32, #tpu.memory_space<hbm>> -> memref<16384x96xf32, #tpu.memory_space<hbm>>
      tpu.wait_indirect_dma semaphore(%arg8 : memref<!tpu.dma_semaphore, #tpu.memory_space<semaphore_mem>>) src(%dma_wait3A_181 : memref<16384x96xf32, #tpu.memory_space<hbm>>) dst(%dma_wait3A_175 : memref<128x96xf32, #tpu.memory_space<vmem>>)
      %dma_start3A_182 = arith.constant 1 : i32
      %dma_start3A_183 = arith.constant 0 : i32
      %dma_start3A_184 = arith.constant 0 : i32
      %dma_start3A_185 = tpu.memref_slice %arg6[%dma_start3A_182, %dma_start3A_183, %dma_start3A_184] : memref<2x128x96xf32, #tpu.memory_space<vmem>> -> memref<1x128x96xf32, #tpu.memory_space<vmem>>
      %dma_start3A_186 = tpu.memref_squeeze %dma_start3A_185 : memref<1x128x96xf32, #tpu.memory_space<vmem>> -> memref<128x96xf32, #tpu.memory_space<vmem>>
      %dma_start3A_187 = arith.constant 0 : i32
      %dma_start3A_188 = tpu.memref_slice %arg4[%mul3A_132, %dma_start3A_187] : memref<393216x96xf32, #tpu.memory_space<hbm>> -> memref<128x96xf32, #tpu.memory_space<hbm>>
      %dma_start3A_189 = arith.constant 0 : i32
      %dma_start3A_190 = tpu.memref_slice %arg4[%mul3A_132, %dma_start3A_189] : memref<393216x96xf32, #tpu.memory_space<hbm>> -> memref<128x96xf32, #tpu.memory_space<hbm>>
      %dma_start3A_191 = arith.constant 0 : i32
      %dma_start3A_192 = arith.constant 0 : i32
      %dma_start3A_193 = tpu.memref_slice %arg6[%dma_start3A_182, %dma_start3A_191, %dma_start3A_192] : memref<2x128x96xf32, #tpu.memory_space<vmem>> -> memref<1x128x96xf32, #tpu.memory_space<vmem>>
      %dma_start3A_194 = tpu.memref_squeeze %dma_start3A_193 : memref<1x128x96xf32, #tpu.memory_space<vmem>> -> memref<128x96xf32, #tpu.memory_space<vmem>>
      tpu.enqueue_dma source(%dma_start3A_194 : memref<128x96xf32, #tpu.memory_space<vmem>>) target(%dma_start3A_190 : memref<128x96xf32, #tpu.memory_space<hbm>>) target_semaphore(%arg9 : memref<!tpu.dma_semaphore, #tpu.memory_space<semaphore_mem>>)
    }
    %scan3A_18 = arith.constant 48 : i32
    %mul3A_19 = arith.constant 96 : i32
    %mul3A_20 = arith.muli %add3A, %mul3A_19 : i32
    %add3A_21 = arith.constant 94 : i32
    %add3A_22 = arith.addi %mul3A_20, %add3A_21 : i32
    %mul3A_23 = arith.constant 128 : i32
    %mul3A_24 = arith.muli %add3A_22, %mul3A_23 : i32
    %dma_wait3A = arith.constant 0 : i32
    %dma_wait3A_25 = arith.constant 0 : i32
    %dma_wait3A_26 = arith.constant 0 : i32
    %dma_wait3A_27 = tpu.memref_slice %arg6[%dma_wait3A, %dma_wait3A_25, %dma_wait3A_26] : memref<2x128x96xf32, #tpu.memory_space<vmem>> -> memref<1x128x96xf32, #tpu.memory_space<vmem>>
    %dma_wait3A_28 = tpu.memref_squeeze %dma_wait3A_27 : memref<1x128x96xf32, #tpu.memory_space<vmem>> -> memref<128x96xf32, #tpu.memory_space<vmem>>
    %dma_wait3A_29 = arith.constant 0 : i32
    %dma_wait3A_30 = tpu.memref_slice %arg4[%mul3A_24, %dma_wait3A_29] : memref<393216x96xf32, #tpu.memory_space<hbm>> -> memref<128x96xf32, #tpu.memory_space<hbm>>
    %dma_wait3A_31 = arith.constant 0 : i32
    %dma_wait3A_32 = tpu.memref_slice %arg4[%mul3A_24, %dma_wait3A_31] : memref<393216x96xf32, #tpu.memory_space<hbm>> -> memref<128x96xf32, #tpu.memory_space<hbm>>
    %dma_wait3A_33 = arith.constant 0 : i32
    %dma_wait3A_34 = arith.constant 0 : i32
    %dma_wait3A_35 = tpu.memref_slice %arg6[%dma_wait3A, %dma_wait3A_33, %dma_wait3A_34] : memref<2x128x96xf32, #tpu.memory_space<vmem>> -> memref<1x128x96xf32, #tpu.memory_space<vmem>>
    %dma_wait3A_36 = tpu.memref_squeeze %dma_wait3A_35 : memref<1x128x96xf32, #tpu.memory_space<vmem>> -> memref<128x96xf32, #tpu.memory_space<vmem>>
    tpu.wait_dma2 semaphore(%arg9 : memref<!tpu.dma_semaphore, #tpu.memory_space<semaphore_mem>>) src(%dma_wait3A_36 : memref<128x96xf32, #tpu.memory_space<vmem>>) dst(%dma_wait3A_32 : memref<128x96xf32, #tpu.memory_space<hbm>>)
    %mul3A_37 = arith.constant 96 : i32
    %mul3A_38 = arith.muli %add3A, %mul3A_37 : i32
    %add3A_39 = arith.constant 95 : i32
    %add3A_40 = arith.addi %mul3A_38, %add3A_39 : i32
    %mul3A_41 = arith.constant 128 : i32
    %mul3A_42 = arith.muli %add3A_40, %mul3A_41 : i32
    %dma_wait3A_43 = arith.constant 1 : i32
    %dma_wait3A_44 = arith.constant 0 : i32
    %dma_wait3A_45 = arith.constant 0 : i32
    %dma_wait3A_46 = tpu.memref_slice %arg6[%dma_wait3A_43, %dma_wait3A_44, %dma_wait3A_45] : memref<2x128x96xf32, #tpu.memory_space<vmem>> -> memref<1x128x96xf32, #tpu.memory_space<vmem>>
    %dma_wait3A_47 = tpu.memref_squeeze %dma_wait3A_46 : memref<1x128x96xf32, #tpu.memory_space<vmem>> -> memref<128x96xf32, #tpu.memory_space<vmem>>
    %dma_wait3A_48 = arith.constant 0 : i32
    %dma_wait3A_49 = tpu.memref_slice %arg4[%mul3A_42, %dma_wait3A_48] : memref<393216x96xf32, #tpu.memory_space<hbm>> -> memref<128x96xf32, #tpu.memory_space<hbm>>
    %dma_wait3A_50 = arith.constant 0 : i32
    %dma_wait3A_51 = tpu.memref_slice %arg4[%mul3A_42, %dma_wait3A_50] : memref<393216x96xf32, #tpu.memory_space<hbm>> -> memref<128x96xf32, #tpu.memory_space<hbm>>
    %dma_wait3A_52 = arith.constant 0 : i32
    %dma_wait3A_53 = arith.constant 0 : i32
    %dma_wait3A_54 = tpu.memref_slice %arg6[%dma_wait3A_43, %dma_wait3A_52, %dma_wait3A_53] : memref<2x128x96xf32, #tpu.memory_space<vmem>> -> memref<1x128x96xf32, #tpu.memory_space<vmem>>
    %dma_wait3A_55 = tpu.memref_squeeze %dma_wait3A_54 : memref<1x128x96xf32, #tpu.memory_space<vmem>> -> memref<128x96xf32, #tpu.memory_space<vmem>>
    tpu.wait_dma2 semaphore(%arg9 : memref<!tpu.dma_semaphore, #tpu.memory_space<semaphore_mem>>) src(%dma_wait3A_55 : memref<128x96xf32, #tpu.memory_space<vmem>>) dst(%dma_wait3A_51 : memref<128x96xf32, #tpu.memory_space<hbm>>)
    return
  }
}

module attributes {stable_mosaic.version = 14 : i64} {
  func.func @_proj_body(%arg0: i32, %arg1: memref<1x4096x32xf32, #tpu.memory_space<vmem>>, %arg2: memref<1x4096x32xf32, #tpu.memory_space<vmem>>, %arg3: memref<32x32xf32, #tpu.memory_space<vmem>>, %arg4: memref<32x64xf32, #tpu.memory_space<vmem>>, %arg5: memref<32x32xf32, #tpu.memory_space<vmem>>, %arg6: memref<32x64xf32, #tpu.memory_space<vmem>>, %arg7: memref<8x96xf32, #tpu.memory_space<vmem>>, %arg8: memref<1x4096x96xf32, #tpu.memory_space<vmem>>, %arg9: memref<1x4096x96xf32, #tpu.memory_space<vmem>>) attributes {dimension_semantics = [#tpu.dimension_semantics<arbitrary>], iteration_bounds = array<i64: 4>, scalar_prefetch = 0 : i64, scratch_operands = 0 : i64, tpu.core_type = #tpu.core_type<tc>, window_params = [{transform_indices = @transform_0, window_bounds = array<i64: 1, 4096, 32>}, {transform_indices = @transform_1, window_bounds = array<i64: 1, 4096, 32>}, {pipeline_mode = #tpu.pipeline_mode<synchronous>, transform_indices = @transform_2, window_bounds = array<i64: 32, 32>}, {pipeline_mode = #tpu.pipeline_mode<synchronous>, transform_indices = @transform_3, window_bounds = array<i64: 32, 64>}, {pipeline_mode = #tpu.pipeline_mode<synchronous>, transform_indices = @transform_4, window_bounds = array<i64: 32, 32>}, {pipeline_mode = #tpu.pipeline_mode<synchronous>, transform_indices = @transform_5, window_bounds = array<i64: 32, 64>}, {pipeline_mode = #tpu.pipeline_mode<synchronous>, transform_indices = @transform_6, window_bounds = array<i64: 8, 96>}, {transform_indices = @transform_7, window_bounds = array<i64: 1, 4096, 96>}, {transform_indices = @transform_8, window_bounds = array<i64: 1, 4096, 96>}]} {
    %get3A = arith.constant 0 : index
    %get3A_0 = arith.constant 0 : index
    %get3A_1 = arith.constant 0 : index
    %get3A_2 = vector.load %arg1[%get3A, %get3A_0, %get3A_1] : memref<1x4096x32xf32, #tpu.memory_space<vmem>>, vector<1x4096x32xf32>
    %get3A_3 = vector.shape_cast %get3A_2 : vector<1x4096x32xf32> to vector<4096x32xf32>
    %get3A_4 = arith.constant 0 : index
    %get3A_5 = arith.constant 0 : index
    %get3A_6 = arith.constant 0 : index
    %get3A_7 = vector.load %arg2[%get3A_4, %get3A_5, %get3A_6] : memref<1x4096x32xf32, #tpu.memory_space<vmem>>, vector<1x4096x32xf32>
    %get3A_8 = vector.shape_cast %get3A_7 : vector<1x4096x32xf32> to vector<4096x32xf32>
    %get3A_9 = arith.constant 0 : index
    %get3A_10 = arith.constant 0 : index
    %get3A_11 = vector.load %arg3[%get3A_9, %get3A_10] : memref<32x32xf32, #tpu.memory_space<vmem>>, vector<32x32xf32>
    %dot_general3A = arith.constant dense<0.000000e+00> : vector<4096x32xf32>
    %dot_general3A_12 = tpu.matmul %get3A_3, %get3A_11, %dot_general3A {dimension_numbers = #tpu.dot_dimension_numbers<[1], [0], [0], [1], [0, 0, 1, 1], [], []>, transpose_lhs_hint = false} : vector<4096x32xf32>, vector<32x32xf32>, vector<4096x32xf32> -> vector<4096x32xf32>
    %get3A_13 = arith.constant 0 : index
    %get3A_14 = arith.constant 0 : index
    %get3A_15 = vector.load %arg4[%get3A_13, %get3A_14] : memref<32x64xf32, #tpu.memory_space<vmem>>, vector<32x64xf32>
    %dot_general3A_16 = arith.constant dense<0.000000e+00> : vector<4096x64xf32>
    %dot_general3A_17 = tpu.matmul %get3A_8, %get3A_15, %dot_general3A_16 {dimension_numbers = #tpu.dot_dimension_numbers<[1], [0], [0], [1], [0, 0, 1, 1], [], []>, transpose_lhs_hint = false} : vector<4096x32xf32>, vector<32x64xf32>, vector<4096x64xf32> -> vector<4096x64xf32>
    %concatenate3A = tpu.concatenate %dot_general3A_12, %dot_general3A_17 in 1 : vector<4096x32xf32>, vector<4096x64xf32> -> vector<4096x96xf32>
    %get3A_18 = arith.constant 0 : index
    %get3A_19 = arith.constant 0 : index
    %get3A_20 = vector.load %arg7[%get3A_18, %get3A_19] : memref<8x96xf32, #tpu.memory_space<vmem>>, vector<1x96xf32>
    %add3A = vector.broadcast %get3A_20 : vector<1x96xf32> to vector<4096x96xf32>
    %add3A_21 = arith.addf %concatenate3A, %add3A : vector<4096x96xf32>
    %swap3A = arith.constant 0 : index
    %swap3A_22 = arith.constant 0 : index
    %swap3A_23 = arith.constant 0 : index
    %swap3A_24 = vector.load %arg8[%swap3A, %swap3A_22, %swap3A_23] : memref<1x4096x96xf32, #tpu.memory_space<vmem>>, vector<1x4096x96xf32>
    %swap3A_25 = vector.shape_cast %swap3A_24 : vector<1x4096x96xf32> to vector<4096x96xf32>
    %swap3A_26 = vector.shape_cast %add3A_21 : vector<4096x96xf32> to vector<1x4096x96xf32>
    tpu.vector_store %arg8[%swap3A, %swap3A_22, %swap3A_23], %swap3A_26 {strides = array<i32>} : memref<1x4096x96xf32, #tpu.memory_space<vmem>>, vector<1x4096x96xf32>,
    %get3A_27 = arith.constant 0 : index
    %get3A_28 = arith.constant 0 : index
    %get3A_29 = vector.load %arg5[%get3A_27, %get3A_28] : memref<32x32xf32, #tpu.memory_space<vmem>>, vector<32x32xf32>
    %dot_general3A_30 = arith.constant dense<0.000000e+00> : vector<4096x32xf32>
    %dot_general3A_31 = tpu.matmul %get3A_3, %get3A_29, %dot_general3A_30 {dimension_numbers = #tpu.dot_dimension_numbers<[1], [0], [0], [1], [0, 0, 1, 1], [], []>, transpose_lhs_hint = false} : vector<4096x32xf32>, vector<32x32xf32>, vector<4096x32xf32> -> vector<4096x32xf32>
    %get3A_32 = arith.constant 0 : index
    %get3A_33 = arith.constant 0 : index
    %get3A_34 = vector.load %arg6[%get3A_32, %get3A_33] : memref<32x64xf32, #tpu.memory_space<vmem>>, vector<32x64xf32>
    %dot_general3A_35 = arith.constant dense<0.000000e+00> : vector<4096x64xf32>
    %dot_general3A_36 = tpu.matmul %get3A_8, %get3A_34, %dot_general3A_35 {dimension_numbers = #tpu.dot_dimension_numbers<[1], [0], [0], [1], [0, 0, 1, 1], [], []>, transpose_lhs_hint = false} : vector<4096x32xf32>, vector<32x64xf32>, vector<4096x64xf32> -> vector<4096x64xf32>
    %concatenate3A_37 = tpu.concatenate %dot_general3A_31, %dot_general3A_36 in 1 : vector<4096x32xf32>, vector<4096x64xf32> -> vector<4096x96xf32>
    %swap3A_38 = arith.constant 0 : index
    %swap3A_39 = arith.constant 0 : index
    %swap3A_40 = arith.constant 0 : index
    %swap3A_41 = vector.load %arg9[%swap3A_38, %swap3A_39, %swap3A_40] : memref<1x4096x96xf32, #tpu.memory_space<vmem>>, vector<1x4096x96xf32>
    %swap3A_42 = vector.shape_cast %swap3A_41 : vector<1x4096x96xf32> to vector<4096x96xf32>
    %swap3A_43 = vector.shape_cast %concatenate3A_37 : vector<4096x96xf32> to vector<1x4096x96xf32>
    tpu.vector_store %arg9[%swap3A_38, %swap3A_39, %swap3A_40], %swap3A_43 {strides = array<i32>} : memref<1x4096x96xf32, #tpu.memory_space<vmem>>, vector<1x4096x96xf32>,
    return
  }
  func.func @transform_0(%arg0: i32) -> (i32, i32, i32) {
    %c0_i32 = arith.constant 0 : i32
    %c0_i32_0 = arith.constant 0 : i32
    %c0_i32_1 = arith.constant 0 : i32
    return %arg0, %c0_i32, %c0_i32_0 : i32, i32, i32
  }
  func.func @transform_1(%arg0: i32) -> (i32, i32, i32) {
    %c0_i32 = arith.constant 0 : i32
    %c0_i32_0 = arith.constant 0 : i32
    %c0_i32_1 = arith.constant 0 : i32
    return %arg0, %c0_i32, %c0_i32_0 : i32, i32, i32
  }
  func.func @transform_2(%arg0: i32) -> (i32, i32) {
    %c0_i32 = arith.constant 0 : i32
    %c0_i32_0 = arith.constant 0 : i32
    %c0_i32_1 = arith.constant 0 : i32
    return %c0_i32, %c0_i32_0 : i32, i32
  }
  func.func @transform_3(%arg0: i32) -> (i32, i32) {
    %c0_i32 = arith.constant 0 : i32
    %c0_i32_0 = arith.constant 0 : i32
    %c0_i32_1 = arith.constant 0 : i32
    return %c0_i32, %c0_i32_0 : i32, i32
  }
  func.func @transform_4(%arg0: i32) -> (i32, i32) {
    %c0_i32 = arith.constant 0 : i32
    %c0_i32_0 = arith.constant 0 : i32
    %c0_i32_1 = arith.constant 0 : i32
    return %c0_i32, %c0_i32_0 : i32, i32
  }
  func.func @transform_5(%arg0: i32) -> (i32, i32) {
    %c0_i32 = arith.constant 0 : i32
    %c0_i32_0 = arith.constant 0 : i32
    %c0_i32_1 = arith.constant 0 : i32
    return %c0_i32, %c0_i32_0 : i32, i32
  }
  func.func @transform_6(%arg0: i32) -> (i32, i32) {
    %c0_i32 = arith.constant 0 : i32
    %c0_i32_0 = arith.constant 0 : i32
    %c0_i32_1 = arith.constant 0 : i32
    return %c0_i32, %c0_i32_0 : i32, i32
  }
  func.func @transform_7(%arg0: i32) -> (i32, i32, i32) {
    %c0_i32 = arith.constant 0 : i32
    %c0_i32_0 = arith.constant 0 : i32
    %c0_i32_1 = arith.constant 0 : i32
    return %arg0, %c0_i32, %c0_i32_0 : i32, i32, i32
  }
  func.func @transform_8(%arg0: i32) -> (i32, i32, i32) {
    %c0_i32 = arith.constant 0 : i32
    %c0_i32_0 = arith.constant 0 : i32
    %c0_i32_1 = arith.constant 0 : i32
    return %arg0, %c0_i32, %c0_i32_0 : i32, i32, i32
  }
}

module attributes {stable_mosaic.version = 14 : i64} {
  func.func @_knn_body(%arg0: i32, %arg1: i32, %arg2: memref<1x256x32xf32, #tpu.memory_space<vmem>>, %arg3: memref<1x32x4096xf32, #tpu.memory_space<vmem>>, %arg4: memref<1x256x24xi32, #tpu.memory_space<vmem>>) attributes {dimension_semantics = [#tpu.dimension_semantics<arbitrary>, #tpu.dimension_semantics<arbitrary>], iteration_bounds = array<i64: 4, 16>, scalar_prefetch = 0 : i64, scratch_operands = 0 : i64, tpu.core_type = #tpu.core_type<tc>, window_params = [{transform_indices = @transform_0, window_bounds = array<i64: 1, 256, 32>}, {transform_indices = @transform_1, window_bounds = array<i64: 1, 32, 4096>}, {transform_indices = @transform_2, window_bounds = array<i64: 1, 256, 24>}]} {
    %get3A = arith.constant 0 : index
    %get3A_0 = arith.constant 0 : index
    %get3A_1 = arith.constant 0 : index
    %get3A_2 = vector.load %arg2[%get3A, %get3A_0, %get3A_1] : memref<1x256x32xf32, #tpu.memory_space<vmem>>, vector<1x256x32xf32>
    %get3A_3 = vector.shape_cast %get3A_2 : vector<1x256x32xf32> to vector<256x32xf32>
    %get3A_4 = arith.constant 0 : index
    %get3A_5 = arith.constant 0 : index
    %get3A_6 = arith.constant 0 : index
    %get3A_7 = vector.load %arg3[%get3A_4, %get3A_5, %get3A_6] : memref<1x32x4096xf32, #tpu.memory_space<vmem>>, vector<1x32x4096xf32>
    %get3A_8 = vector.shape_cast %get3A_7 : vector<1x32x4096xf32> to vector<32x4096xf32>
    %dot_general3A = arith.constant dense<0.000000e+00> : vector<256x4096xf32>
    %dot_general3A_9 = tpu.matmul %get3A_3, %get3A_8, %dot_general3A {dimension_numbers = #tpu.dot_dimension_numbers<[1], [0], [0], [1], [0, 0, 1, 1], [], []>, transpose_lhs_hint = false} : vector<256x32xf32>, vector<32x4096xf32>, vector<256x4096xf32> -> vector<256x4096xf32>
    %mul3A = arith.constant -2.000000e+00 : f32
    %mul3A_10 = vector.broadcast %mul3A : f32 to vector<256x4096xf32>
    %mul3A_11 = arith.mulf %mul3A_10, %dot_general3A_9 : vector<256x4096xf32>
    %mul3A_12 = arith.mulf %get3A_3, %get3A_3 : vector<256x32xf32>
    %reduce_sum3A = arith.constant dense<0.000000e+00> : vector<256xf32>
    %reduce_sum3A_13 = vector.multi_reduction <add>, %mul3A_12, %reduce_sum3A [1] : vector<256x32xf32> to vector<256xf32>
    %broadcast_in_dim3A = vector.shape_cast %reduce_sum3A_13 : vector<256xf32> to vector<256x1xf32>
    %mul3A_14 = arith.mulf %get3A_8, %get3A_8 : vector<32x4096xf32>
    %reduce_sum3A_15 = arith.constant dense<0.000000e+00> : vector<4096xf32>
    %reduce_sum3A_16 = vector.multi_reduction <add>, %mul3A_14, %reduce_sum3A_15 [0] : vector<32x4096xf32> to vector<4096xf32>
    %broadcast_in_dim3A_17 = vector.shape_cast %reduce_sum3A_16 : vector<4096xf32> to vector<1x4096xf32>
    %neg3A = arith.constant 0.000000e+00 : f32
    %neg3A_18 = vector.broadcast %neg3A : f32 to vector<256x1xf32>
    %neg3A_19 = arith.subf %neg3A_18, %broadcast_in_dim3A : vector<256x1xf32>
    %sub3A = vector.broadcast %neg3A_19 : vector<256x1xf32> to vector<256x4096xf32>
    %sub3A_20 = arith.subf %sub3A, %mul3A_11 : vector<256x4096xf32>
    %sub3A_21 = vector.broadcast %broadcast_in_dim3A_17 : vector<1x4096xf32> to vector<256x4096xf32>
    %sub3A_22 = arith.subf %sub3A_20, %sub3A_21 : vector<256x4096xf32>
    %iota3A = tpu.iota {dimensions = array<i32: 1>} : vector<256x4096xi32>
    %convert_element_type3A = arith.sitofp %iota3A : vector<256x4096xi32> to vector<256x4096xf32>
    %iota3A_23 = tpu.iota {dimensions = array<i32: 1>} : vector<256x24xi32>
    %convert_element_type3A_24 = arith.sitofp %iota3A_23 : vector<256x24xi32> to vector<256x24xf32>
    %broadcast_in_dim3A_25 = arith.constant 0.000000e+00 : f32
    %broadcast_in_dim3A_26 = vector.broadcast %broadcast_in_dim3A_25 : f32 to vector<256x24xf32>
    %reduce_max3A = arith.constant dense<0xFF800000> : vector<256xf32>
    %reduce_max3A_27 = vector.multi_reduction <maximumf>, %sub3A_22, %reduce_max3A [1] : vector<256x4096xf32> to vector<256xf32>
    %broadcast_in_dim3A_28 = vector.shape_cast %reduce_max3A_27 : vector<256xf32> to vector<256x1xf32>
    %eq3A = vector.broadcast %broadcast_in_dim3A_28 : vector<256x1xf32> to vector<256x4096xf32>
    %eq3A_29 = arith.cmpf oeq, %sub3A_22, %eq3A : vector<256x4096xf32>
    %jit3A = arith.constant 3.000000e+38 : f32
    %broadcast_in_dim3A_30 = vector.broadcast %jit3A : f32 to vector<256x4096xf32>
    %select_n3A = arith.select %eq3A_29, %convert_element_type3A, %broadcast_in_dim3A_30 : vector<256x4096xi1>, vector<256x4096xf32>
    %reduce_min3A = arith.constant dense<0x7F800000> : vector<256xf32>
    %reduce_min3A_31 = vector.multi_reduction <minimumf>, %select_n3A, %reduce_min3A [1] : vector<256x4096xf32> to vector<256xf32>
    %broadcast_in_dim3A_32 = vector.shape_cast %reduce_min3A_31 : vector<256xf32> to vector<256x1xf32>
    %eq3A_33 = arith.constant 0.000000e+00 : f32
    %eq3A_34 = vector.broadcast %eq3A_33 : f32 to vector<256x24xf32>
    %eq3A_35 = arith.cmpf oeq, %convert_element_type3A_24, %eq3A_34 : vector<256x24xf32>
    %broadcast_in_dim3A_36 = vector.shape_cast %broadcast_in_dim3A_32 : vector<256x1xf32> to vector<256x1xf32>
    %broadcast_in_dim3A_37 = vector.broadcast %broadcast_in_dim3A_36 : vector<256x1xf32> to vector<256x24xf32>
    %select_n3A_38 = arith.select %eq3A_35, %broadcast_in_dim3A_37, %broadcast_in_dim3A_26 : vector<256x24xi1>, vector<256x24xf32>
    %eq3A_39 = vector.broadcast %broadcast_in_dim3A_32 : vector<256x1xf32> to vector<256x4096xf32>
    %eq3A_40 = arith.cmpf oeq, %convert_element_type3A, %eq3A_39 : vector<256x4096xf32>
    %jit3A_41 = arith.constant -3.000000e+38 : f32
    %broadcast_in_dim3A_42 = vector.broadcast %jit3A_41 : f32 to vector<256x4096xf32>
    %select_n3A_43 = arith.select %eq3A_40, %broadcast_in_dim3A_42, %sub3A_22 : vector<256x4096xi1>, vector<256x4096xf32>
    %reduce_max3A_44 = arith.constant dense<0xFF800000> : vector<256xf32>
    %reduce_max3A_45 = vector.multi_reduction <maximumf>, %select_n3A_43, %reduce_max3A_44 [1] : vector<256x4096xf32> to vector<256xf32>
    %broadcast_in_dim3A_46 = vector.shape_cast %reduce_max3A_45 : vector<256xf32> to vector<256x1xf32>
    %eq3A_47 = vector.broadcast %broadcast_in_dim3A_46 : vector<256x1xf32> to vector<256x4096xf32>
    %eq3A_48 = arith.cmpf oeq, %select_n3A_43, %eq3A_47 : vector<256x4096xf32>
    %jit3A_49 = arith.constant 3.000000e+38 : f32
    %broadcast_in_dim3A_50 = vector.broadcast %jit3A_49 : f32 to vector<256x4096xf32>
    %select_n3A_51 = arith.select %eq3A_48, %convert_element_type3A, %broadcast_in_dim3A_50 : vector<256x4096xi1>, vector<256x4096xf32>
    %reduce_min3A_52 = arith.constant dense<0x7F800000> : vector<256xf32>
    %reduce_min3A_53 = vector.multi_reduction <minimumf>, %select_n3A_51, %reduce_min3A_52 [1] : vector<256x4096xf32> to vector<256xf32>
    %broadcast_in_dim3A_54 = vector.shape_cast %reduce_min3A_53 : vector<256xf32> to vector<256x1xf32>
    %eq3A_55 = arith.constant 1.000000e+00 : f32
    %eq3A_56 = vector.broadcast %eq3A_55 : f32 to vector<256x24xf32>
    %eq3A_57 = arith.cmpf oeq, %convert_element_type3A_24, %eq3A_56 : vector<256x24xf32>
    %broadcast_in_dim3A_58 = vector.shape_cast %broadcast_in_dim3A_54 : vector<256x1xf32> to vector<256x1xf32>
    %broadcast_in_dim3A_59 = vector.broadcast %broadcast_in_dim3A_58 : vector<256x1xf32> to vector<256x24xf32>
    %select_n3A_60 = arith.select %eq3A_57, %broadcast_in_dim3A_59, %select_n3A_38 : vector<256x24xi1>, vector<256x24xf32>
    %eq3A_61 = vector.broadcast %broadcast_in_dim3A_54 : vector<256x1xf32> to vector<256x4096xf32>
    %eq3A_62 = arith.cmpf oeq, %convert_element_type3A, %eq3A_61 : vector<256x4096xf32>
    %jit3A_63 = arith.constant -3.000000e+38 : f32
    %broadcast_in_dim3A_64 = vector.broadcast %jit3A_63 : f32 to vector<256x4096xf32>
    %select_n3A_65 = arith.select %eq3A_62, %broadcast_in_dim3A_64, %select_n3A_43 : vector<256x4096xi1>, vector<256x4096xf32>
    %reduce_max3A_66 = arith.constant dense<0xFF800000> : vector<256xf32>
    %reduce_max3A_67 = vector.multi_reduction <maximumf>, %select_n3A_65, %reduce_max3A_66 [1] : vector<256x4096xf32> to vector<256xf32>
    %broadcast_in_dim3A_68 = vector.shape_cast %reduce_max3A_67 : vector<256xf32> to vector<256x1xf32>
    %eq3A_69 = vector.broadcast %broadcast_in_dim3A_68 : vector<256x1xf32> to vector<256x4096xf32>
    %eq3A_70 = arith.cmpf oeq, %select_n3A_65, %eq3A_69 : vector<256x4096xf32>
    %jit3A_71 = arith.constant 3.000000e+38 : f32
    %broadcast_in_dim3A_72 = vector.broadcast %jit3A_71 : f32 to vector<256x4096xf32>
    %select_n3A_73 = arith.select %eq3A_70, %convert_element_type3A, %broadcast_in_dim3A_72 : vector<256x4096xi1>, vector<256x4096xf32>
    %reduce_min3A_74 = arith.constant dense<0x7F800000> : vector<256xf32>
    %reduce_min3A_75 = vector.multi_reduction <minimumf>, %select_n3A_73, %reduce_min3A_74 [1] : vector<256x4096xf32> to vector<256xf32>
    %broadcast_in_dim3A_76 = vector.shape_cast %reduce_min3A_75 : vector<256xf32> to vector<256x1xf32>
    %eq3A_77 = arith.constant 2.000000e+00 : f32
    %eq3A_78 = vector.broadcast %eq3A_77 : f32 to vector<256x24xf32>
    %eq3A_79 = arith.cmpf oeq, %convert_element_type3A_24, %eq3A_78 : vector<256x24xf32>
    %broadcast_in_dim3A_80 = vector.shape_cast %broadcast_in_dim3A_76 : vector<256x1xf32> to vector<256x1xf32>
    %broadcast_in_dim3A_81 = vector.broadcast %broadcast_in_dim3A_80 : vector<256x1xf32> to vector<256x24xf32>
    %select_n3A_82 = arith.select %eq3A_79, %broadcast_in_dim3A_81, %select_n3A_60 : vector<256x24xi1>, vector<256x24xf32>
    %eq3A_83 = vector.broadcast %broadcast_in_dim3A_76 : vector<256x1xf32> to vector<256x4096xf32>
    %eq3A_84 = arith.cmpf oeq, %convert_element_type3A, %eq3A_83 : vector<256x4096xf32>
    %jit3A_85 = arith.constant -3.000000e+38 : f32
    %broadcast_in_dim3A_86 = vector.broadcast %jit3A_85 : f32 to vector<256x4096xf32>
    %select_n3A_87 = arith.select %eq3A_84, %broadcast_in_dim3A_86, %select_n3A_65 : vector<256x4096xi1>, vector<256x4096xf32>
    %reduce_max3A_88 = arith.constant dense<0xFF800000> : vector<256xf32>
    %reduce_max3A_89 = vector.multi_reduction <maximumf>, %select_n3A_87, %reduce_max3A_88 [1] : vector<256x4096xf32> to vector<256xf32>
    %broadcast_in_dim3A_90 = vector.shape_cast %reduce_max3A_89 : vector<256xf32> to vector<256x1xf32>
    %eq3A_91 = vector.broadcast %broadcast_in_dim3A_90 : vector<256x1xf32> to vector<256x4096xf32>
    %eq3A_92 = arith.cmpf oeq, %select_n3A_87, %eq3A_91 : vector<256x4096xf32>
    %jit3A_93 = arith.constant 3.000000e+38 : f32
    %broadcast_in_dim3A_94 = vector.broadcast %jit3A_93 : f32 to vector<256x4096xf32>
    %select_n3A_95 = arith.select %eq3A_92, %convert_element_type3A, %broadcast_in_dim3A_94 : vector<256x4096xi1>, vector<256x4096xf32>
    %reduce_min3A_96 = arith.constant dense<0x7F800000> : vector<256xf32>
    %reduce_min3A_97 = vector.multi_reduction <minimumf>, %select_n3A_95, %reduce_min3A_96 [1] : vector<256x4096xf32> to vector<256xf32>
    %broadcast_in_dim3A_98 = vector.shape_cast %reduce_min3A_97 : vector<256xf32> to vector<256x1xf32>
    %eq3A_99 = arith.constant 3.000000e+00 : f32
    %eq3A_100 = vector.broadcast %eq3A_99 : f32 to vector<256x24xf32>
    %eq3A_101 = arith.cmpf oeq, %convert_element_type3A_24, %eq3A_100 : vector<256x24xf32>
    %broadcast_in_dim3A_102 = vector.shape_cast %broadcast_in_dim3A_98 : vector<256x1xf32> to vector<256x1xf32>
    %broadcast_in_dim3A_103 = vector.broadcast %broadcast_in_dim3A_102 : vector<256x1xf32> to vector<256x24xf32>
    %select_n3A_104 = arith.select %eq3A_101, %broadcast_in_dim3A_103, %select_n3A_82 : vector<256x24xi1>, vector<256x24xf32>
    %eq3A_105 = vector.broadcast %broadcast_in_dim3A_98 : vector<256x1xf32> to vector<256x4096xf32>
    %eq3A_106 = arith.cmpf oeq, %convert_element_type3A, %eq3A_105 : vector<256x4096xf32>
    %jit3A_107 = arith.constant -3.000000e+38 : f32
    %broadcast_in_dim3A_108 = vector.broadcast %jit3A_107 : f32 to vector<256x4096xf32>
    %select_n3A_109 = arith.select %eq3A_106, %broadcast_in_dim3A_108, %select_n3A_87 : vector<256x4096xi1>, vector<256x4096xf32>
    %reduce_max3A_110 = arith.constant dense<0xFF800000> : vector<256xf32>
    %reduce_max3A_111 = vector.multi_reduction <maximumf>, %select_n3A_109, %reduce_max3A_110 [1] : vector<256x4096xf32> to vector<256xf32>
    %broadcast_in_dim3A_112 = vector.shape_cast %reduce_max3A_111 : vector<256xf32> to vector<256x1xf32>
    %eq3A_113 = vector.broadcast %broadcast_in_dim3A_112 : vector<256x1xf32> to vector<256x4096xf32>
    %eq3A_114 = arith.cmpf oeq, %select_n3A_109, %eq3A_113 : vector<256x4096xf32>
    %jit3A_115 = arith.constant 3.000000e+38 : f32
    %broadcast_in_dim3A_116 = vector.broadcast %jit3A_115 : f32 to vector<256x4096xf32>
    %select_n3A_117 = arith.select %eq3A_114, %convert_element_type3A, %broadcast_in_dim3A_116 : vector<256x4096xi1>, vector<256x4096xf32>
    %reduce_min3A_118 = arith.constant dense<0x7F800000> : vector<256xf32>
    %reduce_min3A_119 = vector.multi_reduction <minimumf>, %select_n3A_117, %reduce_min3A_118 [1] : vector<256x4096xf32> to vector<256xf32>
    %broadcast_in_dim3A_120 = vector.shape_cast %reduce_min3A_119 : vector<256xf32> to vector<256x1xf32>
    %eq3A_121 = arith.constant 4.000000e+00 : f32
    %eq3A_122 = vector.broadcast %eq3A_121 : f32 to vector<256x24xf32>
    %eq3A_123 = arith.cmpf oeq, %convert_element_type3A_24, %eq3A_122 : vector<256x24xf32>
    %broadcast_in_dim3A_124 = vector.shape_cast %broadcast_in_dim3A_120 : vector<256x1xf32> to vector<256x1xf32>
    %broadcast_in_dim3A_125 = vector.broadcast %broadcast_in_dim3A_124 : vector<256x1xf32> to vector<256x24xf32>
    %select_n3A_126 = arith.select %eq3A_123, %broadcast_in_dim3A_125, %select_n3A_104 : vector<256x24xi1>, vector<256x24xf32>
    %eq3A_127 = vector.broadcast %broadcast_in_dim3A_120 : vector<256x1xf32> to vector<256x4096xf32>
    %eq3A_128 = arith.cmpf oeq, %convert_element_type3A, %eq3A_127 : vector<256x4096xf32>
    %jit3A_129 = arith.constant -3.000000e+38 : f32
    %broadcast_in_dim3A_130 = vector.broadcast %jit3A_129 : f32 to vector<256x4096xf32>
    %select_n3A_131 = arith.select %eq3A_128, %broadcast_in_dim3A_130, %select_n3A_109 : vector<256x4096xi1>, vector<256x4096xf32>
    %reduce_max3A_132 = arith.constant dense<0xFF800000> : vector<256xf32>
    %reduce_max3A_133 = vector.multi_reduction <maximumf>, %select_n3A_131, %reduce_max3A_132 [1] : vector<256x4096xf32> to vector<256xf32>
    %broadcast_in_dim3A_134 = vector.shape_cast %reduce_max3A_133 : vector<256xf32> to vector<256x1xf32>
    %eq3A_135 = vector.broadcast %broadcast_in_dim3A_134 : vector<256x1xf32> to vector<256x4096xf32>
    %eq3A_136 = arith.cmpf oeq, %select_n3A_131, %eq3A_135 : vector<256x4096xf32>
    %jit3A_137 = arith.constant 3.000000e+38 : f32
    %broadcast_in_dim3A_138 = vector.broadcast %jit3A_137 : f32 to vector<256x4096xf32>
    %select_n3A_139 = arith.select %eq3A_136, %convert_element_type3A, %broadcast_in_dim3A_138 : vector<256x4096xi1>, vector<256x4096xf32>
    %reduce_min3A_140 = arith.constant dense<0x7F800000> : vector<256xf32>
    %reduce_min3A_141 = vector.multi_reduction <minimumf>, %select_n3A_139, %reduce_min3A_140 [1] : vector<256x4096xf32> to vector<256xf32>
    %broadcast_in_dim3A_142 = vector.shape_cast %reduce_min3A_141 : vector<256xf32> to vector<256x1xf32>
    %eq3A_143 = arith.constant 5.000000e+00 : f32
    %eq3A_144 = vector.broadcast %eq3A_143 : f32 to vector<256x24xf32>
    %eq3A_145 = arith.cmpf oeq, %convert_element_type3A_24, %eq3A_144 : vector<256x24xf32>
    %broadcast_in_dim3A_146 = vector.shape_cast %broadcast_in_dim3A_142 : vector<256x1xf32> to vector<256x1xf32>
    %broadcast_in_dim3A_147 = vector.broadcast %broadcast_in_dim3A_146 : vector<256x1xf32> to vector<256x24xf32>
    %select_n3A_148 = arith.select %eq3A_145, %broadcast_in_dim3A_147, %select_n3A_126 : vector<256x24xi1>, vector<256x24xf32>
    %eq3A_149 = vector.broadcast %broadcast_in_dim3A_142 : vector<256x1xf32> to vector<256x4096xf32>
    %eq3A_150 = arith.cmpf oeq, %convert_element_type3A, %eq3A_149 : vector<256x4096xf32>
    %jit3A_151 = arith.constant -3.000000e+38 : f32
    %broadcast_in_dim3A_152 = vector.broadcast %jit3A_151 : f32 to vector<256x4096xf32>
    %select_n3A_153 = arith.select %eq3A_150, %broadcast_in_dim3A_152, %select_n3A_131 : vector<256x4096xi1>, vector<256x4096xf32>
    %reduce_max3A_154 = arith.constant dense<0xFF800000> : vector<256xf32>
    %reduce_max3A_155 = vector.multi_reduction <maximumf>, %select_n3A_153, %reduce_max3A_154 [1] : vector<256x4096xf32> to vector<256xf32>
    %broadcast_in_dim3A_156 = vector.shape_cast %reduce_max3A_155 : vector<256xf32> to vector<256x1xf32>
    %eq3A_157 = vector.broadcast %broadcast_in_dim3A_156 : vector<256x1xf32> to vector<256x4096xf32>
    %eq3A_158 = arith.cmpf oeq, %select_n3A_153, %eq3A_157 : vector<256x4096xf32>
    %jit3A_159 = arith.constant 3.000000e+38 : f32
    %broadcast_in_dim3A_160 = vector.broadcast %jit3A_159 : f32 to vector<256x4096xf32>
    %select_n3A_161 = arith.select %eq3A_158, %convert_element_type3A, %broadcast_in_dim3A_160 : vector<256x4096xi1>, vector<256x4096xf32>
    %reduce_min3A_162 = arith.constant dense<0x7F800000> : vector<256xf32>
    %reduce_min3A_163 = vector.multi_reduction <minimumf>, %select_n3A_161, %reduce_min3A_162 [1] : vector<256x4096xf32> to vector<256xf32>
    %broadcast_in_dim3A_164 = vector.shape_cast %reduce_min3A_163 : vector<256xf32> to vector<256x1xf32>
    %eq3A_165 = arith.constant 6.000000e+00 : f32
    %eq3A_166 = vector.broadcast %eq3A_165 : f32 to vector<256x24xf32>
    %eq3A_167 = arith.cmpf oeq, %convert_element_type3A_24, %eq3A_166 : vector<256x24xf32>
    %broadcast_in_dim3A_168 = vector.shape_cast %broadcast_in_dim3A_164 : vector<256x1xf32> to vector<256x1xf32>
    %broadcast_in_dim3A_169 = vector.broadcast %broadcast_in_dim3A_168 : vector<256x1xf32> to vector<256x24xf32>
    %select_n3A_170 = arith.select %eq3A_167, %broadcast_in_dim3A_169, %select_n3A_148 : vector<256x24xi1>, vector<256x24xf32>
    %eq3A_171 = vector.broadcast %broadcast_in_dim3A_164 : vector<256x1xf32> to vector<256x4096xf32>
    %eq3A_172 = arith.cmpf oeq, %convert_element_type3A, %eq3A_171 : vector<256x4096xf32>
    %jit3A_173 = arith.constant -3.000000e+38 : f32
    %broadcast_in_dim3A_174 = vector.broadcast %jit3A_173 : f32 to vector<256x4096xf32>
    %select_n3A_175 = arith.select %eq3A_172, %broadcast_in_dim3A_174, %select_n3A_153 : vector<256x4096xi1>, vector<256x4096xf32>
    %reduce_max3A_176 = arith.constant dense<0xFF800000> : vector<256xf32>
    %reduce_max3A_177 = vector.multi_reduction <maximumf>, %select_n3A_175, %reduce_max3A_176 [1] : vector<256x4096xf32> to vector<256xf32>
    %broadcast_in_dim3A_178 = vector.shape_cast %reduce_max3A_177 : vector<256xf32> to vector<256x1xf32>
    %eq3A_179 = vector.broadcast %broadcast_in_dim3A_178 : vector<256x1xf32> to vector<256x4096xf32>
    %eq3A_180 = arith.cmpf oeq, %select_n3A_175, %eq3A_179 : vector<256x4096xf32>
    %jit3A_181 = arith.constant 3.000000e+38 : f32
    %broadcast_in_dim3A_182 = vector.broadcast %jit3A_181 : f32 to vector<256x4096xf32>
    %select_n3A_183 = arith.select %eq3A_180, %convert_element_type3A, %broadcast_in_dim3A_182 : vector<256x4096xi1>, vector<256x4096xf32>
    %reduce_min3A_184 = arith.constant dense<0x7F800000> : vector<256xf32>
    %reduce_min3A_185 = vector.multi_reduction <minimumf>, %select_n3A_183, %reduce_min3A_184 [1] : vector<256x4096xf32> to vector<256xf32>
    %broadcast_in_dim3A_186 = vector.shape_cast %reduce_min3A_185 : vector<256xf32> to vector<256x1xf32>
    %eq3A_187 = arith.constant 7.000000e+00 : f32
    %eq3A_188 = vector.broadcast %eq3A_187 : f32 to vector<256x24xf32>
    %eq3A_189 = arith.cmpf oeq, %convert_element_type3A_24, %eq3A_188 : vector<256x24xf32>
    %broadcast_in_dim3A_190 = vector.shape_cast %broadcast_in_dim3A_186 : vector<256x1xf32> to vector<256x1xf32>
    %broadcast_in_dim3A_191 = vector.broadcast %broadcast_in_dim3A_190 : vector<256x1xf32> to vector<256x24xf32>
    %select_n3A_192 = arith.select %eq3A_189, %broadcast_in_dim3A_191, %select_n3A_170 : vector<256x24xi1>, vector<256x24xf32>
    %eq3A_193 = vector.broadcast %broadcast_in_dim3A_186 : vector<256x1xf32> to vector<256x4096xf32>
    %eq3A_194 = arith.cmpf oeq, %convert_element_type3A, %eq3A_193 : vector<256x4096xf32>
    %jit3A_195 = arith.constant -3.000000e+38 : f32
    %broadcast_in_dim3A_196 = vector.broadcast %jit3A_195 : f32 to vector<256x4096xf32>
    %select_n3A_197 = arith.select %eq3A_194, %broadcast_in_dim3A_196, %select_n3A_175 : vector<256x4096xi1>, vector<256x4096xf32>
    %reduce_max3A_198 = arith.constant dense<0xFF800000> : vector<256xf32>
    %reduce_max3A_199 = vector.multi_reduction <maximumf>, %select_n3A_197, %reduce_max3A_198 [1] : vector<256x4096xf32> to vector<256xf32>
    %broadcast_in_dim3A_200 = vector.shape_cast %reduce_max3A_199 : vector<256xf32> to vector<256x1xf32>
    %eq3A_201 = vector.broadcast %broadcast_in_dim3A_200 : vector<256x1xf32> to vector<256x4096xf32>
    %eq3A_202 = arith.cmpf oeq, %select_n3A_197, %eq3A_201 : vector<256x4096xf32>
    %jit3A_203 = arith.constant 3.000000e+38 : f32
    %broadcast_in_dim3A_204 = vector.broadcast %jit3A_203 : f32 to vector<256x4096xf32>
    %select_n3A_205 = arith.select %eq3A_202, %convert_element_type3A, %broadcast_in_dim3A_204 : vector<256x4096xi1>, vector<256x4096xf32>
    %reduce_min3A_206 = arith.constant dense<0x7F800000> : vector<256xf32>
    %reduce_min3A_207 = vector.multi_reduction <minimumf>, %select_n3A_205, %reduce_min3A_206 [1] : vector<256x4096xf32> to vector<256xf32>
    %broadcast_in_dim3A_208 = vector.shape_cast %reduce_min3A_207 : vector<256xf32> to vector<256x1xf32>
    %eq3A_209 = arith.constant 8.000000e+00 : f32
    %eq3A_210 = vector.broadcast %eq3A_209 : f32 to vector<256x24xf32>
    %eq3A_211 = arith.cmpf oeq, %convert_element_type3A_24, %eq3A_210 : vector<256x24xf32>
    %broadcast_in_dim3A_212 = vector.shape_cast %broadcast_in_dim3A_208 : vector<256x1xf32> to vector<256x1xf32>
    %broadcast_in_dim3A_213 = vector.broadcast %broadcast_in_dim3A_212 : vector<256x1xf32> to vector<256x24xf32>
    %select_n3A_214 = arith.select %eq3A_211, %broadcast_in_dim3A_213, %select_n3A_192 : vector<256x24xi1>, vector<256x24xf32>
    %eq3A_215 = vector.broadcast %broadcast_in_dim3A_208 : vector<256x1xf32> to vector<256x4096xf32>
    %eq3A_216 = arith.cmpf oeq, %convert_element_type3A, %eq3A_215 : vector<256x4096xf32>
    %jit3A_217 = arith.constant -3.000000e+38 : f32
    %broadcast_in_dim3A_218 = vector.broadcast %jit3A_217 : f32 to vector<256x4096xf32>
    %select_n3A_219 = arith.select %eq3A_216, %broadcast_in_dim3A_218, %select_n3A_197 : vector<256x4096xi1>, vector<256x4096xf32>
    %reduce_max3A_220 = arith.constant dense<0xFF800000> : vector<256xf32>
    %reduce_max3A_221 = vector.multi_reduction <maximumf>, %select_n3A_219, %reduce_max3A_220 [1] : vector<256x4096xf32> to vector<256xf32>
    %broadcast_in_dim3A_222 = vector.shape_cast %reduce_max3A_221 : vector<256xf32> to vector<256x1xf32>
    %eq3A_223 = vector.broadcast %broadcast_in_dim3A_222 : vector<256x1xf32> to vector<256x4096xf32>
    %eq3A_224 = arith.cmpf oeq, %select_n3A_219, %eq3A_223 : vector<256x4096xf32>
    %jit3A_225 = arith.constant 3.000000e+38 : f32
    %broadcast_in_dim3A_226 = vector.broadcast %jit3A_225 : f32 to vector<256x4096xf32>
    %select_n3A_227 = arith.select %eq3A_224, %convert_element_type3A, %broadcast_in_dim3A_226 : vector<256x4096xi1>, vector<256x4096xf32>
    %reduce_min3A_228 = arith.constant dense<0x7F800000> : vector<256xf32>
    %reduce_min3A_229 = vector.multi_reduction <minimumf>, %select_n3A_227, %reduce_min3A_228 [1] : vector<256x4096xf32> to vector<256xf32>
    %broadcast_in_dim3A_230 = vector.shape_cast %reduce_min3A_229 : vector<256xf32> to vector<256x1xf32>
    %eq3A_231 = arith.constant 9.000000e+00 : f32
    %eq3A_232 = vector.broadcast %eq3A_231 : f32 to vector<256x24xf32>
    %eq3A_233 = arith.cmpf oeq, %convert_element_type3A_24, %eq3A_232 : vector<256x24xf32>
    %broadcast_in_dim3A_234 = vector.shape_cast %broadcast_in_dim3A_230 : vector<256x1xf32> to vector<256x1xf32>
    %broadcast_in_dim3A_235 = vector.broadcast %broadcast_in_dim3A_234 : vector<256x1xf32> to vector<256x24xf32>
    %select_n3A_236 = arith.select %eq3A_233, %broadcast_in_dim3A_235, %select_n3A_214 : vector<256x24xi1>, vector<256x24xf32>
    %eq3A_237 = vector.broadcast %broadcast_in_dim3A_230 : vector<256x1xf32> to vector<256x4096xf32>
    %eq3A_238 = arith.cmpf oeq, %convert_element_type3A, %eq3A_237 : vector<256x4096xf32>
    %jit3A_239 = arith.constant -3.000000e+38 : f32
    %broadcast_in_dim3A_240 = vector.broadcast %jit3A_239 : f32 to vector<256x4096xf32>
    %select_n3A_241 = arith.select %eq3A_238, %broadcast_in_dim3A_240, %select_n3A_219 : vector<256x4096xi1>, vector<256x4096xf32>
    %reduce_max3A_242 = arith.constant dense<0xFF800000> : vector<256xf32>
    %reduce_max3A_243 = vector.multi_reduction <maximumf>, %select_n3A_241, %reduce_max3A_242 [1] : vector<256x4096xf32> to vector<256xf32>
    %broadcast_in_dim3A_244 = vector.shape_cast %reduce_max3A_243 : vector<256xf32> to vector<256x1xf32>
    %eq3A_245 = vector.broadcast %broadcast_in_dim3A_244 : vector<256x1xf32> to vector<256x4096xf32>
    %eq3A_246 = arith.cmpf oeq, %select_n3A_241, %eq3A_245 : vector<256x4096xf32>
    %jit3A_247 = arith.constant 3.000000e+38 : f32
    %broadcast_in_dim3A_248 = vector.broadcast %jit3A_247 : f32 to vector<256x4096xf32>
    %select_n3A_249 = arith.select %eq3A_246, %convert_element_type3A, %broadcast_in_dim3A_248 : vector<256x4096xi1>, vector<256x4096xf32>
    %reduce_min3A_250 = arith.constant dense<0x7F800000> : vector<256xf32>
    %reduce_min3A_251 = vector.multi_reduction <minimumf>, %select_n3A_249, %reduce_min3A_250 [1] : vector<256x4096xf32> to vector<256xf32>
    %broadcast_in_dim3A_252 = vector.shape_cast %reduce_min3A_251 : vector<256xf32> to vector<256x1xf32>
    %eq3A_253 = arith.constant 1.000000e+01 : f32
    %eq3A_254 = vector.broadcast %eq3A_253 : f32 to vector<256x24xf32>
    %eq3A_255 = arith.cmpf oeq, %convert_element_type3A_24, %eq3A_254 : vector<256x24xf32>
    %broadcast_in_dim3A_256 = vector.shape_cast %broadcast_in_dim3A_252 : vector<256x1xf32> to vector<256x1xf32>
    %broadcast_in_dim3A_257 = vector.broadcast %broadcast_in_dim3A_256 : vector<256x1xf32> to vector<256x24xf32>
    %select_n3A_258 = arith.select %eq3A_255, %broadcast_in_dim3A_257, %select_n3A_236 : vector<256x24xi1>, vector<256x24xf32>
    %eq3A_259 = vector.broadcast %broadcast_in_dim3A_252 : vector<256x1xf32> to vector<256x4096xf32>
    %eq3A_260 = arith.cmpf oeq, %convert_element_type3A, %eq3A_259 : vector<256x4096xf32>
    %jit3A_261 = arith.constant -3.000000e+38 : f32
    %broadcast_in_dim3A_262 = vector.broadcast %jit3A_261 : f32 to vector<256x4096xf32>
    %select_n3A_263 = arith.select %eq3A_260, %broadcast_in_dim3A_262, %select_n3A_241 : vector<256x4096xi1>, vector<256x4096xf32>
    %reduce_max3A_264 = arith.constant dense<0xFF800000> : vector<256xf32>
    %reduce_max3A_265 = vector.multi_reduction <maximumf>, %select_n3A_263, %reduce_max3A_264 [1] : vector<256x4096xf32> to vector<256xf32>
    %broadcast_in_dim3A_266 = vector.shape_cast %reduce_max3A_265 : vector<256xf32> to vector<256x1xf32>
    %eq3A_267 = vector.broadcast %broadcast_in_dim3A_266 : vector<256x1xf32> to vector<256x4096xf32>
    %eq3A_268 = arith.cmpf oeq, %select_n3A_263, %eq3A_267 : vector<256x4096xf32>
    %jit3A_269 = arith.constant 3.000000e+38 : f32
    %broadcast_in_dim3A_270 = vector.broadcast %jit3A_269 : f32 to vector<256x4096xf32>
    %select_n3A_271 = arith.select %eq3A_268, %convert_element_type3A, %broadcast_in_dim3A_270 : vector<256x4096xi1>, vector<256x4096xf32>
    %reduce_min3A_272 = arith.constant dense<0x7F800000> : vector<256xf32>
    %reduce_min3A_273 = vector.multi_reduction <minimumf>, %select_n3A_271, %reduce_min3A_272 [1] : vector<256x4096xf32> to vector<256xf32>
    %broadcast_in_dim3A_274 = vector.shape_cast %reduce_min3A_273 : vector<256xf32> to vector<256x1xf32>
    %eq3A_275 = arith.constant 1.100000e+01 : f32
    %eq3A_276 = vector.broadcast %eq3A_275 : f32 to vector<256x24xf32>
    %eq3A_277 = arith.cmpf oeq, %convert_element_type3A_24, %eq3A_276 : vector<256x24xf32>
    %broadcast_in_dim3A_278 = vector.shape_cast %broadcast_in_dim3A_274 : vector<256x1xf32> to vector<256x1xf32>
    %broadcast_in_dim3A_279 = vector.broadcast %broadcast_in_dim3A_278 : vector<256x1xf32> to vector<256x24xf32>
    %select_n3A_280 = arith.select %eq3A_277, %broadcast_in_dim3A_279, %select_n3A_258 : vector<256x24xi1>, vector<256x24xf32>
    %eq3A_281 = vector.broadcast %broadcast_in_dim3A_274 : vector<256x1xf32> to vector<256x4096xf32>
    %eq3A_282 = arith.cmpf oeq, %convert_element_type3A, %eq3A_281 : vector<256x4096xf32>
    %jit3A_283 = arith.constant -3.000000e+38 : f32
    %broadcast_in_dim3A_284 = vector.broadcast %jit3A_283 : f32 to vector<256x4096xf32>
    %select_n3A_285 = arith.select %eq3A_282, %broadcast_in_dim3A_284, %select_n3A_263 : vector<256x4096xi1>, vector<256x4096xf32>
    %reduce_max3A_286 = arith.constant dense<0xFF800000> : vector<256xf32>
    %reduce_max3A_287 = vector.multi_reduction <maximumf>, %select_n3A_285, %reduce_max3A_286 [1] : vector<256x4096xf32> to vector<256xf32>
    %broadcast_in_dim3A_288 = vector.shape_cast %reduce_max3A_287 : vector<256xf32> to vector<256x1xf32>
    %eq3A_289 = vector.broadcast %broadcast_in_dim3A_288 : vector<256x1xf32> to vector<256x4096xf32>
    %eq3A_290 = arith.cmpf oeq, %select_n3A_285, %eq3A_289 : vector<256x4096xf32>
    %jit3A_291 = arith.constant 3.000000e+38 : f32
    %broadcast_in_dim3A_292 = vector.broadcast %jit3A_291 : f32 to vector<256x4096xf32>
    %select_n3A_293 = arith.select %eq3A_290, %convert_element_type3A, %broadcast_in_dim3A_292 : vector<256x4096xi1>, vector<256x4096xf32>
    %reduce_min3A_294 = arith.constant dense<0x7F800000> : vector<256xf32>
    %reduce_min3A_295 = vector.multi_reduction <minimumf>, %select_n3A_293, %reduce_min3A_294 [1] : vector<256x4096xf32> to vector<256xf32>
    %broadcast_in_dim3A_296 = vector.shape_cast %reduce_min3A_295 : vector<256xf32> to vector<256x1xf32>
    %eq3A_297 = arith.constant 1.200000e+01 : f32
    %eq3A_298 = vector.broadcast %eq3A_297 : f32 to vector<256x24xf32>
    %eq3A_299 = arith.cmpf oeq, %convert_element_type3A_24, %eq3A_298 : vector<256x24xf32>
    %broadcast_in_dim3A_300 = vector.shape_cast %broadcast_in_dim3A_296 : vector<256x1xf32> to vector<256x1xf32>
    %broadcast_in_dim3A_301 = vector.broadcast %broadcast_in_dim3A_300 : vector<256x1xf32> to vector<256x24xf32>
    %select_n3A_302 = arith.select %eq3A_299, %broadcast_in_dim3A_301, %select_n3A_280 : vector<256x24xi1>, vector<256x24xf32>
    %eq3A_303 = vector.broadcast %broadcast_in_dim3A_296 : vector<256x1xf32> to vector<256x4096xf32>
    %eq3A_304 = arith.cmpf oeq, %convert_element_type3A, %eq3A_303 : vector<256x4096xf32>
    %jit3A_305 = arith.constant -3.000000e+38 : f32
    %broadcast_in_dim3A_306 = vector.broadcast %jit3A_305 : f32 to vector<256x4096xf32>
    %select_n3A_307 = arith.select %eq3A_304, %broadcast_in_dim3A_306, %select_n3A_285 : vector<256x4096xi1>, vector<256x4096xf32>
    %reduce_max3A_308 = arith.constant dense<0xFF800000> : vector<256xf32>
    %reduce_max3A_309 = vector.multi_reduction <maximumf>, %select_n3A_307, %reduce_max3A_308 [1] : vector<256x4096xf32> to vector<256xf32>
    %broadcast_in_dim3A_310 = vector.shape_cast %reduce_max3A_309 : vector<256xf32> to vector<256x1xf32>
    %eq3A_311 = vector.broadcast %broadcast_in_dim3A_310 : vector<256x1xf32> to vector<256x4096xf32>
    %eq3A_312 = arith.cmpf oeq, %select_n3A_307, %eq3A_311 : vector<256x4096xf32>
    %jit3A_313 = arith.constant 3.000000e+38 : f32
    %broadcast_in_dim3A_314 = vector.broadcast %jit3A_313 : f32 to vector<256x4096xf32>
    %select_n3A_315 = arith.select %eq3A_312, %convert_element_type3A, %broadcast_in_dim3A_314 : vector<256x4096xi1>, vector<256x4096xf32>
    %reduce_min3A_316 = arith.constant dense<0x7F800000> : vector<256xf32>
    %reduce_min3A_317 = vector.multi_reduction <minimumf>, %select_n3A_315, %reduce_min3A_316 [1] : vector<256x4096xf32> to vector<256xf32>
    %broadcast_in_dim3A_318 = vector.shape_cast %reduce_min3A_317 : vector<256xf32> to vector<256x1xf32>
    %eq3A_319 = arith.constant 1.300000e+01 : f32
    %eq3A_320 = vector.broadcast %eq3A_319 : f32 to vector<256x24xf32>
    %eq3A_321 = arith.cmpf oeq, %convert_element_type3A_24, %eq3A_320 : vector<256x24xf32>
    %broadcast_in_dim3A_322 = vector.shape_cast %broadcast_in_dim3A_318 : vector<256x1xf32> to vector<256x1xf32>
    %broadcast_in_dim3A_323 = vector.broadcast %broadcast_in_dim3A_322 : vector<256x1xf32> to vector<256x24xf32>
    %select_n3A_324 = arith.select %eq3A_321, %broadcast_in_dim3A_323, %select_n3A_302 : vector<256x24xi1>, vector<256x24xf32>
    %eq3A_325 = vector.broadcast %broadcast_in_dim3A_318 : vector<256x1xf32> to vector<256x4096xf32>
    %eq3A_326 = arith.cmpf oeq, %convert_element_type3A, %eq3A_325 : vector<256x4096xf32>
    %jit3A_327 = arith.constant -3.000000e+38 : f32
    %broadcast_in_dim3A_328 = vector.broadcast %jit3A_327 : f32 to vector<256x4096xf32>
    %select_n3A_329 = arith.select %eq3A_326, %broadcast_in_dim3A_328, %select_n3A_307 : vector<256x4096xi1>, vector<256x4096xf32>
    %reduce_max3A_330 = arith.constant dense<0xFF800000> : vector<256xf32>
    %reduce_max3A_331 = vector.multi_reduction <maximumf>, %select_n3A_329, %reduce_max3A_330 [1] : vector<256x4096xf32> to vector<256xf32>
    %broadcast_in_dim3A_332 = vector.shape_cast %reduce_max3A_331 : vector<256xf32> to vector<256x1xf32>
    %eq3A_333 = vector.broadcast %broadcast_in_dim3A_332 : vector<256x1xf32> to vector<256x4096xf32>
    %eq3A_334 = arith.cmpf oeq, %select_n3A_329, %eq3A_333 : vector<256x4096xf32>
    %jit3A_335 = arith.constant 3.000000e+38 : f32
    %broadcast_in_dim3A_336 = vector.broadcast %jit3A_335 : f32 to vector<256x4096xf32>
    %select_n3A_337 = arith.select %eq3A_334, %convert_element_type3A, %broadcast_in_dim3A_336 : vector<256x4096xi1>, vector<256x4096xf32>
    %reduce_min3A_338 = arith.constant dense<0x7F800000> : vector<256xf32>
    %reduce_min3A_339 = vector.multi_reduction <minimumf>, %select_n3A_337, %reduce_min3A_338 [1] : vector<256x4096xf32> to vector<256xf32>
    %broadcast_in_dim3A_340 = vector.shape_cast %reduce_min3A_339 : vector<256xf32> to vector<256x1xf32>
    %eq3A_341 = arith.constant 1.400000e+01 : f32
    %eq3A_342 = vector.broadcast %eq3A_341 : f32 to vector<256x24xf32>
    %eq3A_343 = arith.cmpf oeq, %convert_element_type3A_24, %eq3A_342 : vector<256x24xf32>
    %broadcast_in_dim3A_344 = vector.shape_cast %broadcast_in_dim3A_340 : vector<256x1xf32> to vector<256x1xf32>
    %broadcast_in_dim3A_345 = vector.broadcast %broadcast_in_dim3A_344 : vector<256x1xf32> to vector<256x24xf32>
    %select_n3A_346 = arith.select %eq3A_343, %broadcast_in_dim3A_345, %select_n3A_324 : vector<256x24xi1>, vector<256x24xf32>
    %eq3A_347 = vector.broadcast %broadcast_in_dim3A_340 : vector<256x1xf32> to vector<256x4096xf32>
    %eq3A_348 = arith.cmpf oeq, %convert_element_type3A, %eq3A_347 : vector<256x4096xf32>
    %jit3A_349 = arith.constant -3.000000e+38 : f32
    %broadcast_in_dim3A_350 = vector.broadcast %jit3A_349 : f32 to vector<256x4096xf32>
    %select_n3A_351 = arith.select %eq3A_348, %broadcast_in_dim3A_350, %select_n3A_329 : vector<256x4096xi1>, vector<256x4096xf32>
    %reduce_max3A_352 = arith.constant dense<0xFF800000> : vector<256xf32>
    %reduce_max3A_353 = vector.multi_reduction <maximumf>, %select_n3A_351, %reduce_max3A_352 [1] : vector<256x4096xf32> to vector<256xf32>
    %broadcast_in_dim3A_354 = vector.shape_cast %reduce_max3A_353 : vector<256xf32> to vector<256x1xf32>
    %eq3A_355 = vector.broadcast %broadcast_in_dim3A_354 : vector<256x1xf32> to vector<256x4096xf32>
    %eq3A_356 = arith.cmpf oeq, %select_n3A_351, %eq3A_355 : vector<256x4096xf32>
    %jit3A_357 = arith.constant 3.000000e+38 : f32
    %broadcast_in_dim3A_358 = vector.broadcast %jit3A_357 : f32 to vector<256x4096xf32>
    %select_n3A_359 = arith.select %eq3A_356, %convert_element_type3A, %broadcast_in_dim3A_358 : vector<256x4096xi1>, vector<256x4096xf32>
    %reduce_min3A_360 = arith.constant dense<0x7F800000> : vector<256xf32>
    %reduce_min3A_361 = vector.multi_reduction <minimumf>, %select_n3A_359, %reduce_min3A_360 [1] : vector<256x4096xf32> to vector<256xf32>
    %broadcast_in_dim3A_362 = vector.shape_cast %reduce_min3A_361 : vector<256xf32> to vector<256x1xf32>
    %eq3A_363 = arith.constant 1.500000e+01 : f32
    %eq3A_364 = vector.broadcast %eq3A_363 : f32 to vector<256x24xf32>
    %eq3A_365 = arith.cmpf oeq, %convert_element_type3A_24, %eq3A_364 : vector<256x24xf32>
    %broadcast_in_dim3A_366 = vector.shape_cast %broadcast_in_dim3A_362 : vector<256x1xf32> to vector<256x1xf32>
    %broadcast_in_dim3A_367 = vector.broadcast %broadcast_in_dim3A_366 : vector<256x1xf32> to vector<256x24xf32>
    %select_n3A_368 = arith.select %eq3A_365, %broadcast_in_dim3A_367, %select_n3A_346 : vector<256x24xi1>, vector<256x24xf32>
    %eq3A_369 = vector.broadcast %broadcast_in_dim3A_362 : vector<256x1xf32> to vector<256x4096xf32>
    %eq3A_370 = arith.cmpf oeq, %convert_element_type3A, %eq3A_369 : vector<256x4096xf32>
    %jit3A_371 = arith.constant -3.000000e+38 : f32
    %broadcast_in_dim3A_372 = vector.broadcast %jit3A_371 : f32 to vector<256x4096xf32>
    %select_n3A_373 = arith.select %eq3A_370, %broadcast_in_dim3A_372, %select_n3A_351 : vector<256x4096xi1>, vector<256x4096xf32>
    %reduce_max3A_374 = arith.constant dense<0xFF800000> : vector<256xf32>
    %reduce_max3A_375 = vector.multi_reduction <maximumf>, %select_n3A_373, %reduce_max3A_374 [1] : vector<256x4096xf32> to vector<256xf32>
    %broadcast_in_dim3A_376 = vector.shape_cast %reduce_max3A_375 : vector<256xf32> to vector<256x1xf32>
    %eq3A_377 = vector.broadcast %broadcast_in_dim3A_376 : vector<256x1xf32> to vector<256x4096xf32>
    %eq3A_378 = arith.cmpf oeq, %select_n3A_373, %eq3A_377 : vector<256x4096xf32>
    %jit3A_379 = arith.constant 3.000000e+38 : f32
    %broadcast_in_dim3A_380 = vector.broadcast %jit3A_379 : f32 to vector<256x4096xf32>
    %select_n3A_381 = arith.select %eq3A_378, %convert_element_type3A, %broadcast_in_dim3A_380 : vector<256x4096xi1>, vector<256x4096xf32>
    %reduce_min3A_382 = arith.constant dense<0x7F800000> : vector<256xf32>
    %reduce_min3A_383 = vector.multi_reduction <minimumf>, %select_n3A_381, %reduce_min3A_382 [1] : vector<256x4096xf32> to vector<256xf32>
    %broadcast_in_dim3A_384 = vector.shape_cast %reduce_min3A_383 : vector<256xf32> to vector<256x1xf32>
    %eq3A_385 = arith.constant 1.600000e+01 : f32
    %eq3A_386 = vector.broadcast %eq3A_385 : f32 to vector<256x24xf32>
    %eq3A_387 = arith.cmpf oeq, %convert_element_type3A_24, %eq3A_386 : vector<256x24xf32>
    %broadcast_in_dim3A_388 = vector.shape_cast %broadcast_in_dim3A_384 : vector<256x1xf32> to vector<256x1xf32>
    %broadcast_in_dim3A_389 = vector.broadcast %broadcast_in_dim3A_388 : vector<256x1xf32> to vector<256x24xf32>
    %select_n3A_390 = arith.select %eq3A_387, %broadcast_in_dim3A_389, %select_n3A_368 : vector<256x24xi1>, vector<256x24xf32>
    %eq3A_391 = vector.broadcast %broadcast_in_dim3A_384 : vector<256x1xf32> to vector<256x4096xf32>
    %eq3A_392 = arith.cmpf oeq, %convert_element_type3A, %eq3A_391 : vector<256x4096xf32>
    %jit3A_393 = arith.constant -3.000000e+38 : f32
    %broadcast_in_dim3A_394 = vector.broadcast %jit3A_393 : f32 to vector<256x4096xf32>
    %select_n3A_395 = arith.select %eq3A_392, %broadcast_in_dim3A_394, %select_n3A_373 : vector<256x4096xi1>, vector<256x4096xf32>
    %reduce_max3A_396 = arith.constant dense<0xFF800000> : vector<256xf32>
    %reduce_max3A_397 = vector.multi_reduction <maximumf>, %select_n3A_395, %reduce_max3A_396 [1] : vector<256x4096xf32> to vector<256xf32>
    %broadcast_in_dim3A_398 = vector.shape_cast %reduce_max3A_397 : vector<256xf32> to vector<256x1xf32>
    %eq3A_399 = vector.broadcast %broadcast_in_dim3A_398 : vector<256x1xf32> to vector<256x4096xf32>
    %eq3A_400 = arith.cmpf oeq, %select_n3A_395, %eq3A_399 : vector<256x4096xf32>
    %jit3A_401 = arith.constant 3.000000e+38 : f32
    %broadcast_in_dim3A_402 = vector.broadcast %jit3A_401 : f32 to vector<256x4096xf32>
    %select_n3A_403 = arith.select %eq3A_400, %convert_element_type3A, %broadcast_in_dim3A_402 : vector<256x4096xi1>, vector<256x4096xf32>
    %reduce_min3A_404 = arith.constant dense<0x7F800000> : vector<256xf32>
    %reduce_min3A_405 = vector.multi_reduction <minimumf>, %select_n3A_403, %reduce_min3A_404 [1] : vector<256x4096xf32> to vector<256xf32>
    %broadcast_in_dim3A_406 = vector.shape_cast %reduce_min3A_405 : vector<256xf32> to vector<256x1xf32>
    %eq3A_407 = arith.constant 1.700000e+01 : f32
    %eq3A_408 = vector.broadcast %eq3A_407 : f32 to vector<256x24xf32>
    %eq3A_409 = arith.cmpf oeq, %convert_element_type3A_24, %eq3A_408 : vector<256x24xf32>
    %broadcast_in_dim3A_410 = vector.shape_cast %broadcast_in_dim3A_406 : vector<256x1xf32> to vector<256x1xf32>
    %broadcast_in_dim3A_411 = vector.broadcast %broadcast_in_dim3A_410 : vector<256x1xf32> to vector<256x24xf32>
    %select_n3A_412 = arith.select %eq3A_409, %broadcast_in_dim3A_411, %select_n3A_390 : vector<256x24xi1>, vector<256x24xf32>
    %eq3A_413 = vector.broadcast %broadcast_in_dim3A_406 : vector<256x1xf32> to vector<256x4096xf32>
    %eq3A_414 = arith.cmpf oeq, %convert_element_type3A, %eq3A_413 : vector<256x4096xf32>
    %jit3A_415 = arith.constant -3.000000e+38 : f32
    %broadcast_in_dim3A_416 = vector.broadcast %jit3A_415 : f32 to vector<256x4096xf32>
    %select_n3A_417 = arith.select %eq3A_414, %broadcast_in_dim3A_416, %select_n3A_395 : vector<256x4096xi1>, vector<256x4096xf32>
    %reduce_max3A_418 = arith.constant dense<0xFF800000> : vector<256xf32>
    %reduce_max3A_419 = vector.multi_reduction <maximumf>, %select_n3A_417, %reduce_max3A_418 [1] : vector<256x4096xf32> to vector<256xf32>
    %broadcast_in_dim3A_420 = vector.shape_cast %reduce_max3A_419 : vector<256xf32> to vector<256x1xf32>
    %eq3A_421 = vector.broadcast %broadcast_in_dim3A_420 : vector<256x1xf32> to vector<256x4096xf32>
    %eq3A_422 = arith.cmpf oeq, %select_n3A_417, %eq3A_421 : vector<256x4096xf32>
    %jit3A_423 = arith.constant 3.000000e+38 : f32
    %broadcast_in_dim3A_424 = vector.broadcast %jit3A_423 : f32 to vector<256x4096xf32>
    %select_n3A_425 = arith.select %eq3A_422, %convert_element_type3A, %broadcast_in_dim3A_424 : vector<256x4096xi1>, vector<256x4096xf32>
    %reduce_min3A_426 = arith.constant dense<0x7F800000> : vector<256xf32>
    %reduce_min3A_427 = vector.multi_reduction <minimumf>, %select_n3A_425, %reduce_min3A_426 [1] : vector<256x4096xf32> to vector<256xf32>
    %broadcast_in_dim3A_428 = vector.shape_cast %reduce_min3A_427 : vector<256xf32> to vector<256x1xf32>
    %eq3A_429 = arith.constant 1.800000e+01 : f32
    %eq3A_430 = vector.broadcast %eq3A_429 : f32 to vector<256x24xf32>
    %eq3A_431 = arith.cmpf oeq, %convert_element_type3A_24, %eq3A_430 : vector<256x24xf32>
    %broadcast_in_dim3A_432 = vector.shape_cast %broadcast_in_dim3A_428 : vector<256x1xf32> to vector<256x1xf32>
    %broadcast_in_dim3A_433 = vector.broadcast %broadcast_in_dim3A_432 : vector<256x1xf32> to vector<256x24xf32>
    %select_n3A_434 = arith.select %eq3A_431, %broadcast_in_dim3A_433, %select_n3A_412 : vector<256x24xi1>, vector<256x24xf32>
    %eq3A_435 = vector.broadcast %broadcast_in_dim3A_428 : vector<256x1xf32> to vector<256x4096xf32>
    %eq3A_436 = arith.cmpf oeq, %convert_element_type3A, %eq3A_435 : vector<256x4096xf32>
    %jit3A_437 = arith.constant -3.000000e+38 : f32
    %broadcast_in_dim3A_438 = vector.broadcast %jit3A_437 : f32 to vector<256x4096xf32>
    %select_n3A_439 = arith.select %eq3A_436, %broadcast_in_dim3A_438, %select_n3A_417 : vector<256x4096xi1>, vector<256x4096xf32>
    %reduce_max3A_440 = arith.constant dense<0xFF800000> : vector<256xf32>
    %reduce_max3A_441 = vector.multi_reduction <maximumf>, %select_n3A_439, %reduce_max3A_440 [1] : vector<256x4096xf32> to vector<256xf32>
    %broadcast_in_dim3A_442 = vector.shape_cast %reduce_max3A_441 : vector<256xf32> to vector<256x1xf32>
    %eq3A_443 = vector.broadcast %broadcast_in_dim3A_442 : vector<256x1xf32> to vector<256x4096xf32>
    %eq3A_444 = arith.cmpf oeq, %select_n3A_439, %eq3A_443 : vector<256x4096xf32>
    %jit3A_445 = arith.constant 3.000000e+38 : f32
    %broadcast_in_dim3A_446 = vector.broadcast %jit3A_445 : f32 to vector<256x4096xf32>
    %select_n3A_447 = arith.select %eq3A_444, %convert_element_type3A, %broadcast_in_dim3A_446 : vector<256x4096xi1>, vector<256x4096xf32>
    %reduce_min3A_448 = arith.constant dense<0x7F800000> : vector<256xf32>
    %reduce_min3A_449 = vector.multi_reduction <minimumf>, %select_n3A_447, %reduce_min3A_448 [1] : vector<256x4096xf32> to vector<256xf32>
    %broadcast_in_dim3A_450 = vector.shape_cast %reduce_min3A_449 : vector<256xf32> to vector<256x1xf32>
    %eq3A_451 = arith.constant 1.900000e+01 : f32
    %eq3A_452 = vector.broadcast %eq3A_451 : f32 to vector<256x24xf32>
    %eq3A_453 = arith.cmpf oeq, %convert_element_type3A_24, %eq3A_452 : vector<256x24xf32>
    %broadcast_in_dim3A_454 = vector.shape_cast %broadcast_in_dim3A_450 : vector<256x1xf32> to vector<256x1xf32>
    %broadcast_in_dim3A_455 = vector.broadcast %broadcast_in_dim3A_454 : vector<256x1xf32> to vector<256x24xf32>
    %select_n3A_456 = arith.select %eq3A_453, %broadcast_in_dim3A_455, %select_n3A_434 : vector<256x24xi1>, vector<256x24xf32>
    %eq3A_457 = vector.broadcast %broadcast_in_dim3A_450 : vector<256x1xf32> to vector<256x4096xf32>
    %eq3A_458 = arith.cmpf oeq, %convert_element_type3A, %eq3A_457 : vector<256x4096xf32>
    %jit3A_459 = arith.constant -3.000000e+38 : f32
    %broadcast_in_dim3A_460 = vector.broadcast %jit3A_459 : f32 to vector<256x4096xf32>
    %select_n3A_461 = arith.select %eq3A_458, %broadcast_in_dim3A_460, %select_n3A_439 : vector<256x4096xi1>, vector<256x4096xf32>
    %reduce_max3A_462 = arith.constant dense<0xFF800000> : vector<256xf32>
    %reduce_max3A_463 = vector.multi_reduction <maximumf>, %select_n3A_461, %reduce_max3A_462 [1] : vector<256x4096xf32> to vector<256xf32>
    %broadcast_in_dim3A_464 = vector.shape_cast %reduce_max3A_463 : vector<256xf32> to vector<256x1xf32>
    %eq3A_465 = vector.broadcast %broadcast_in_dim3A_464 : vector<256x1xf32> to vector<256x4096xf32>
    %eq3A_466 = arith.cmpf oeq, %select_n3A_461, %eq3A_465 : vector<256x4096xf32>
    %jit3A_467 = arith.constant 3.000000e+38 : f32
    %broadcast_in_dim3A_468 = vector.broadcast %jit3A_467 : f32 to vector<256x4096xf32>
    %select_n3A_469 = arith.select %eq3A_466, %convert_element_type3A, %broadcast_in_dim3A_468 : vector<256x4096xi1>, vector<256x4096xf32>
    %reduce_min3A_470 = arith.constant dense<0x7F800000> : vector<256xf32>
    %reduce_min3A_471 = vector.multi_reduction <minimumf>, %select_n3A_469, %reduce_min3A_470 [1] : vector<256x4096xf32> to vector<256xf32>
    %broadcast_in_dim3A_472 = vector.shape_cast %reduce_min3A_471 : vector<256xf32> to vector<256x1xf32>
    %eq3A_473 = arith.constant 2.000000e+01 : f32
    %eq3A_474 = vector.broadcast %eq3A_473 : f32 to vector<256x24xf32>
    %eq3A_475 = arith.cmpf oeq, %convert_element_type3A_24, %eq3A_474 : vector<256x24xf32>
    %broadcast_in_dim3A_476 = vector.shape_cast %broadcast_in_dim3A_472 : vector<256x1xf32> to vector<256x1xf32>
    %broadcast_in_dim3A_477 = vector.broadcast %broadcast_in_dim3A_476 : vector<256x1xf32> to vector<256x24xf32>
    %select_n3A_478 = arith.select %eq3A_475, %broadcast_in_dim3A_477, %select_n3A_456 : vector<256x24xi1>, vector<256x24xf32>
    %eq3A_479 = vector.broadcast %broadcast_in_dim3A_472 : vector<256x1xf32> to vector<256x4096xf32>
    %eq3A_480 = arith.cmpf oeq, %convert_element_type3A, %eq3A_479 : vector<256x4096xf32>
    %jit3A_481 = arith.constant -3.000000e+38 : f32
    %broadcast_in_dim3A_482 = vector.broadcast %jit3A_481 : f32 to vector<256x4096xf32>
    %select_n3A_483 = arith.select %eq3A_480, %broadcast_in_dim3A_482, %select_n3A_461 : vector<256x4096xi1>, vector<256x4096xf32>
    %reduce_max3A_484 = arith.constant dense<0xFF800000> : vector<256xf32>
    %reduce_max3A_485 = vector.multi_reduction <maximumf>, %select_n3A_483, %reduce_max3A_484 [1] : vector<256x4096xf32> to vector<256xf32>
    %broadcast_in_dim3A_486 = vector.shape_cast %reduce_max3A_485 : vector<256xf32> to vector<256x1xf32>
    %eq3A_487 = vector.broadcast %broadcast_in_dim3A_486 : vector<256x1xf32> to vector<256x4096xf32>
    %eq3A_488 = arith.cmpf oeq, %select_n3A_483, %eq3A_487 : vector<256x4096xf32>
    %jit3A_489 = arith.constant 3.000000e+38 : f32
    %broadcast_in_dim3A_490 = vector.broadcast %jit3A_489 : f32 to vector<256x4096xf32>
    %select_n3A_491 = arith.select %eq3A_488, %convert_element_type3A, %broadcast_in_dim3A_490 : vector<256x4096xi1>, vector<256x4096xf32>
    %reduce_min3A_492 = arith.constant dense<0x7F800000> : vector<256xf32>
    %reduce_min3A_493 = vector.multi_reduction <minimumf>, %select_n3A_491, %reduce_min3A_492 [1] : vector<256x4096xf32> to vector<256xf32>
    %broadcast_in_dim3A_494 = vector.shape_cast %reduce_min3A_493 : vector<256xf32> to vector<256x1xf32>
    %eq3A_495 = arith.constant 2.100000e+01 : f32
    %eq3A_496 = vector.broadcast %eq3A_495 : f32 to vector<256x24xf32>
    %eq3A_497 = arith.cmpf oeq, %convert_element_type3A_24, %eq3A_496 : vector<256x24xf32>
    %broadcast_in_dim3A_498 = vector.shape_cast %broadcast_in_dim3A_494 : vector<256x1xf32> to vector<256x1xf32>
    %broadcast_in_dim3A_499 = vector.broadcast %broadcast_in_dim3A_498 : vector<256x1xf32> to vector<256x24xf32>
    %select_n3A_500 = arith.select %eq3A_497, %broadcast_in_dim3A_499, %select_n3A_478 : vector<256x24xi1>, vector<256x24xf32>
    %eq3A_501 = vector.broadcast %broadcast_in_dim3A_494 : vector<256x1xf32> to vector<256x4096xf32>
    %eq3A_502 = arith.cmpf oeq, %convert_element_type3A, %eq3A_501 : vector<256x4096xf32>
    %jit3A_503 = arith.constant -3.000000e+38 : f32
    %broadcast_in_dim3A_504 = vector.broadcast %jit3A_503 : f32 to vector<256x4096xf32>
    %select_n3A_505 = arith.select %eq3A_502, %broadcast_in_dim3A_504, %select_n3A_483 : vector<256x4096xi1>, vector<256x4096xf32>
    %reduce_max3A_506 = arith.constant dense<0xFF800000> : vector<256xf32>
    %reduce_max3A_507 = vector.multi_reduction <maximumf>, %select_n3A_505, %reduce_max3A_506 [1] : vector<256x4096xf32> to vector<256xf32>
    %broadcast_in_dim3A_508 = vector.shape_cast %reduce_max3A_507 : vector<256xf32> to vector<256x1xf32>
    %eq3A_509 = vector.broadcast %broadcast_in_dim3A_508 : vector<256x1xf32> to vector<256x4096xf32>
    %eq3A_510 = arith.cmpf oeq, %select_n3A_505, %eq3A_509 : vector<256x4096xf32>
    %jit3A_511 = arith.constant 3.000000e+38 : f32
    %broadcast_in_dim3A_512 = vector.broadcast %jit3A_511 : f32 to vector<256x4096xf32>
    %select_n3A_513 = arith.select %eq3A_510, %convert_element_type3A, %broadcast_in_dim3A_512 : vector<256x4096xi1>, vector<256x4096xf32>
    %reduce_min3A_514 = arith.constant dense<0x7F800000> : vector<256xf32>
    %reduce_min3A_515 = vector.multi_reduction <minimumf>, %select_n3A_513, %reduce_min3A_514 [1] : vector<256x4096xf32> to vector<256xf32>
    %broadcast_in_dim3A_516 = vector.shape_cast %reduce_min3A_515 : vector<256xf32> to vector<256x1xf32>
    %eq3A_517 = arith.constant 2.200000e+01 : f32
    %eq3A_518 = vector.broadcast %eq3A_517 : f32 to vector<256x24xf32>
    %eq3A_519 = arith.cmpf oeq, %convert_element_type3A_24, %eq3A_518 : vector<256x24xf32>
    %broadcast_in_dim3A_520 = vector.shape_cast %broadcast_in_dim3A_516 : vector<256x1xf32> to vector<256x1xf32>
    %broadcast_in_dim3A_521 = vector.broadcast %broadcast_in_dim3A_520 : vector<256x1xf32> to vector<256x24xf32>
    %select_n3A_522 = arith.select %eq3A_519, %broadcast_in_dim3A_521, %select_n3A_500 : vector<256x24xi1>, vector<256x24xf32>
    %eq3A_523 = vector.broadcast %broadcast_in_dim3A_516 : vector<256x1xf32> to vector<256x4096xf32>
    %eq3A_524 = arith.cmpf oeq, %convert_element_type3A, %eq3A_523 : vector<256x4096xf32>
    %jit3A_525 = arith.constant -3.000000e+38 : f32
    %broadcast_in_dim3A_526 = vector.broadcast %jit3A_525 : f32 to vector<256x4096xf32>
    %select_n3A_527 = arith.select %eq3A_524, %broadcast_in_dim3A_526, %select_n3A_505 : vector<256x4096xi1>, vector<256x4096xf32>
    %reduce_max3A_528 = arith.constant dense<0xFF800000> : vector<256xf32>
    %reduce_max3A_529 = vector.multi_reduction <maximumf>, %select_n3A_527, %reduce_max3A_528 [1] : vector<256x4096xf32> to vector<256xf32>
    %broadcast_in_dim3A_530 = vector.shape_cast %reduce_max3A_529 : vector<256xf32> to vector<256x1xf32>
    %eq3A_531 = vector.broadcast %broadcast_in_dim3A_530 : vector<256x1xf32> to vector<256x4096xf32>
    %eq3A_532 = arith.cmpf oeq, %select_n3A_527, %eq3A_531 : vector<256x4096xf32>
    %jit3A_533 = arith.constant 3.000000e+38 : f32
    %broadcast_in_dim3A_534 = vector.broadcast %jit3A_533 : f32 to vector<256x4096xf32>
    %select_n3A_535 = arith.select %eq3A_532, %convert_element_type3A, %broadcast_in_dim3A_534 : vector<256x4096xi1>, vector<256x4096xf32>
    %reduce_min3A_536 = arith.constant dense<0x7F800000> : vector<256xf32>
    %reduce_min3A_537 = vector.multi_reduction <minimumf>, %select_n3A_535, %reduce_min3A_536 [1] : vector<256x4096xf32> to vector<256xf32>
    %broadcast_in_dim3A_538 = vector.shape_cast %reduce_min3A_537 : vector<256xf32> to vector<256x1xf32>
    %eq3A_539 = arith.constant 2.300000e+01 : f32
    %eq3A_540 = vector.broadcast %eq3A_539 : f32 to vector<256x24xf32>
    %eq3A_541 = arith.cmpf oeq, %convert_element_type3A_24, %eq3A_540 : vector<256x24xf32>
    %broadcast_in_dim3A_542 = vector.shape_cast %broadcast_in_dim3A_538 : vector<256x1xf32> to vector<256x1xf32>
    %broadcast_in_dim3A_543 = vector.broadcast %broadcast_in_dim3A_542 : vector<256x1xf32> to vector<256x24xf32>
    %select_n3A_544 = arith.select %eq3A_541, %broadcast_in_dim3A_543, %select_n3A_522 : vector<256x24xi1>, vector<256x24xf32>
    %convert_element_type3A_545 = arith.fptosi %select_n3A_544 : vector<256x24xf32> to vector<256x24xi32>
    %mul3A_546 = arith.constant 4096 : i32
    %mul3A_547 = arith.muli %arg0, %mul3A_546 : i32
    %add3A = vector.broadcast %mul3A_547 : i32 to vector<256x24xi32>
    %add3A_548 = arith.addi %convert_element_type3A_545, %add3A : vector<256x24xi32>
    %swap3A = arith.constant 0 : index
    %swap3A_549 = arith.constant 0 : index
    %swap3A_550 = arith.constant 0 : index
    %swap3A_551 = vector.load %arg4[%swap3A, %swap3A_549, %swap3A_550] : memref<1x256x24xi32, #tpu.memory_space<vmem>>, vector<1x256x24xi32>
    %swap3A_552 = vector.shape_cast %swap3A_551 : vector<1x256x24xi32> to vector<256x24xi32>
    %swap3A_553 = vector.shape_cast %add3A_548 : vector<256x24xi32> to vector<1x256x24xi32>
    tpu.vector_store %arg4[%swap3A, %swap3A_549, %swap3A_550], %swap3A_553 {strides = array<i32>} : memref<1x256x24xi32, #tpu.memory_space<vmem>>, vector<1x256x24xi32>,
    return
  }
  func.func @transform_0(%arg0: i32, %arg1: i32) -> (i32, i32, i32) {
    %c0_i32 = arith.constant 0 : i32
    %c0_i32_0 = arith.constant 0 : i32
    return %arg0, %arg1, %c0_i32 : i32, i32, i32
  }
  func.func @transform_1(%arg0: i32, %arg1: i32) -> (i32, i32, i32) {
    %c0_i32 = arith.constant 0 : i32
    %c0_i32_0 = arith.constant 0 : i32
    %c0_i32_1 = arith.constant 0 : i32
    return %arg0, %c0_i32, %c0_i32_0 : i32, i32, i32
  }
  func.func @transform_2(%arg0: i32, %arg1: i32) -> (i32, i32, i32) {
    %c0_i32 = arith.constant 0 : i32
    %c0_i32_0 = arith.constant 0 : i32
    return %arg0, %arg1, %c0_i32 : i32, i32, i32
  }
}

module attributes {stable_mosaic.version = 14 : i64} {
  func.func @_stats_body(%arg0: i32, %arg1: i32, %arg2: memref<1x2048x96xf32, #tpu.memory_space<vmem>>, %arg3: memref<1x2048x96xf32, #tpu.memory_space<vmem>>, %arg4: memref<2x96xf32, #tpu.memory_space<vmem>>, %arg5: memref<8x96xf32, #tpu.memory_space<vmem>>) attributes {dimension_semantics = [#tpu.dimension_semantics<arbitrary>, #tpu.dimension_semantics<arbitrary>], iteration_bounds = array<i64: 4, 48>, scalar_prefetch = 0 : i64, scratch_operands = 0 : i64, tpu.core_type = #tpu.core_type<tc>, window_params = [{transform_indices = @transform_0, window_bounds = array<i64: 1, 2048, 96>}, {transform_indices = @transform_1, window_bounds = array<i64: 1, 2048, 96>}, {pipeline_mode = #tpu.pipeline_mode<synchronous>, transform_indices = @transform_2, window_bounds = array<i64: 2, 96>}, {pipeline_mode = #tpu.pipeline_mode<synchronous>, transform_indices = @transform_3, window_bounds = array<i64: 8, 96>}]} {
    %get3A = arith.constant 0 : index
    %get3A_0 = arith.constant 0 : index
    %get3A_1 = arith.constant 0 : index
    %get3A_2 = vector.load %arg2[%get3A, %get3A_0, %get3A_1] : memref<1x2048x96xf32, #tpu.memory_space<vmem>>, vector<1x2048x96xf32>
    %get3A_3 = vector.shape_cast %get3A_2 : vector<1x2048x96xf32> to vector<2048x96xf32>
    %get3A_4 = arith.constant 0 : index
    %get3A_5 = arith.constant 0 : index
    %get3A_6 = arith.constant 0 : index
    %get3A_7 = vector.load %arg3[%get3A_4, %get3A_5, %get3A_6] : memref<1x2048x96xf32, #tpu.memory_space<vmem>>, vector<1x2048x96xf32>
    %get3A_8 = vector.shape_cast %get3A_7 : vector<1x2048x96xf32> to vector<2048x96xf32>
    %add3A = arith.addf %get3A_3, %get3A_8 : vector<2048x96xf32>
    %reduce_sum3A = arith.constant dense<0.000000e+00> : vector<96xf32>
    %reduce_sum3A_9 = vector.multi_reduction <add>, %add3A, %reduce_sum3A [0] : vector<2048x96xf32> to vector<96xf32>
    %broadcast_in_dim3A = vector.shape_cast %reduce_sum3A_9 : vector<96xf32> to vector<1x96xf32>
    %mul3A = arith.mulf %add3A, %add3A : vector<2048x96xf32>
    %reduce_sum3A_10 = arith.constant dense<0.000000e+00> : vector<96xf32>
    %reduce_sum3A_11 = vector.multi_reduction <add>, %mul3A, %reduce_sum3A_10 [0] : vector<2048x96xf32> to vector<96xf32>
    %broadcast_in_dim3A_12 = vector.shape_cast %reduce_sum3A_11 : vector<96xf32> to vector<1x96xf32>
    %eq3A = arith.constant 0 : i32
    %eq3A_13 = arith.cmpi eq, %arg0, %eq3A : i32
    %eq3A_14 = arith.constant 0 : i32
    %eq3A_15 = arith.cmpi eq, %arg1, %eq3A_14 : i32
    %and3A = arith.andi %eq3A_13, %eq3A_15 : i1
    %convert_element_type3A = arith.extui %and3A : i1 to i32
    %cond3A = arith.constant 0 : i32
    %cond3A_16 = arith.cmpi ne, %convert_element_type3A, %cond3A : i32
    scf.if %cond3A_16 {
      %broadcast_in_dim3A_38 = arith.constant 0.000000e+00 : f32
      %broadcast_in_dim3A_39 = vector.broadcast %broadcast_in_dim3A_38 : f32 to vector<8x96xf32>
      %swap3A_40 = arith.constant 0 : index
      %swap3A_41 = arith.constant 0 : index
      %swap3A_42 = vector.load %arg5[%swap3A_40, %swap3A_41] : memref<8x96xf32, #tpu.memory_space<vmem>>, vector<8x96xf32>
      tpu.vector_store %arg5[%swap3A_40, %swap3A_41], %broadcast_in_dim3A_39 {strides = array<i32>} : memref<8x96xf32, #tpu.memory_space<vmem>>, vector<8x96xf32>,
    } else {
    }
    %get3A_17 = arith.constant 0 : index
    %get3A_18 = arith.constant 0 : index
    %get3A_19 = vector.load %arg5[%get3A_17, %get3A_18] : memref<8x96xf32, #tpu.memory_space<vmem>>, vector<1x96xf32>
    %add3A_20 = arith.addf %get3A_19, %broadcast_in_dim3A : vector<1x96xf32>
    %swap3A = arith.constant 0 : index
    %swap3A_21 = arith.constant 0 : index
    %swap3A_22 = vector.load %arg5[%swap3A, %swap3A_21] : memref<8x96xf32, #tpu.memory_space<vmem>>, vector<1x96xf32>
    tpu.vector_store %arg5[%swap3A, %swap3A_21], %add3A_20 {strides = array<i32>} : memref<8x96xf32, #tpu.memory_space<vmem>>, vector<1x96xf32>,
    %get3A_23 = arith.constant 1 : index
    %get3A_24 = arith.constant 0 : index
    %get3A_25 = vector.load %arg5[%get3A_23, %get3A_24] : memref<8x96xf32, #tpu.memory_space<vmem>>, vector<1x96xf32>
    %add3A_26 = arith.addf %get3A_25, %broadcast_in_dim3A_12 : vector<1x96xf32>
    %swap3A_27 = arith.constant 1 : index
    %swap3A_28 = arith.constant 0 : index
    %swap3A_29 = vector.load %arg5[%swap3A_27, %swap3A_28] : memref<8x96xf32, #tpu.memory_space<vmem>>, vector<1x96xf32>
    tpu.vector_store %arg5[%swap3A_27, %swap3A_28], %add3A_26 {strides = array<i32>} : memref<8x96xf32, #tpu.memory_space<vmem>>, vector<1x96xf32>,
    %eq3A_30 = arith.constant 3 : i32
    %eq3A_31 = arith.cmpi eq, %arg0, %eq3A_30 : i32
    %eq3A_32 = arith.constant 47 : i32
    %eq3A_33 = arith.cmpi eq, %arg1, %eq3A_32 : i32
    %and3A_34 = arith.andi %eq3A_31, %eq3A_33 : i1
    %convert_element_type3A_35 = arith.extui %and3A_34 : i1 to i32
    %cond3A_36 = arith.constant 0 : i32
    %cond3A_37 = arith.cmpi ne, %convert_element_type3A_35, %cond3A_36 : i32
    scf.if %cond3A_37 {
      %get3A_38 = arith.constant 0 : index
      %get3A_39 = arith.constant 0 : index
      %get3A_40 = vector.load %arg5[%get3A_38, %get3A_39] : memref<8x96xf32, #tpu.memory_space<vmem>>, vector<1x96xf32>
      %mul3A_41 = arith.constant 2.54313159E-6 : f32
      %mul3A_42 = vector.broadcast %mul3A_41 : f32 to vector<1x96xf32>
      %mul3A_43 = arith.mulf %get3A_40, %mul3A_42 : vector<1x96xf32>
      %get3A_44 = arith.constant 1 : index
      %get3A_45 = arith.constant 0 : index
      %get3A_46 = vector.load %arg5[%get3A_44, %get3A_45] : memref<8x96xf32, #tpu.memory_space<vmem>>, vector<1x96xf32>
      %mul3A_47 = arith.constant 2.54313159E-6 : f32
      %mul3A_48 = vector.broadcast %mul3A_47 : f32 to vector<1x96xf32>
      %mul3A_49 = arith.mulf %get3A_46, %mul3A_48 : vector<1x96xf32>
      %mul3A_50 = arith.mulf %mul3A_43, %mul3A_43 : vector<1x96xf32>
      %sub3A = arith.subf %mul3A_49, %mul3A_50 : vector<1x96xf32>
      %get3A_51 = arith.constant 0 : index
      %get3A_52 = arith.constant 0 : index
      %get3A_53 = vector.load %arg4[%get3A_51, %get3A_52] : memref<2x96xf32, #tpu.memory_space<vmem>>, vector<1x96xf32>
      %add3A_54 = arith.constant 9.99999974E-6 : f32
      %add3A_55 = vector.broadcast %add3A_54 : f32 to vector<1x96xf32>
      %add3A_56 = arith.addf %sub3A, %add3A_55 : vector<1x96xf32>
      %sqrt3A = math.sqrt %add3A_56 : vector<1x96xf32>
      %div3A = arith.divf %get3A_53, %sqrt3A : vector<1x96xf32>
      %get3A_57 = arith.constant 1 : index
      %get3A_58 = arith.constant 0 : index
      %get3A_59 = vector.load %arg4[%get3A_57, %get3A_58] : memref<2x96xf32, #tpu.memory_space<vmem>>, vector<1x96xf32>
      %mul3A_60 = arith.mulf %mul3A_43, %div3A : vector<1x96xf32>
      %sub3A_61 = arith.subf %get3A_59, %mul3A_60 : vector<1x96xf32>
      %swap3A_62 = arith.constant 0 : index
      %swap3A_63 = arith.constant 0 : index
      %swap3A_64 = vector.load %arg5[%swap3A_62, %swap3A_63] : memref<8x96xf32, #tpu.memory_space<vmem>>, vector<1x96xf32>
      tpu.vector_store %arg5[%swap3A_62, %swap3A_63], %div3A {strides = array<i32>} : memref<8x96xf32, #tpu.memory_space<vmem>>, vector<1x96xf32>,
      %swap3A_65 = arith.constant 1 : index
      %swap3A_66 = arith.constant 0 : index
      %swap3A_67 = vector.load %arg5[%swap3A_65, %swap3A_66] : memref<8x96xf32, #tpu.memory_space<vmem>>, vector<1x96xf32>
      tpu.vector_store %arg5[%swap3A_65, %swap3A_66], %sub3A_61 {strides = array<i32>} : memref<8x96xf32, #tpu.memory_space<vmem>>, vector<1x96xf32>,
    } else {
    }
    return
  }
  func.func @transform_0(%arg0: i32, %arg1: i32) -> (i32, i32, i32) {
    %jit3A = arith.constant 2 : i32
    %eq3A = arith.constant 0 : i32
    %eq3A_0 = arith.cmpi eq, %jit3A, %eq3A : i32
    %jit3A_1 = arith.constant 1 : i32
    %select_n3A = arith.select %eq3A_0, %jit3A_1, %jit3A : i32
    %rem3A = arith.remsi %arg1, %select_n3A : i32
    %ne3A = arith.constant 0 : i32
    %ne3A_2 = arith.cmpi ne, %rem3A, %ne3A : i32
    %lt3A = arith.constant 0 : i32
    %lt3A_3 = arith.cmpi slt, %rem3A, %lt3A : i32
    %lt3A_4 = arith.constant 0 : i32
    %lt3A_5 = arith.cmpi slt, %select_n3A, %lt3A_4 : i32
    %ne3A_6 = arith.xori %lt3A_3, %lt3A_5 : i1
    %and3A = arith.andi %ne3A_6, %ne3A_2 : i1
    %add3A = arith.addi %rem3A, %select_n3A : i32
    %select_n3A_7 = arith.select %and3A, %add3A, %rem3A : i32
    %c0_i32 = arith.constant 0 : i32
    %c0_i32_8 = arith.constant 0 : i32
    return %arg0, %select_n3A_7, %c0_i32 : i32, i32, i32
  }
  func.func @transform_1(%arg0: i32, %arg1: i32) -> (i32, i32, i32) {
    %c0_i32 = arith.constant 0 : i32
    %c0_i32_0 = arith.constant 0 : i32
    return %arg0, %arg1, %c0_i32 : i32, i32, i32
  }
  func.func @transform_2(%arg0: i32, %arg1: i32) -> (i32, i32) {
    %c0_i32 = arith.constant 0 : i32
    %c0_i32_0 = arith.constant 0 : i32
    %c0_i32_1 = arith.constant 0 : i32
    return %c0_i32, %c0_i32_0 : i32, i32
  }
  func.func @transform_3(%arg0: i32, %arg1: i32) -> (i32, i32) {
    %c0_i32 = arith.constant 0 : i32
    %c0_i32_0 = arith.constant 0 : i32
    %c0_i32_1 = arith.constant 0 : i32
    return %c0_i32, %c0_i32_0 : i32, i32
  }
}

module attributes {stable_mosaic.version = 14 : i64} {
  func.func @_edge_body(%arg0: i32, %arg1: i32, %arg2: memref<1x256x96xf32, #tpu.memory_space<vmem>>, %arg3: memref<1x24x256x96xf32, #tpu.memory_space<vmem>>, %arg4: memref<8x96xf32, #tpu.memory_space<vmem>>, %arg5: memref<1x32x256xf32, #tpu.memory_space<vmem>>, %arg6: memref<1x32x256xf32, #tpu.memory_space<vmem>>) attributes {dimension_semantics = [#tpu.dimension_semantics<arbitrary>, #tpu.dimension_semantics<arbitrary>], iteration_bounds = array<i64: 4, 16>, scalar_prefetch = 0 : i64, scratch_operands = 0 : i64, tpu.core_type = #tpu.core_type<tc>, window_params = [{transform_indices = @transform_0, window_bounds = array<i64: 1, 256, 96>}, {transform_indices = @transform_1, window_bounds = array<i64: 1, 24, 256, 96>}, {pipeline_mode = #tpu.pipeline_mode<synchronous>, transform_indices = @transform_2, window_bounds = array<i64: 8, 96>}, {transform_indices = @transform_3, window_bounds = array<i64: 1, 32, 256>}, {transform_indices = @transform_4, window_bounds = array<i64: 1, 32, 256>}]} {
    %get3A = arith.constant 0 : index
    %get3A_0 = arith.constant 0 : index
    %get3A_1 = vector.load %arg4[%get3A, %get3A_0] : memref<8x96xf32, #tpu.memory_space<vmem>>, vector<1x96xf32>
    %get3A_2 = arith.constant 1 : index
    %get3A_3 = arith.constant 0 : index
    %get3A_4 = vector.load %arg4[%get3A_2, %get3A_3] : memref<8x96xf32, #tpu.memory_space<vmem>>, vector<1x96xf32>
    %get3A_5 = arith.constant 0 : index
    %get3A_6 = arith.constant 0 : index
    %get3A_7 = arith.constant 0 : index
    %get3A_8 = vector.load %arg2[%get3A_5, %get3A_6, %get3A_7] : memref<1x256x96xf32, #tpu.memory_space<vmem>>, vector<1x256x96xf32>
    %get3A_9 = vector.shape_cast %get3A_8 : vector<1x256x96xf32> to vector<256x96xf32>
    %get3A_10 = arith.constant 0 : index
    %get3A_11 = arith.constant 0 : index
    %get3A_12 = arith.constant 0 : index
    %get3A_13 = arith.constant 0 : index
    %get3A_14 = vector.load %arg3[%get3A_10, %get3A_11, %get3A_12, %get3A_13] : memref<1x24x256x96xf32, #tpu.memory_space<vmem>>, vector<1x1x256x96xf32>
    %get3A_15 = vector.shape_cast %get3A_14 : vector<1x1x256x96xf32> to vector<256x96xf32>
    %add3A = arith.addf %get3A_9, %get3A_15 : vector<256x96xf32>
    %mul3A = vector.broadcast %get3A_1 : vector<1x96xf32> to vector<256x96xf32>
    %mul3A_16 = arith.mulf %add3A, %mul3A : vector<256x96xf32>
    %add3A_17 = vector.broadcast %get3A_4 : vector<1x96xf32> to vector<256x96xf32>
    %add3A_18 = arith.addf %mul3A_16, %add3A_17 : vector<256x96xf32>
    %ge3A = arith.constant 0.000000e+00 : f32
    %ge3A_19 = vector.broadcast %ge3A : f32 to vector<256x96xf32>
    %ge3A_20 = arith.cmpf oge, %add3A_18, %ge3A_19 : vector<256x96xf32>
    %mul3A_21 = arith.constant 0.00999999977 : f32
    %mul3A_22 = vector.broadcast %mul3A_21 : f32 to vector<256x96xf32>
    %mul3A_23 = arith.mulf %mul3A_22, %add3A_18 : vector<256x96xf32>
    %select_n3A = arith.select %ge3A_20, %add3A_18, %mul3A_23 : vector<256x96xi1>, vector<256x96xf32>
    %transpose3A = tpu.transpose %select_n3A, [1, 0] : vector<256x96xf32> -> vector<96x256xf32>
    %get3A_24 = arith.constant 0 : index
    %get3A_25 = arith.constant 1 : index
    %get3A_26 = arith.constant 0 : index
    %get3A_27 = arith.constant 0 : index
    %get3A_28 = vector.load %arg3[%get3A_24, %get3A_25, %get3A_26, %get3A_27] : memref<1x24x256x96xf32, #tpu.memory_space<vmem>>, vector<1x1x256x96xf32>
    %get3A_29 = vector.shape_cast %get3A_28 : vector<1x1x256x96xf32> to vector<256x96xf32>
    %add3A_30 = arith.addf %get3A_9, %get3A_29 : vector<256x96xf32>
    %mul3A_31 = vector.broadcast %get3A_1 : vector<1x96xf32> to vector<256x96xf32>
    %mul3A_32 = arith.mulf %add3A_30, %mul3A_31 : vector<256x96xf32>
    %add3A_33 = vector.broadcast %get3A_4 : vector<1x96xf32> to vector<256x96xf32>
    %add3A_34 = arith.addf %mul3A_32, %add3A_33 : vector<256x96xf32>
    %ge3A_35 = arith.constant 0.000000e+00 : f32
    %ge3A_36 = vector.broadcast %ge3A_35 : f32 to vector<256x96xf32>
    %ge3A_37 = arith.cmpf oge, %add3A_34, %ge3A_36 : vector<256x96xf32>
    %mul3A_38 = arith.constant 0.00999999977 : f32
    %mul3A_39 = vector.broadcast %mul3A_38 : f32 to vector<256x96xf32>
    %mul3A_40 = arith.mulf %mul3A_39, %add3A_34 : vector<256x96xf32>
    %select_n3A_41 = arith.select %ge3A_37, %add3A_34, %mul3A_40 : vector<256x96xi1>, vector<256x96xf32>
    %transpose3A_42 = tpu.transpose %select_n3A_41, [1, 0] : vector<256x96xf32> -> vector<96x256xf32>
    %get3A_43 = arith.constant 0 : index
    %get3A_44 = arith.constant 2 : index
    %get3A_45 = arith.constant 0 : index
    %get3A_46 = arith.constant 0 : index
    %get3A_47 = vector.load %arg3[%get3A_43, %get3A_44, %get3A_45, %get3A_46] : memref<1x24x256x96xf32, #tpu.memory_space<vmem>>, vector<1x1x256x96xf32>
    %get3A_48 = vector.shape_cast %get3A_47 : vector<1x1x256x96xf32> to vector<256x96xf32>
    %add3A_49 = arith.addf %get3A_9, %get3A_48 : vector<256x96xf32>
    %mul3A_50 = vector.broadcast %get3A_1 : vector<1x96xf32> to vector<256x96xf32>
    %mul3A_51 = arith.mulf %add3A_49, %mul3A_50 : vector<256x96xf32>
    %add3A_52 = vector.broadcast %get3A_4 : vector<1x96xf32> to vector<256x96xf32>
    %add3A_53 = arith.addf %mul3A_51, %add3A_52 : vector<256x96xf32>
    %ge3A_54 = arith.constant 0.000000e+00 : f32
    %ge3A_55 = vector.broadcast %ge3A_54 : f32 to vector<256x96xf32>
    %ge3A_56 = arith.cmpf oge, %add3A_53, %ge3A_55 : vector<256x96xf32>
    %mul3A_57 = arith.constant 0.00999999977 : f32
    %mul3A_58 = vector.broadcast %mul3A_57 : f32 to vector<256x96xf32>
    %mul3A_59 = arith.mulf %mul3A_58, %add3A_53 : vector<256x96xf32>
    %select_n3A_60 = arith.select %ge3A_56, %add3A_53, %mul3A_59 : vector<256x96xi1>, vector<256x96xf32>
    %transpose3A_61 = tpu.transpose %select_n3A_60, [1, 0] : vector<256x96xf32> -> vector<96x256xf32>
    %get3A_62 = arith.constant 0 : index
    %get3A_63 = arith.constant 3 : index
    %get3A_64 = arith.constant 0 : index
    %get3A_65 = arith.constant 0 : index
    %get3A_66 = vector.load %arg3[%get3A_62, %get3A_63, %get3A_64, %get3A_65] : memref<1x24x256x96xf32, #tpu.memory_space<vmem>>, vector<1x1x256x96xf32>
    %get3A_67 = vector.shape_cast %get3A_66 : vector<1x1x256x96xf32> to vector<256x96xf32>
    %add3A_68 = arith.addf %get3A_9, %get3A_67 : vector<256x96xf32>
    %mul3A_69 = vector.broadcast %get3A_1 : vector<1x96xf32> to vector<256x96xf32>
    %mul3A_70 = arith.mulf %add3A_68, %mul3A_69 : vector<256x96xf32>
    %add3A_71 = vector.broadcast %get3A_4 : vector<1x96xf32> to vector<256x96xf32>
    %add3A_72 = arith.addf %mul3A_70, %add3A_71 : vector<256x96xf32>
    %ge3A_73 = arith.constant 0.000000e+00 : f32
    %ge3A_74 = vector.broadcast %ge3A_73 : f32 to vector<256x96xf32>
    %ge3A_75 = arith.cmpf oge, %add3A_72, %ge3A_74 : vector<256x96xf32>
    %mul3A_76 = arith.constant 0.00999999977 : f32
    %mul3A_77 = vector.broadcast %mul3A_76 : f32 to vector<256x96xf32>
    %mul3A_78 = arith.mulf %mul3A_77, %add3A_72 : vector<256x96xf32>
    %select_n3A_79 = arith.select %ge3A_75, %add3A_72, %mul3A_78 : vector<256x96xi1>, vector<256x96xf32>
    %transpose3A_80 = tpu.transpose %select_n3A_79, [1, 0] : vector<256x96xf32> -> vector<96x256xf32>
    %get3A_81 = arith.constant 0 : index
    %get3A_82 = arith.constant 4 : index
    %get3A_83 = arith.constant 0 : index
    %get3A_84 = arith.constant 0 : index
    %get3A_85 = vector.load %arg3[%get3A_81, %get3A_82, %get3A_83, %get3A_84] : memref<1x24x256x96xf32, #tpu.memory_space<vmem>>, vector<1x1x256x96xf32>
    %get3A_86 = vector.shape_cast %get3A_85 : vector<1x1x256x96xf32> to vector<256x96xf32>
    %add3A_87 = arith.addf %get3A_9, %get3A_86 : vector<256x96xf32>
    %mul3A_88 = vector.broadcast %get3A_1 : vector<1x96xf32> to vector<256x96xf32>
    %mul3A_89 = arith.mulf %add3A_87, %mul3A_88 : vector<256x96xf32>
    %add3A_90 = vector.broadcast %get3A_4 : vector<1x96xf32> to vector<256x96xf32>
    %add3A_91 = arith.addf %mul3A_89, %add3A_90 : vector<256x96xf32>
    %ge3A_92 = arith.constant 0.000000e+00 : f32
    %ge3A_93 = vector.broadcast %ge3A_92 : f32 to vector<256x96xf32>
    %ge3A_94 = arith.cmpf oge, %add3A_91, %ge3A_93 : vector<256x96xf32>
    %mul3A_95 = arith.constant 0.00999999977 : f32
    %mul3A_96 = vector.broadcast %mul3A_95 : f32 to vector<256x96xf32>
    %mul3A_97 = arith.mulf %mul3A_96, %add3A_91 : vector<256x96xf32>
    %select_n3A_98 = arith.select %ge3A_94, %add3A_91, %mul3A_97 : vector<256x96xi1>, vector<256x96xf32>
    %transpose3A_99 = tpu.transpose %select_n3A_98, [1, 0] : vector<256x96xf32> -> vector<96x256xf32>
    %get3A_100 = arith.constant 0 : index
    %get3A_101 = arith.constant 5 : index
    %get3A_102 = arith.constant 0 : index
    %get3A_103 = arith.constant 0 : index
    %get3A_104 = vector.load %arg3[%get3A_100, %get3A_101, %get3A_102, %get3A_103] : memref<1x24x256x96xf32, #tpu.memory_space<vmem>>, vector<1x1x256x96xf32>
    %get3A_105 = vector.shape_cast %get3A_104 : vector<1x1x256x96xf32> to vector<256x96xf32>
    %add3A_106 = arith.addf %get3A_9, %get3A_105 : vector<256x96xf32>
    %mul3A_107 = vector.broadcast %get3A_1 : vector<1x96xf32> to vector<256x96xf32>
    %mul3A_108 = arith.mulf %add3A_106, %mul3A_107 : vector<256x96xf32>
    %add3A_109 = vector.broadcast %get3A_4 : vector<1x96xf32> to vector<256x96xf32>
    %add3A_110 = arith.addf %mul3A_108, %add3A_109 : vector<256x96xf32>
    %ge3A_111 = arith.constant 0.000000e+00 : f32
    %ge3A_112 = vector.broadcast %ge3A_111 : f32 to vector<256x96xf32>
    %ge3A_113 = arith.cmpf oge, %add3A_110, %ge3A_112 : vector<256x96xf32>
    %mul3A_114 = arith.constant 0.00999999977 : f32
    %mul3A_115 = vector.broadcast %mul3A_114 : f32 to vector<256x96xf32>
    %mul3A_116 = arith.mulf %mul3A_115, %add3A_110 : vector<256x96xf32>
    %select_n3A_117 = arith.select %ge3A_113, %add3A_110, %mul3A_116 : vector<256x96xi1>, vector<256x96xf32>
    %transpose3A_118 = tpu.transpose %select_n3A_117, [1, 0] : vector<256x96xf32> -> vector<96x256xf32>
    %get3A_119 = arith.constant 0 : index
    %get3A_120 = arith.constant 6 : index
    %get3A_121 = arith.constant 0 : index
    %get3A_122 = arith.constant 0 : index
    %get3A_123 = vector.load %arg3[%get3A_119, %get3A_120, %get3A_121, %get3A_122] : memref<1x24x256x96xf32, #tpu.memory_space<vmem>>, vector<1x1x256x96xf32>
    %get3A_124 = vector.shape_cast %get3A_123 : vector<1x1x256x96xf32> to vector<256x96xf32>
    %add3A_125 = arith.addf %get3A_9, %get3A_124 : vector<256x96xf32>
    %mul3A_126 = vector.broadcast %get3A_1 : vector<1x96xf32> to vector<256x96xf32>
    %mul3A_127 = arith.mulf %add3A_125, %mul3A_126 : vector<256x96xf32>
    %add3A_128 = vector.broadcast %get3A_4 : vector<1x96xf32> to vector<256x96xf32>
    %add3A_129 = arith.addf %mul3A_127, %add3A_128 : vector<256x96xf32>
    %ge3A_130 = arith.constant 0.000000e+00 : f32
    %ge3A_131 = vector.broadcast %ge3A_130 : f32 to vector<256x96xf32>
    %ge3A_132 = arith.cmpf oge, %add3A_129, %ge3A_131 : vector<256x96xf32>
    %mul3A_133 = arith.constant 0.00999999977 : f32
    %mul3A_134 = vector.broadcast %mul3A_133 : f32 to vector<256x96xf32>
    %mul3A_135 = arith.mulf %mul3A_134, %add3A_129 : vector<256x96xf32>
    %select_n3A_136 = arith.select %ge3A_132, %add3A_129, %mul3A_135 : vector<256x96xi1>, vector<256x96xf32>
    %transpose3A_137 = tpu.transpose %select_n3A_136, [1, 0] : vector<256x96xf32> -> vector<96x256xf32>
    %get3A_138 = arith.constant 0 : index
    %get3A_139 = arith.constant 7 : index
    %get3A_140 = arith.constant 0 : index
    %get3A_141 = arith.constant 0 : index
    %get3A_142 = vector.load %arg3[%get3A_138, %get3A_139, %get3A_140, %get3A_141] : memref<1x24x256x96xf32, #tpu.memory_space<vmem>>, vector<1x1x256x96xf32>
    %get3A_143 = vector.shape_cast %get3A_142 : vector<1x1x256x96xf32> to vector<256x96xf32>
    %add3A_144 = arith.addf %get3A_9, %get3A_143 : vector<256x96xf32>
    %mul3A_145 = vector.broadcast %get3A_1 : vector<1x96xf32> to vector<256x96xf32>
    %mul3A_146 = arith.mulf %add3A_144, %mul3A_145 : vector<256x96xf32>
    %add3A_147 = vector.broadcast %get3A_4 : vector<1x96xf32> to vector<256x96xf32>
    %add3A_148 = arith.addf %mul3A_146, %add3A_147 : vector<256x96xf32>
    %ge3A_149 = arith.constant 0.000000e+00 : f32
    %ge3A_150 = vector.broadcast %ge3A_149 : f32 to vector<256x96xf32>
    %ge3A_151 = arith.cmpf oge, %add3A_148, %ge3A_150 : vector<256x96xf32>
    %mul3A_152 = arith.constant 0.00999999977 : f32
    %mul3A_153 = vector.broadcast %mul3A_152 : f32 to vector<256x96xf32>
    %mul3A_154 = arith.mulf %mul3A_153, %add3A_148 : vector<256x96xf32>
    %select_n3A_155 = arith.select %ge3A_151, %add3A_148, %mul3A_154 : vector<256x96xi1>, vector<256x96xf32>
    %transpose3A_156 = tpu.transpose %select_n3A_155, [1, 0] : vector<256x96xf32> -> vector<96x256xf32>
    %get3A_157 = arith.constant 0 : index
    %get3A_158 = arith.constant 8 : index
    %get3A_159 = arith.constant 0 : index
    %get3A_160 = arith.constant 0 : index
    %get3A_161 = vector.load %arg3[%get3A_157, %get3A_158, %get3A_159, %get3A_160] : memref<1x24x256x96xf32, #tpu.memory_space<vmem>>, vector<1x1x256x96xf32>
    %get3A_162 = vector.shape_cast %get3A_161 : vector<1x1x256x96xf32> to vector<256x96xf32>
    %add3A_163 = arith.addf %get3A_9, %get3A_162 : vector<256x96xf32>
    %mul3A_164 = vector.broadcast %get3A_1 : vector<1x96xf32> to vector<256x96xf32>
    %mul3A_165 = arith.mulf %add3A_163, %mul3A_164 : vector<256x96xf32>
    %add3A_166 = vector.broadcast %get3A_4 : vector<1x96xf32> to vector<256x96xf32>
    %add3A_167 = arith.addf %mul3A_165, %add3A_166 : vector<256x96xf32>
    %ge3A_168 = arith.constant 0.000000e+00 : f32
    %ge3A_169 = vector.broadcast %ge3A_168 : f32 to vector<256x96xf32>
    %ge3A_170 = arith.cmpf oge, %add3A_167, %ge3A_169 : vector<256x96xf32>
    %mul3A_171 = arith.constant 0.00999999977 : f32
    %mul3A_172 = vector.broadcast %mul3A_171 : f32 to vector<256x96xf32>
    %mul3A_173 = arith.mulf %mul3A_172, %add3A_167 : vector<256x96xf32>
    %select_n3A_174 = arith.select %ge3A_170, %add3A_167, %mul3A_173 : vector<256x96xi1>, vector<256x96xf32>
    %transpose3A_175 = tpu.transpose %select_n3A_174, [1, 0] : vector<256x96xf32> -> vector<96x256xf32>
    %get3A_176 = arith.constant 0 : index
    %get3A_177 = arith.constant 9 : index
    %get3A_178 = arith.constant 0 : index
    %get3A_179 = arith.constant 0 : index
    %get3A_180 = vector.load %arg3[%get3A_176, %get3A_177, %get3A_178, %get3A_179] : memref<1x24x256x96xf32, #tpu.memory_space<vmem>>, vector<1x1x256x96xf32>
    %get3A_181 = vector.shape_cast %get3A_180 : vector<1x1x256x96xf32> to vector<256x96xf32>
    %add3A_182 = arith.addf %get3A_9, %get3A_181 : vector<256x96xf32>
    %mul3A_183 = vector.broadcast %get3A_1 : vector<1x96xf32> to vector<256x96xf32>
    %mul3A_184 = arith.mulf %add3A_182, %mul3A_183 : vector<256x96xf32>
    %add3A_185 = vector.broadcast %get3A_4 : vector<1x96xf32> to vector<256x96xf32>
    %add3A_186 = arith.addf %mul3A_184, %add3A_185 : vector<256x96xf32>
    %ge3A_187 = arith.constant 0.000000e+00 : f32
    %ge3A_188 = vector.broadcast %ge3A_187 : f32 to vector<256x96xf32>
    %ge3A_189 = arith.cmpf oge, %add3A_186, %ge3A_188 : vector<256x96xf32>
    %mul3A_190 = arith.constant 0.00999999977 : f32
    %mul3A_191 = vector.broadcast %mul3A_190 : f32 to vector<256x96xf32>
    %mul3A_192 = arith.mulf %mul3A_191, %add3A_186 : vector<256x96xf32>
    %select_n3A_193 = arith.select %ge3A_189, %add3A_186, %mul3A_192 : vector<256x96xi1>, vector<256x96xf32>
    %transpose3A_194 = tpu.transpose %select_n3A_193, [1, 0] : vector<256x96xf32> -> vector<96x256xf32>
    %get3A_195 = arith.constant 0 : index
    %get3A_196 = arith.constant 10 : index
    %get3A_197 = arith.constant 0 : index
    %get3A_198 = arith.constant 0 : index
    %get3A_199 = vector.load %arg3[%get3A_195, %get3A_196, %get3A_197, %get3A_198] : memref<1x24x256x96xf32, #tpu.memory_space<vmem>>, vector<1x1x256x96xf32>
    %get3A_200 = vector.shape_cast %get3A_199 : vector<1x1x256x96xf32> to vector<256x96xf32>
    %add3A_201 = arith.addf %get3A_9, %get3A_200 : vector<256x96xf32>
    %mul3A_202 = vector.broadcast %get3A_1 : vector<1x96xf32> to vector<256x96xf32>
    %mul3A_203 = arith.mulf %add3A_201, %mul3A_202 : vector<256x96xf32>
    %add3A_204 = vector.broadcast %get3A_4 : vector<1x96xf32> to vector<256x96xf32>
    %add3A_205 = arith.addf %mul3A_203, %add3A_204 : vector<256x96xf32>
    %ge3A_206 = arith.constant 0.000000e+00 : f32
    %ge3A_207 = vector.broadcast %ge3A_206 : f32 to vector<256x96xf32>
    %ge3A_208 = arith.cmpf oge, %add3A_205, %ge3A_207 : vector<256x96xf32>
    %mul3A_209 = arith.constant 0.00999999977 : f32
    %mul3A_210 = vector.broadcast %mul3A_209 : f32 to vector<256x96xf32>
    %mul3A_211 = arith.mulf %mul3A_210, %add3A_205 : vector<256x96xf32>
    %select_n3A_212 = arith.select %ge3A_208, %add3A_205, %mul3A_211 : vector<256x96xi1>, vector<256x96xf32>
    %transpose3A_213 = tpu.transpose %select_n3A_212, [1, 0] : vector<256x96xf32> -> vector<96x256xf32>
    %get3A_214 = arith.constant 0 : index
    %get3A_215 = arith.constant 11 : index
    %get3A_216 = arith.constant 0 : index
    %get3A_217 = arith.constant 0 : index
    %get3A_218 = vector.load %arg3[%get3A_214, %get3A_215, %get3A_216, %get3A_217] : memref<1x24x256x96xf32, #tpu.memory_space<vmem>>, vector<1x1x256x96xf32>
    %get3A_219 = vector.shape_cast %get3A_218 : vector<1x1x256x96xf32> to vector<256x96xf32>
    %add3A_220 = arith.addf %get3A_9, %get3A_219 : vector<256x96xf32>
    %mul3A_221 = vector.broadcast %get3A_1 : vector<1x96xf32> to vector<256x96xf32>
    %mul3A_222 = arith.mulf %add3A_220, %mul3A_221 : vector<256x96xf32>
    %add3A_223 = vector.broadcast %get3A_4 : vector<1x96xf32> to vector<256x96xf32>
    %add3A_224 = arith.addf %mul3A_222, %add3A_223 : vector<256x96xf32>
    %ge3A_225 = arith.constant 0.000000e+00 : f32
    %ge3A_226 = vector.broadcast %ge3A_225 : f32 to vector<256x96xf32>
    %ge3A_227 = arith.cmpf oge, %add3A_224, %ge3A_226 : vector<256x96xf32>
    %mul3A_228 = arith.constant 0.00999999977 : f32
    %mul3A_229 = vector.broadcast %mul3A_228 : f32 to vector<256x96xf32>
    %mul3A_230 = arith.mulf %mul3A_229, %add3A_224 : vector<256x96xf32>
    %select_n3A_231 = arith.select %ge3A_227, %add3A_224, %mul3A_230 : vector<256x96xi1>, vector<256x96xf32>
    %transpose3A_232 = tpu.transpose %select_n3A_231, [1, 0] : vector<256x96xf32> -> vector<96x256xf32>
    %get3A_233 = arith.constant 0 : index
    %get3A_234 = arith.constant 12 : index
    %get3A_235 = arith.constant 0 : index
    %get3A_236 = arith.constant 0 : index
    %get3A_237 = vector.load %arg3[%get3A_233, %get3A_234, %get3A_235, %get3A_236] : memref<1x24x256x96xf32, #tpu.memory_space<vmem>>, vector<1x1x256x96xf32>
    %get3A_238 = vector.shape_cast %get3A_237 : vector<1x1x256x96xf32> to vector<256x96xf32>
    %add3A_239 = arith.addf %get3A_9, %get3A_238 : vector<256x96xf32>
    %mul3A_240 = vector.broadcast %get3A_1 : vector<1x96xf32> to vector<256x96xf32>
    %mul3A_241 = arith.mulf %add3A_239, %mul3A_240 : vector<256x96xf32>
    %add3A_242 = vector.broadcast %get3A_4 : vector<1x96xf32> to vector<256x96xf32>
    %add3A_243 = arith.addf %mul3A_241, %add3A_242 : vector<256x96xf32>
    %ge3A_244 = arith.constant 0.000000e+00 : f32
    %ge3A_245 = vector.broadcast %ge3A_244 : f32 to vector<256x96xf32>
    %ge3A_246 = arith.cmpf oge, %add3A_243, %ge3A_245 : vector<256x96xf32>
    %mul3A_247 = arith.constant 0.00999999977 : f32
    %mul3A_248 = vector.broadcast %mul3A_247 : f32 to vector<256x96xf32>
    %mul3A_249 = arith.mulf %mul3A_248, %add3A_243 : vector<256x96xf32>
    %select_n3A_250 = arith.select %ge3A_246, %add3A_243, %mul3A_249 : vector<256x96xi1>, vector<256x96xf32>
    %transpose3A_251 = tpu.transpose %select_n3A_250, [1, 0] : vector<256x96xf32> -> vector<96x256xf32>
    %get3A_252 = arith.constant 0 : index
    %get3A_253 = arith.constant 13 : index
    %get3A_254 = arith.constant 0 : index
    %get3A_255 = arith.constant 0 : index
    %get3A_256 = vector.load %arg3[%get3A_252, %get3A_253, %get3A_254, %get3A_255] : memref<1x24x256x96xf32, #tpu.memory_space<vmem>>, vector<1x1x256x96xf32>
    %get3A_257 = vector.shape_cast %get3A_256 : vector<1x1x256x96xf32> to vector<256x96xf32>
    %add3A_258 = arith.addf %get3A_9, %get3A_257 : vector<256x96xf32>
    %mul3A_259 = vector.broadcast %get3A_1 : vector<1x96xf32> to vector<256x96xf32>
    %mul3A_260 = arith.mulf %add3A_258, %mul3A_259 : vector<256x96xf32>
    %add3A_261 = vector.broadcast %get3A_4 : vector<1x96xf32> to vector<256x96xf32>
    %add3A_262 = arith.addf %mul3A_260, %add3A_261 : vector<256x96xf32>
    %ge3A_263 = arith.constant 0.000000e+00 : f32
    %ge3A_264 = vector.broadcast %ge3A_263 : f32 to vector<256x96xf32>
    %ge3A_265 = arith.cmpf oge, %add3A_262, %ge3A_264 : vector<256x96xf32>
    %mul3A_266 = arith.constant 0.00999999977 : f32
    %mul3A_267 = vector.broadcast %mul3A_266 : f32 to vector<256x96xf32>
    %mul3A_268 = arith.mulf %mul3A_267, %add3A_262 : vector<256x96xf32>
    %select_n3A_269 = arith.select %ge3A_265, %add3A_262, %mul3A_268 : vector<256x96xi1>, vector<256x96xf32>
    %transpose3A_270 = tpu.transpose %select_n3A_269, [1, 0] : vector<256x96xf32> -> vector<96x256xf32>
    %get3A_271 = arith.constant 0 : index
    %get3A_272 = arith.constant 14 : index
    %get3A_273 = arith.constant 0 : index
    %get3A_274 = arith.constant 0 : index
    %get3A_275 = vector.load %arg3[%get3A_271, %get3A_272, %get3A_273, %get3A_274] : memref<1x24x256x96xf32, #tpu.memory_space<vmem>>, vector<1x1x256x96xf32>
    %get3A_276 = vector.shape_cast %get3A_275 : vector<1x1x256x96xf32> to vector<256x96xf32>
    %add3A_277 = arith.addf %get3A_9, %get3A_276 : vector<256x96xf32>
    %mul3A_278 = vector.broadcast %get3A_1 : vector<1x96xf32> to vector<256x96xf32>
    %mul3A_279 = arith.mulf %add3A_277, %mul3A_278 : vector<256x96xf32>
    %add3A_280 = vector.broadcast %get3A_4 : vector<1x96xf32> to vector<256x96xf32>
    %add3A_281 = arith.addf %mul3A_279, %add3A_280 : vector<256x96xf32>
    %ge3A_282 = arith.constant 0.000000e+00 : f32
    %ge3A_283 = vector.broadcast %ge3A_282 : f32 to vector<256x96xf32>
    %ge3A_284 = arith.cmpf oge, %add3A_281, %ge3A_283 : vector<256x96xf32>
    %mul3A_285 = arith.constant 0.00999999977 : f32
    %mul3A_286 = vector.broadcast %mul3A_285 : f32 to vector<256x96xf32>
    %mul3A_287 = arith.mulf %mul3A_286, %add3A_281 : vector<256x96xf32>
    %select_n3A_288 = arith.select %ge3A_284, %add3A_281, %mul3A_287 : vector<256x96xi1>, vector<256x96xf32>
    %transpose3A_289 = tpu.transpose %select_n3A_288, [1, 0] : vector<256x96xf32> -> vector<96x256xf32>
    %get3A_290 = arith.constant 0 : index
    %get3A_291 = arith.constant 15 : index
    %get3A_292 = arith.constant 0 : index
    %get3A_293 = arith.constant 0 : index
    %get3A_294 = vector.load %arg3[%get3A_290, %get3A_291, %get3A_292, %get3A_293] : memref<1x24x256x96xf32, #tpu.memory_space<vmem>>, vector<1x1x256x96xf32>
    %get3A_295 = vector.shape_cast %get3A_294 : vector<1x1x256x96xf32> to vector<256x96xf32>
    %add3A_296 = arith.addf %get3A_9, %get3A_295 : vector<256x96xf32>
    %mul3A_297 = vector.broadcast %get3A_1 : vector<1x96xf32> to vector<256x96xf32>
    %mul3A_298 = arith.mulf %add3A_296, %mul3A_297 : vector<256x96xf32>
    %add3A_299 = vector.broadcast %get3A_4 : vector<1x96xf32> to vector<256x96xf32>
    %add3A_300 = arith.addf %mul3A_298, %add3A_299 : vector<256x96xf32>
    %ge3A_301 = arith.constant 0.000000e+00 : f32
    %ge3A_302 = vector.broadcast %ge3A_301 : f32 to vector<256x96xf32>
    %ge3A_303 = arith.cmpf oge, %add3A_300, %ge3A_302 : vector<256x96xf32>
    %mul3A_304 = arith.constant 0.00999999977 : f32
    %mul3A_305 = vector.broadcast %mul3A_304 : f32 to vector<256x96xf32>
    %mul3A_306 = arith.mulf %mul3A_305, %add3A_300 : vector<256x96xf32>
    %select_n3A_307 = arith.select %ge3A_303, %add3A_300, %mul3A_306 : vector<256x96xi1>, vector<256x96xf32>
    %transpose3A_308 = tpu.transpose %select_n3A_307, [1, 0] : vector<256x96xf32> -> vector<96x256xf32>
    %get3A_309 = arith.constant 0 : index
    %get3A_310 = arith.constant 16 : index
    %get3A_311 = arith.constant 0 : index
    %get3A_312 = arith.constant 0 : index
    %get3A_313 = vector.load %arg3[%get3A_309, %get3A_310, %get3A_311, %get3A_312] : memref<1x24x256x96xf32, #tpu.memory_space<vmem>>, vector<1x1x256x96xf32>
    %get3A_314 = vector.shape_cast %get3A_313 : vector<1x1x256x96xf32> to vector<256x96xf32>
    %add3A_315 = arith.addf %get3A_9, %get3A_314 : vector<256x96xf32>
    %mul3A_316 = vector.broadcast %get3A_1 : vector<1x96xf32> to vector<256x96xf32>
    %mul3A_317 = arith.mulf %add3A_315, %mul3A_316 : vector<256x96xf32>
    %add3A_318 = vector.broadcast %get3A_4 : vector<1x96xf32> to vector<256x96xf32>
    %add3A_319 = arith.addf %mul3A_317, %add3A_318 : vector<256x96xf32>
    %ge3A_320 = arith.constant 0.000000e+00 : f32
    %ge3A_321 = vector.broadcast %ge3A_320 : f32 to vector<256x96xf32>
    %ge3A_322 = arith.cmpf oge, %add3A_319, %ge3A_321 : vector<256x96xf32>
    %mul3A_323 = arith.constant 0.00999999977 : f32
    %mul3A_324 = vector.broadcast %mul3A_323 : f32 to vector<256x96xf32>
    %mul3A_325 = arith.mulf %mul3A_324, %add3A_319 : vector<256x96xf32>
    %select_n3A_326 = arith.select %ge3A_322, %add3A_319, %mul3A_325 : vector<256x96xi1>, vector<256x96xf32>
    %transpose3A_327 = tpu.transpose %select_n3A_326, [1, 0] : vector<256x96xf32> -> vector<96x256xf32>
    %get3A_328 = arith.constant 0 : index
    %get3A_329 = arith.constant 17 : index
    %get3A_330 = arith.constant 0 : index
    %get3A_331 = arith.constant 0 : index
    %get3A_332 = vector.load %arg3[%get3A_328, %get3A_329, %get3A_330, %get3A_331] : memref<1x24x256x96xf32, #tpu.memory_space<vmem>>, vector<1x1x256x96xf32>
    %get3A_333 = vector.shape_cast %get3A_332 : vector<1x1x256x96xf32> to vector<256x96xf32>
    %add3A_334 = arith.addf %get3A_9, %get3A_333 : vector<256x96xf32>
    %mul3A_335 = vector.broadcast %get3A_1 : vector<1x96xf32> to vector<256x96xf32>
    %mul3A_336 = arith.mulf %add3A_334, %mul3A_335 : vector<256x96xf32>
    %add3A_337 = vector.broadcast %get3A_4 : vector<1x96xf32> to vector<256x96xf32>
    %add3A_338 = arith.addf %mul3A_336, %add3A_337 : vector<256x96xf32>
    %ge3A_339 = arith.constant 0.000000e+00 : f32
    %ge3A_340 = vector.broadcast %ge3A_339 : f32 to vector<256x96xf32>
    %ge3A_341 = arith.cmpf oge, %add3A_338, %ge3A_340 : vector<256x96xf32>
    %mul3A_342 = arith.constant 0.00999999977 : f32
    %mul3A_343 = vector.broadcast %mul3A_342 : f32 to vector<256x96xf32>
    %mul3A_344 = arith.mulf %mul3A_343, %add3A_338 : vector<256x96xf32>
    %select_n3A_345 = arith.select %ge3A_341, %add3A_338, %mul3A_344 : vector<256x96xi1>, vector<256x96xf32>
    %transpose3A_346 = tpu.transpose %select_n3A_345, [1, 0] : vector<256x96xf32> -> vector<96x256xf32>
    %get3A_347 = arith.constant 0 : index
    %get3A_348 = arith.constant 18 : index
    %get3A_349 = arith.constant 0 : index
    %get3A_350 = arith.constant 0 : index
    %get3A_351 = vector.load %arg3[%get3A_347, %get3A_348, %get3A_349, %get3A_350] : memref<1x24x256x96xf32, #tpu.memory_space<vmem>>, vector<1x1x256x96xf32>
    %get3A_352 = vector.shape_cast %get3A_351 : vector<1x1x256x96xf32> to vector<256x96xf32>
    %add3A_353 = arith.addf %get3A_9, %get3A_352 : vector<256x96xf32>
    %mul3A_354 = vector.broadcast %get3A_1 : vector<1x96xf32> to vector<256x96xf32>
    %mul3A_355 = arith.mulf %add3A_353, %mul3A_354 : vector<256x96xf32>
    %add3A_356 = vector.broadcast %get3A_4 : vector<1x96xf32> to vector<256x96xf32>
    %add3A_357 = arith.addf %mul3A_355, %add3A_356 : vector<256x96xf32>
    %ge3A_358 = arith.constant 0.000000e+00 : f32
    %ge3A_359 = vector.broadcast %ge3A_358 : f32 to vector<256x96xf32>
    %ge3A_360 = arith.cmpf oge, %add3A_357, %ge3A_359 : vector<256x96xf32>
    %mul3A_361 = arith.constant 0.00999999977 : f32
    %mul3A_362 = vector.broadcast %mul3A_361 : f32 to vector<256x96xf32>
    %mul3A_363 = arith.mulf %mul3A_362, %add3A_357 : vector<256x96xf32>
    %select_n3A_364 = arith.select %ge3A_360, %add3A_357, %mul3A_363 : vector<256x96xi1>, vector<256x96xf32>
    %transpose3A_365 = tpu.transpose %select_n3A_364, [1, 0] : vector<256x96xf32> -> vector<96x256xf32>
    %get3A_366 = arith.constant 0 : index
    %get3A_367 = arith.constant 19 : index
    %get3A_368 = arith.constant 0 : index
    %get3A_369 = arith.constant 0 : index
    %get3A_370 = vector.load %arg3[%get3A_366, %get3A_367, %get3A_368, %get3A_369] : memref<1x24x256x96xf32, #tpu.memory_space<vmem>>, vector<1x1x256x96xf32>
    %get3A_371 = vector.shape_cast %get3A_370 : vector<1x1x256x96xf32> to vector<256x96xf32>
    %add3A_372 = arith.addf %get3A_9, %get3A_371 : vector<256x96xf32>
    %mul3A_373 = vector.broadcast %get3A_1 : vector<1x96xf32> to vector<256x96xf32>
    %mul3A_374 = arith.mulf %add3A_372, %mul3A_373 : vector<256x96xf32>
    %add3A_375 = vector.broadcast %get3A_4 : vector<1x96xf32> to vector<256x96xf32>
    %add3A_376 = arith.addf %mul3A_374, %add3A_375 : vector<256x96xf32>
    %ge3A_377 = arith.constant 0.000000e+00 : f32
    %ge3A_378 = vector.broadcast %ge3A_377 : f32 to vector<256x96xf32>
    %ge3A_379 = arith.cmpf oge, %add3A_376, %ge3A_378 : vector<256x96xf32>
    %mul3A_380 = arith.constant 0.00999999977 : f32
    %mul3A_381 = vector.broadcast %mul3A_380 : f32 to vector<256x96xf32>
    %mul3A_382 = arith.mulf %mul3A_381, %add3A_376 : vector<256x96xf32>
    %select_n3A_383 = arith.select %ge3A_379, %add3A_376, %mul3A_382 : vector<256x96xi1>, vector<256x96xf32>
    %transpose3A_384 = tpu.transpose %select_n3A_383, [1, 0] : vector<256x96xf32> -> vector<96x256xf32>
    %get3A_385 = arith.constant 0 : index
    %get3A_386 = arith.constant 20 : index
    %get3A_387 = arith.constant 0 : index
    %get3A_388 = arith.constant 0 : index
    %get3A_389 = vector.load %arg3[%get3A_385, %get3A_386, %get3A_387, %get3A_388] : memref<1x24x256x96xf32, #tpu.memory_space<vmem>>, vector<1x1x256x96xf32>
    %get3A_390 = vector.shape_cast %get3A_389 : vector<1x1x256x96xf32> to vector<256x96xf32>
    %add3A_391 = arith.addf %get3A_9, %get3A_390 : vector<256x96xf32>
    %mul3A_392 = vector.broadcast %get3A_1 : vector<1x96xf32> to vector<256x96xf32>
    %mul3A_393 = arith.mulf %add3A_391, %mul3A_392 : vector<256x96xf32>
    %add3A_394 = vector.broadcast %get3A_4 : vector<1x96xf32> to vector<256x96xf32>
    %add3A_395 = arith.addf %mul3A_393, %add3A_394 : vector<256x96xf32>
    %ge3A_396 = arith.constant 0.000000e+00 : f32
    %ge3A_397 = vector.broadcast %ge3A_396 : f32 to vector<256x96xf32>
    %ge3A_398 = arith.cmpf oge, %add3A_395, %ge3A_397 : vector<256x96xf32>
    %mul3A_399 = arith.constant 0.00999999977 : f32
    %mul3A_400 = vector.broadcast %mul3A_399 : f32 to vector<256x96xf32>
    %mul3A_401 = arith.mulf %mul3A_400, %add3A_395 : vector<256x96xf32>
    %select_n3A_402 = arith.select %ge3A_398, %add3A_395, %mul3A_401 : vector<256x96xi1>, vector<256x96xf32>
    %transpose3A_403 = tpu.transpose %select_n3A_402, [1, 0] : vector<256x96xf32> -> vector<96x256xf32>
    %get3A_404 = arith.constant 0 : index
    %get3A_405 = arith.constant 21 : index
    %get3A_406 = arith.constant 0 : index
    %get3A_407 = arith.constant 0 : index
    %get3A_408 = vector.load %arg3[%get3A_404, %get3A_405, %get3A_406, %get3A_407] : memref<1x24x256x96xf32, #tpu.memory_space<vmem>>, vector<1x1x256x96xf32>
    %get3A_409 = vector.shape_cast %get3A_408 : vector<1x1x256x96xf32> to vector<256x96xf32>
    %add3A_410 = arith.addf %get3A_9, %get3A_409 : vector<256x96xf32>
    %mul3A_411 = vector.broadcast %get3A_1 : vector<1x96xf32> to vector<256x96xf32>
    %mul3A_412 = arith.mulf %add3A_410, %mul3A_411 : vector<256x96xf32>
    %add3A_413 = vector.broadcast %get3A_4 : vector<1x96xf32> to vector<256x96xf32>
    %add3A_414 = arith.addf %mul3A_412, %add3A_413 : vector<256x96xf32>
    %ge3A_415 = arith.constant 0.000000e+00 : f32
    %ge3A_416 = vector.broadcast %ge3A_415 : f32 to vector<256x96xf32>
    %ge3A_417 = arith.cmpf oge, %add3A_414, %ge3A_416 : vector<256x96xf32>
    %mul3A_418 = arith.constant 0.00999999977 : f32
    %mul3A_419 = vector.broadcast %mul3A_418 : f32 to vector<256x96xf32>
    %mul3A_420 = arith.mulf %mul3A_419, %add3A_414 : vector<256x96xf32>
    %select_n3A_421 = arith.select %ge3A_417, %add3A_414, %mul3A_420 : vector<256x96xi1>, vector<256x96xf32>
    %transpose3A_422 = tpu.transpose %select_n3A_421, [1, 0] : vector<256x96xf32> -> vector<96x256xf32>
    %get3A_423 = arith.constant 0 : index
    %get3A_424 = arith.constant 22 : index
    %get3A_425 = arith.constant 0 : index
    %get3A_426 = arith.constant 0 : index
    %get3A_427 = vector.load %arg3[%get3A_423, %get3A_424, %get3A_425, %get3A_426] : memref<1x24x256x96xf32, #tpu.memory_space<vmem>>, vector<1x1x256x96xf32>
    %get3A_428 = vector.shape_cast %get3A_427 : vector<1x1x256x96xf32> to vector<256x96xf32>
    %add3A_429 = arith.addf %get3A_9, %get3A_428 : vector<256x96xf32>
    %mul3A_430 = vector.broadcast %get3A_1 : vector<1x96xf32> to vector<256x96xf32>
    %mul3A_431 = arith.mulf %add3A_429, %mul3A_430 : vector<256x96xf32>
    %add3A_432 = vector.broadcast %get3A_4 : vector<1x96xf32> to vector<256x96xf32>
    %add3A_433 = arith.addf %mul3A_431, %add3A_432 : vector<256x96xf32>
    %ge3A_434 = arith.constant 0.000000e+00 : f32
    %ge3A_435 = vector.broadcast %ge3A_434 : f32 to vector<256x96xf32>
    %ge3A_436 = arith.cmpf oge, %add3A_433, %ge3A_435 : vector<256x96xf32>
    %mul3A_437 = arith.constant 0.00999999977 : f32
    %mul3A_438 = vector.broadcast %mul3A_437 : f32 to vector<256x96xf32>
    %mul3A_439 = arith.mulf %mul3A_438, %add3A_433 : vector<256x96xf32>
    %select_n3A_440 = arith.select %ge3A_436, %add3A_433, %mul3A_439 : vector<256x96xi1>, vector<256x96xf32>
    %transpose3A_441 = tpu.transpose %select_n3A_440, [1, 0] : vector<256x96xf32> -> vector<96x256xf32>
    %get3A_442 = arith.constant 0 : index
    %get3A_443 = arith.constant 23 : index
    %get3A_444 = arith.constant 0 : index
    %get3A_445 = arith.constant 0 : index
    %get3A_446 = vector.load %arg3[%get3A_442, %get3A_443, %get3A_444, %get3A_445] : memref<1x24x256x96xf32, #tpu.memory_space<vmem>>, vector<1x1x256x96xf32>
    %get3A_447 = vector.shape_cast %get3A_446 : vector<1x1x256x96xf32> to vector<256x96xf32>
    %add3A_448 = arith.addf %get3A_9, %get3A_447 : vector<256x96xf32>
    %mul3A_449 = vector.broadcast %get3A_1 : vector<1x96xf32> to vector<256x96xf32>
    %mul3A_450 = arith.mulf %add3A_448, %mul3A_449 : vector<256x96xf32>
    %add3A_451 = vector.broadcast %get3A_4 : vector<1x96xf32> to vector<256x96xf32>
    %add3A_452 = arith.addf %mul3A_450, %add3A_451 : vector<256x96xf32>
    %ge3A_453 = arith.constant 0.000000e+00 : f32
    %ge3A_454 = vector.broadcast %ge3A_453 : f32 to vector<256x96xf32>
    %ge3A_455 = arith.cmpf oge, %add3A_452, %ge3A_454 : vector<256x96xf32>
    %mul3A_456 = arith.constant 0.00999999977 : f32
    %mul3A_457 = vector.broadcast %mul3A_456 : f32 to vector<256x96xf32>
    %mul3A_458 = arith.mulf %mul3A_457, %add3A_452 : vector<256x96xf32>
    %select_n3A_459 = arith.select %ge3A_455, %add3A_452, %mul3A_458 : vector<256x96xi1>, vector<256x96xf32>
    %transpose3A_460 = tpu.transpose %select_n3A_459, [1, 0] : vector<256x96xf32> -> vector<96x256xf32>
    %stack3A = vector.shape_cast %transpose3A : vector<96x256xf32> to vector<1x96x256xf32>
    %stack3A_461 = vector.shape_cast %transpose3A_42 : vector<96x256xf32> to vector<1x96x256xf32>
    %stack3A_462 = vector.shape_cast %transpose3A_61 : vector<96x256xf32> to vector<1x96x256xf32>
    %stack3A_463 = vector.shape_cast %transpose3A_80 : vector<96x256xf32> to vector<1x96x256xf32>
    %stack3A_464 = vector.shape_cast %transpose3A_99 : vector<96x256xf32> to vector<1x96x256xf32>
    %stack3A_465 = vector.shape_cast %transpose3A_118 : vector<96x256xf32> to vector<1x96x256xf32>
    %stack3A_466 = vector.shape_cast %transpose3A_137 : vector<96x256xf32> to vector<1x96x256xf32>
    %stack3A_467 = vector.shape_cast %transpose3A_156 : vector<96x256xf32> to vector<1x96x256xf32>
    %stack3A_468 = vector.shape_cast %transpose3A_175 : vector<96x256xf32> to vector<1x96x256xf32>
    %stack3A_469 = vector.shape_cast %transpose3A_194 : vector<96x256xf32> to vector<1x96x256xf32>
    %stack3A_470 = vector.shape_cast %transpose3A_213 : vector<96x256xf32> to vector<1x96x256xf32>
    %stack3A_471 = vector.shape_cast %transpose3A_232 : vector<96x256xf32> to vector<1x96x256xf32>
    %stack3A_472 = vector.shape_cast %transpose3A_251 : vector<96x256xf32> to vector<1x96x256xf32>
    %stack3A_473 = vector.shape_cast %transpose3A_270 : vector<96x256xf32> to vector<1x96x256xf32>
    %stack3A_474 = vector.shape_cast %transpose3A_289 : vector<96x256xf32> to vector<1x96x256xf32>
    %stack3A_475 = vector.shape_cast %transpose3A_308 : vector<96x256xf32> to vector<1x96x256xf32>
    %stack3A_476 = vector.shape_cast %transpose3A_327 : vector<96x256xf32> to vector<1x96x256xf32>
    %stack3A_477 = vector.shape_cast %transpose3A_346 : vector<96x256xf32> to vector<1x96x256xf32>
    %stack3A_478 = vector.shape_cast %transpose3A_365 : vector<96x256xf32> to vector<1x96x256xf32>
    %stack3A_479 = vector.shape_cast %transpose3A_384 : vector<96x256xf32> to vector<1x96x256xf32>
    %stack3A_480 = vector.shape_cast %transpose3A_403 : vector<96x256xf32> to vector<1x96x256xf32>
    %stack3A_481 = vector.shape_cast %transpose3A_422 : vector<96x256xf32> to vector<1x96x256xf32>
    %stack3A_482 = vector.shape_cast %transpose3A_441 : vector<96x256xf32> to vector<1x96x256xf32>
    %stack3A_483 = vector.shape_cast %transpose3A_460 : vector<96x256xf32> to vector<1x96x256xf32>
    %stack3A_484 = tpu.concatenate %stack3A, %stack3A_461, %stack3A_462, %stack3A_463, %stack3A_464, %stack3A_465, %stack3A_466, %stack3A_467, %stack3A_468, %stack3A_469, %stack3A_470, %stack3A_471, %stack3A_472, %stack3A_473, %stack3A_474, %stack3A_475, %stack3A_476, %stack3A_477, %stack3A_478, %stack3A_479, %stack3A_480, %stack3A_481, %stack3A_482, %stack3A_483 in 0 : vector<1x96x256xf32>, vector<1x96x256xf32>, vector<1x96x256xf32>, vector<1x96x256xf32>, vector<1x96x256xf32>, vector<1x96x256xf32>, vector<1x96x256xf32>, vector<1x96x256xf32>, vector<1x96x256xf32>, vector<1x96x256xf32>, vector<1x96x256xf32>, vector<1x96x256xf32>, vector<1x96x256xf32>, vector<1x96x256xf32>, vector<1x96x256xf32>, vector<1x96x256xf32>, vector<1x96x256xf32>, vector<1x96x256xf32>, vector<1x96x256xf32>, vector<1x96x256xf32>, vector<1x96x256xf32>, vector<1x96x256xf32>, vector<1x96x256xf32>, vector<1x96x256xf32> -> vector<24x96x256xf32>
    %broadcast_in_dim3A = arith.constant 0.000000e+00 : f32
    %broadcast_in_dim3A_485 = vector.broadcast %broadcast_in_dim3A : f32 to vector<32x256xf32>
    %slice3A = vector.extract_strided_slice %stack3A_484 {offsets = [0, 32, 0], sizes = [24, 1, 256], strides = [1, 1, 1]} : vector<24x96x256xf32> to vector<24x1x256xf32>
    %squeeze3A = vector.shape_cast %slice3A : vector<24x1x256xf32> to vector<24x256xf32>
    %slice3A_486 = vector.extract_strided_slice %stack3A_484 {offsets = [0, 33, 0], sizes = [8, 1, 256], strides = [1, 1, 1]} : vector<24x96x256xf32> to vector<8x1x256xf32>
    %squeeze3A_487 = vector.shape_cast %slice3A_486 : vector<8x1x256xf32> to vector<8x256xf32>
    %concatenate3A = tpu.concatenate %squeeze3A, %squeeze3A_487 in 0 : vector<24x256xf32>, vector<8x256xf32> -> vector<32x256xf32>
    %reduce_max3A = arith.constant dense<0xFF800000> : vector<256xf32>
    %reduce_max3A_488 = vector.multi_reduction <maximumf>, %concatenate3A, %reduce_max3A [0] : vector<32x256xf32> to vector<256xf32>
    %broadcast_in_dim3A_489 = vector.shape_cast %reduce_max3A_488 : vector<256xf32> to vector<1x256xf32>
    %sub3A = vector.broadcast %broadcast_in_dim3A_489 : vector<1x256xf32> to vector<32x256xf32>
    %sub3A_490 = arith.subf %concatenate3A, %sub3A : vector<32x256xf32>
    %exp3A = math.exp %sub3A_490 : vector<32x256xf32>
    %reduce_sum3A = arith.constant dense<0.000000e+00> : vector<256xf32>
    %reduce_sum3A_491 = vector.multi_reduction <add>, %exp3A, %reduce_sum3A [0] : vector<32x256xf32> to vector<256xf32>
    %broadcast_in_dim3A_492 = vector.shape_cast %reduce_sum3A_491 : vector<256xf32> to vector<1x256xf32>
    %div3A = vector.broadcast %broadcast_in_dim3A_492 : vector<1x256xf32> to vector<32x256xf32>
    %div3A_493 = arith.divf %exp3A, %div3A : vector<32x256xf32>
    %slice3A_494 = vector.extract_strided_slice %stack3A_484 {offsets = [0, 0, 0], sizes = [24, 1, 256], strides = [1, 1, 1]} : vector<24x96x256xf32> to vector<24x1x256xf32>
    %squeeze3A_495 = vector.shape_cast %slice3A_494 : vector<24x1x256xf32> to vector<24x256xf32>
    %slice3A_496 = vector.extract_strided_slice %stack3A_484 {offsets = [0, 1, 0], sizes = [8, 1, 256], strides = [1, 1, 1]} : vector<24x96x256xf32> to vector<8x1x256xf32>
    %squeeze3A_497 = vector.shape_cast %slice3A_496 : vector<8x1x256xf32> to vector<8x256xf32>
    %concatenate3A_498 = tpu.concatenate %squeeze3A_495, %squeeze3A_497 in 0 : vector<24x256xf32>, vector<8x256xf32> -> vector<32x256xf32>
    %mul3A_499 = arith.mulf %div3A_493, %concatenate3A_498 : vector<32x256xf32>
    %add3A_500 = arith.addf %broadcast_in_dim3A_485, %mul3A_499 : vector<32x256xf32>
    %slice3A_501 = vector.extract_strided_slice %stack3A_484 {offsets = [0, 64, 0], sizes = [24, 1, 256], strides = [1, 1, 1]} : vector<24x96x256xf32> to vector<24x1x256xf32>
    %squeeze3A_502 = vector.shape_cast %slice3A_501 : vector<24x1x256xf32> to vector<24x256xf32>
    %slice3A_503 = vector.extract_strided_slice %stack3A_484 {offsets = [0, 65, 0], sizes = [8, 1, 256], strides = [1, 1, 1]} : vector<24x96x256xf32> to vector<8x1x256xf32>
    %squeeze3A_504 = vector.shape_cast %slice3A_503 : vector<8x1x256xf32> to vector<8x256xf32>
    %concatenate3A_505 = tpu.concatenate %squeeze3A_502, %squeeze3A_504 in 0 : vector<24x256xf32>, vector<8x256xf32> -> vector<32x256xf32>
    %slice3A_506 = vector.extract_strided_slice %stack3A_484 {offsets = [8, 33, 0], sizes = [16, 1, 256], strides = [1, 1, 1]} : vector<24x96x256xf32> to vector<16x1x256xf32>
    %squeeze3A_507 = vector.shape_cast %slice3A_506 : vector<16x1x256xf32> to vector<16x256xf32>
    %slice3A_508 = vector.extract_strided_slice %stack3A_484 {offsets = [0, 34, 0], sizes = [16, 1, 256], strides = [1, 1, 1]} : vector<24x96x256xf32> to vector<16x1x256xf32>
    %squeeze3A_509 = vector.shape_cast %slice3A_508 : vector<16x1x256xf32> to vector<16x256xf32>
    %concatenate3A_510 = tpu.concatenate %squeeze3A_507, %squeeze3A_509 in 0 : vector<16x256xf32>, vector<16x256xf32> -> vector<32x256xf32>
    %reduce_max3A_511 = arith.constant dense<0xFF800000> : vector<256xf32>
    %reduce_max3A_512 = vector.multi_reduction <maximumf>, %concatenate3A_510, %reduce_max3A_511 [0] : vector<32x256xf32> to vector<256xf32>
    %broadcast_in_dim3A_513 = vector.shape_cast %reduce_max3A_512 : vector<256xf32> to vector<1x256xf32>
    %sub3A_514 = vector.broadcast %broadcast_in_dim3A_513 : vector<1x256xf32> to vector<32x256xf32>
    %sub3A_515 = arith.subf %concatenate3A_510, %sub3A_514 : vector<32x256xf32>
    %exp3A_516 = math.exp %sub3A_515 : vector<32x256xf32>
    %reduce_sum3A_517 = arith.constant dense<0.000000e+00> : vector<256xf32>
    %reduce_sum3A_518 = vector.multi_reduction <add>, %exp3A_516, %reduce_sum3A_517 [0] : vector<32x256xf32> to vector<256xf32>
    %broadcast_in_dim3A_519 = vector.shape_cast %reduce_sum3A_518 : vector<256xf32> to vector<1x256xf32>
    %div3A_520 = vector.broadcast %broadcast_in_dim3A_519 : vector<1x256xf32> to vector<32x256xf32>
    %div3A_521 = arith.divf %exp3A_516, %div3A_520 : vector<32x256xf32>
    %slice3A_522 = vector.extract_strided_slice %stack3A_484 {offsets = [8, 1, 0], sizes = [16, 1, 256], strides = [1, 1, 1]} : vector<24x96x256xf32> to vector<16x1x256xf32>
    %squeeze3A_523 = vector.shape_cast %slice3A_522 : vector<16x1x256xf32> to vector<16x256xf32>
    %slice3A_524 = vector.extract_strided_slice %stack3A_484 {offsets = [0, 2, 0], sizes = [16, 1, 256], strides = [1, 1, 1]} : vector<24x96x256xf32> to vector<16x1x256xf32>
    %squeeze3A_525 = vector.shape_cast %slice3A_524 : vector<16x1x256xf32> to vector<16x256xf32>
    %concatenate3A_526 = tpu.concatenate %squeeze3A_523, %squeeze3A_525 in 0 : vector<16x256xf32>, vector<16x256xf32> -> vector<32x256xf32>
    %mul3A_527 = arith.mulf %div3A_521, %concatenate3A_526 : vector<32x256xf32>
    %add3A_528 = arith.addf %add3A_500, %mul3A_527 : vector<32x256xf32>
    %slice3A_529 = vector.extract_strided_slice %stack3A_484 {offsets = [8, 65, 0], sizes = [16, 1, 256], strides = [1, 1, 1]} : vector<24x96x256xf32> to vector<16x1x256xf32>
    %squeeze3A_530 = vector.shape_cast %slice3A_529 : vector<16x1x256xf32> to vector<16x256xf32>
    %slice3A_531 = vector.extract_strided_slice %stack3A_484 {offsets = [0, 66, 0], sizes = [16, 1, 256], strides = [1, 1, 1]} : vector<24x96x256xf32> to vector<16x1x256xf32>
    %squeeze3A_532 = vector.shape_cast %slice3A_531 : vector<16x1x256xf32> to vector<16x256xf32>
    %concatenate3A_533 = tpu.concatenate %squeeze3A_530, %squeeze3A_532 in 0 : vector<16x256xf32>, vector<16x256xf32> -> vector<32x256xf32>
    %max3A = arith.maximumf %concatenate3A_505, %concatenate3A_533 : vector<32x256xf32>
    %slice3A_534 = vector.extract_strided_slice %stack3A_484 {offsets = [16, 34, 0], sizes = [8, 1, 256], strides = [1, 1, 1]} : vector<24x96x256xf32> to vector<8x1x256xf32>
    %squeeze3A_535 = vector.shape_cast %slice3A_534 : vector<8x1x256xf32> to vector<8x256xf32>
    %slice3A_536 = vector.extract_strided_slice %stack3A_484 {offsets = [0, 35, 0], sizes = [24, 1, 256], strides = [1, 1, 1]} : vector<24x96x256xf32> to vector<24x1x256xf32>
    %squeeze3A_537 = vector.shape_cast %slice3A_536 : vector<24x1x256xf32> to vector<24x256xf32>
    %concatenate3A_538 = tpu.concatenate %squeeze3A_535, %squeeze3A_537 in 0 : vector<8x256xf32>, vector<24x256xf32> -> vector<32x256xf32>
    %reduce_max3A_539 = arith.constant dense<0xFF800000> : vector<256xf32>
    %reduce_max3A_540 = vector.multi_reduction <maximumf>, %concatenate3A_538, %reduce_max3A_539 [0] : vector<32x256xf32> to vector<256xf32>
    %broadcast_in_dim3A_541 = vector.shape_cast %reduce_max3A_540 : vector<256xf32> to vector<1x256xf32>
    %sub3A_542 = vector.broadcast %broadcast_in_dim3A_541 : vector<1x256xf32> to vector<32x256xf32>
    %sub3A_543 = arith.subf %concatenate3A_538, %sub3A_542 : vector<32x256xf32>
    %exp3A_544 = math.exp %sub3A_543 : vector<32x256xf32>
    %reduce_sum3A_545 = arith.constant dense<0.000000e+00> : vector<256xf32>
    %reduce_sum3A_546 = vector.multi_reduction <add>, %exp3A_544, %reduce_sum3A_545 [0] : vector<32x256xf32> to vector<256xf32>
    %broadcast_in_dim3A_547 = vector.shape_cast %reduce_sum3A_546 : vector<256xf32> to vector<1x256xf32>
    %div3A_548 = vector.broadcast %broadcast_in_dim3A_547 : vector<1x256xf32> to vector<32x256xf32>
    %div3A_549 = arith.divf %exp3A_544, %div3A_548 : vector<32x256xf32>
    %slice3A_550 = vector.extract_strided_slice %stack3A_484 {offsets = [16, 2, 0], sizes = [8, 1, 256], strides = [1, 1, 1]} : vector<24x96x256xf32> to vector<8x1x256xf32>
    %squeeze3A_551 = vector.shape_cast %slice3A_550 : vector<8x1x256xf32> to vector<8x256xf32>
    %slice3A_552 = vector.extract_strided_slice %stack3A_484 {offsets = [0, 3, 0], sizes = [24, 1, 256], strides = [1, 1, 1]} : vector<24x96x256xf32> to vector<24x1x256xf32>
    %squeeze3A_553 = vector.shape_cast %slice3A_552 : vector<24x1x256xf32> to vector<24x256xf32>
    %concatenate3A_554 = tpu.concatenate %squeeze3A_551, %squeeze3A_553 in 0 : vector<8x256xf32>, vector<24x256xf32> -> vector<32x256xf32>
    %mul3A_555 = arith.mulf %div3A_549, %concatenate3A_554 : vector<32x256xf32>
    %add3A_556 = arith.addf %add3A_528, %mul3A_555 : vector<32x256xf32>
    %slice3A_557 = vector.extract_strided_slice %stack3A_484 {offsets = [16, 66, 0], sizes = [8, 1, 256], strides = [1, 1, 1]} : vector<24x96x256xf32> to vector<8x1x256xf32>
    %squeeze3A_558 = vector.shape_cast %slice3A_557 : vector<8x1x256xf32> to vector<8x256xf32>
    %slice3A_559 = vector.extract_strided_slice %stack3A_484 {offsets = [0, 67, 0], sizes = [24, 1, 256], strides = [1, 1, 1]} : vector<24x96x256xf32> to vector<24x1x256xf32>
    %squeeze3A_560 = vector.shape_cast %slice3A_559 : vector<24x1x256xf32> to vector<24x256xf32>
    %concatenate3A_561 = tpu.concatenate %squeeze3A_558, %squeeze3A_560 in 0 : vector<8x256xf32>, vector<24x256xf32> -> vector<32x256xf32>
    %max3A_562 = arith.maximumf %max3A, %concatenate3A_561 : vector<32x256xf32>
    %slice3A_563 = vector.extract_strided_slice %stack3A_484 {offsets = [0, 36, 0], sizes = [24, 1, 256], strides = [1, 1, 1]} : vector<24x96x256xf32> to vector<24x1x256xf32>
    %squeeze3A_564 = vector.shape_cast %slice3A_563 : vector<24x1x256xf32> to vector<24x256xf32>
    %slice3A_565 = vector.extract_strided_slice %stack3A_484 {offsets = [0, 37, 0], sizes = [8, 1, 256], strides = [1, 1, 1]} : vector<24x96x256xf32> to vector<8x1x256xf32>
    %squeeze3A_566 = vector.shape_cast %slice3A_565 : vector<8x1x256xf32> to vector<8x256xf32>
    %concatenate3A_567 = tpu.concatenate %squeeze3A_564, %squeeze3A_566 in 0 : vector<24x256xf32>, vector<8x256xf32> -> vector<32x256xf32>
    %reduce_max3A_568 = arith.constant dense<0xFF800000> : vector<256xf32>
    %reduce_max3A_569 = vector.multi_reduction <maximumf>, %concatenate3A_567, %reduce_max3A_568 [0] : vector<32x256xf32> to vector<256xf32>
    %broadcast_in_dim3A_570 = vector.shape_cast %reduce_max3A_569 : vector<256xf32> to vector<1x256xf32>
    %sub3A_571 = vector.broadcast %broadcast_in_dim3A_570 : vector<1x256xf32> to vector<32x256xf32>
    %sub3A_572 = arith.subf %concatenate3A_567, %sub3A_571 : vector<32x256xf32>
    %exp3A_573 = math.exp %sub3A_572 : vector<32x256xf32>
    %reduce_sum3A_574 = arith.constant dense<0.000000e+00> : vector<256xf32>
    %reduce_sum3A_575 = vector.multi_reduction <add>, %exp3A_573, %reduce_sum3A_574 [0] : vector<32x256xf32> to vector<256xf32>
    %broadcast_in_dim3A_576 = vector.shape_cast %reduce_sum3A_575 : vector<256xf32> to vector<1x256xf32>
    %div3A_577 = vector.broadcast %broadcast_in_dim3A_576 : vector<1x256xf32> to vector<32x256xf32>
    %div3A_578 = arith.divf %exp3A_573, %div3A_577 : vector<32x256xf32>
    %slice3A_579 = vector.extract_strided_slice %stack3A_484 {offsets = [0, 4, 0], sizes = [24, 1, 256], strides = [1, 1, 1]} : vector<24x96x256xf32> to vector<24x1x256xf32>
    %squeeze3A_580 = vector.shape_cast %slice3A_579 : vector<24x1x256xf32> to vector<24x256xf32>
    %slice3A_581 = vector.extract_strided_slice %stack3A_484 {offsets = [0, 5, 0], sizes = [8, 1, 256], strides = [1, 1, 1]} : vector<24x96x256xf32> to vector<8x1x256xf32>
    %squeeze3A_582 = vector.shape_cast %slice3A_581 : vector<8x1x256xf32> to vector<8x256xf32>
    %concatenate3A_583 = tpu.concatenate %squeeze3A_580, %squeeze3A_582 in 0 : vector<24x256xf32>, vector<8x256xf32> -> vector<32x256xf32>
    %mul3A_584 = arith.mulf %div3A_578, %concatenate3A_583 : vector<32x256xf32>
    %add3A_585 = arith.addf %add3A_556, %mul3A_584 : vector<32x256xf32>
    %slice3A_586 = vector.extract_strided_slice %stack3A_484 {offsets = [0, 68, 0], sizes = [24, 1, 256], strides = [1, 1, 1]} : vector<24x96x256xf32> to vector<24x1x256xf32>
    %squeeze3A_587 = vector.shape_cast %slice3A_586 : vector<24x1x256xf32> to vector<24x256xf32>
    %slice3A_588 = vector.extract_strided_slice %stack3A_484 {offsets = [0, 69, 0], sizes = [8, 1, 256], strides = [1, 1, 1]} : vector<24x96x256xf32> to vector<8x1x256xf32>
    %squeeze3A_589 = vector.shape_cast %slice3A_588 : vector<8x1x256xf32> to vector<8x256xf32>
    %concatenate3A_590 = tpu.concatenate %squeeze3A_587, %squeeze3A_589 in 0 : vector<24x256xf32>, vector<8x256xf32> -> vector<32x256xf32>
    %max3A_591 = arith.maximumf %max3A_562, %concatenate3A_590 : vector<32x256xf32>
    %slice3A_592 = vector.extract_strided_slice %stack3A_484 {offsets = [8, 37, 0], sizes = [16, 1, 256], strides = [1, 1, 1]} : vector<24x96x256xf32> to vector<16x1x256xf32>
    %squeeze3A_593 = vector.shape_cast %slice3A_592 : vector<16x1x256xf32> to vector<16x256xf32>
    %slice3A_594 = vector.extract_strided_slice %stack3A_484 {offsets = [0, 38, 0], sizes = [16, 1, 256], strides = [1, 1, 1]} : vector<24x96x256xf32> to vector<16x1x256xf32>
    %squeeze3A_595 = vector.shape_cast %slice3A_594 : vector<16x1x256xf32> to vector<16x256xf32>
    %concatenate3A_596 = tpu.concatenate %squeeze3A_593, %squeeze3A_595 in 0 : vector<16x256xf32>, vector<16x256xf32> -> vector<32x256xf32>
    %reduce_max3A_597 = arith.constant dense<0xFF800000> : vector<256xf32>
    %reduce_max3A_598 = vector.multi_reduction <maximumf>, %concatenate3A_596, %reduce_max3A_597 [0] : vector<32x256xf32> to vector<256xf32>
    %broadcast_in_dim3A_599 = vector.shape_cast %reduce_max3A_598 : vector<256xf32> to vector<1x256xf32>
    %sub3A_600 = vector.broadcast %broadcast_in_dim3A_599 : vector<1x256xf32> to vector<32x256xf32>
    %sub3A_601 = arith.subf %concatenate3A_596, %sub3A_600 : vector<32x256xf32>
    %exp3A_602 = math.exp %sub3A_601 : vector<32x256xf32>
    %reduce_sum3A_603 = arith.constant dense<0.000000e+00> : vector<256xf32>
    %reduce_sum3A_604 = vector.multi_reduction <add>, %exp3A_602, %reduce_sum3A_603 [0] : vector<32x256xf32> to vector<256xf32>
    %broadcast_in_dim3A_605 = vector.shape_cast %reduce_sum3A_604 : vector<256xf32> to vector<1x256xf32>
    %div3A_606 = vector.broadcast %broadcast_in_dim3A_605 : vector<1x256xf32> to vector<32x256xf32>
    %div3A_607 = arith.divf %exp3A_602, %div3A_606 : vector<32x256xf32>
    %slice3A_608 = vector.extract_strided_slice %stack3A_484 {offsets = [8, 5, 0], sizes = [16, 1, 256], strides = [1, 1, 1]} : vector<24x96x256xf32> to vector<16x1x256xf32>
    %squeeze3A_609 = vector.shape_cast %slice3A_608 : vector<16x1x256xf32> to vector<16x256xf32>
    %slice3A_610 = vector.extract_strided_slice %stack3A_484 {offsets = [0, 6, 0], sizes = [16, 1, 256], strides = [1, 1, 1]} : vector<24x96x256xf32> to vector<16x1x256xf32>
    %squeeze3A_611 = vector.shape_cast %slice3A_610 : vector<16x1x256xf32> to vector<16x256xf32>
    %concatenate3A_612 = tpu.concatenate %squeeze3A_609, %squeeze3A_611 in 0 : vector<16x256xf32>, vector<16x256xf32> -> vector<32x256xf32>
    %mul3A_613 = arith.mulf %div3A_607, %concatenate3A_612 : vector<32x256xf32>
    %add3A_614 = arith.addf %add3A_585, %mul3A_613 : vector<32x256xf32>
    %slice3A_615 = vector.extract_strided_slice %stack3A_484 {offsets = [8, 69, 0], sizes = [16, 1, 256], strides = [1, 1, 1]} : vector<24x96x256xf32> to vector<16x1x256xf32>
    %squeeze3A_616 = vector.shape_cast %slice3A_615 : vector<16x1x256xf32> to vector<16x256xf32>
    %slice3A_617 = vector.extract_strided_slice %stack3A_484 {offsets = [0, 70, 0], sizes = [16, 1, 256], strides = [1, 1, 1]} : vector<24x96x256xf32> to vector<16x1x256xf32>
    %squeeze3A_618 = vector.shape_cast %slice3A_617 : vector<16x1x256xf32> to vector<16x256xf32>
    %concatenate3A_619 = tpu.concatenate %squeeze3A_616, %squeeze3A_618 in 0 : vector<16x256xf32>, vector<16x256xf32> -> vector<32x256xf32>
    %max3A_620 = arith.maximumf %max3A_591, %concatenate3A_619 : vector<32x256xf32>
    %slice3A_621 = vector.extract_strided_slice %stack3A_484 {offsets = [16, 38, 0], sizes = [8, 1, 256], strides = [1, 1, 1]} : vector<24x96x256xf32> to vector<8x1x256xf32>
    %squeeze3A_622 = vector.shape_cast %slice3A_621 : vector<8x1x256xf32> to vector<8x256xf32>
    %slice3A_623 = vector.extract_strided_slice %stack3A_484 {offsets = [0, 39, 0], sizes = [24, 1, 256], strides = [1, 1, 1]} : vector<24x96x256xf32> to vector<24x1x256xf32>
    %squeeze3A_624 = vector.shape_cast %slice3A_623 : vector<24x1x256xf32> to vector<24x256xf32>
    %concatenate3A_625 = tpu.concatenate %squeeze3A_622, %squeeze3A_624 in 0 : vector<8x256xf32>, vector<24x256xf32> -> vector<32x256xf32>
    %reduce_max3A_626 = arith.constant dense<0xFF800000> : vector<256xf32>
    %reduce_max3A_627 = vector.multi_reduction <maximumf>, %concatenate3A_625, %reduce_max3A_626 [0] : vector<32x256xf32> to vector<256xf32>
    %broadcast_in_dim3A_628 = vector.shape_cast %reduce_max3A_627 : vector<256xf32> to vector<1x256xf32>
    %sub3A_629 = vector.broadcast %broadcast_in_dim3A_628 : vector<1x256xf32> to vector<32x256xf32>
    %sub3A_630 = arith.subf %concatenate3A_625, %sub3A_629 : vector<32x256xf32>
    %exp3A_631 = math.exp %sub3A_630 : vector<32x256xf32>
    %reduce_sum3A_632 = arith.constant dense<0.000000e+00> : vector<256xf32>
    %reduce_sum3A_633 = vector.multi_reduction <add>, %exp3A_631, %reduce_sum3A_632 [0] : vector<32x256xf32> to vector<256xf32>
    %broadcast_in_dim3A_634 = vector.shape_cast %reduce_sum3A_633 : vector<256xf32> to vector<1x256xf32>
    %div3A_635 = vector.broadcast %broadcast_in_dim3A_634 : vector<1x256xf32> to vector<32x256xf32>
    %div3A_636 = arith.divf %exp3A_631, %div3A_635 : vector<32x256xf32>
    %slice3A_637 = vector.extract_strided_slice %stack3A_484 {offsets = [16, 6, 0], sizes = [8, 1, 256], strides = [1, 1, 1]} : vector<24x96x256xf32> to vector<8x1x256xf32>
    %squeeze3A_638 = vector.shape_cast %slice3A_637 : vector<8x1x256xf32> to vector<8x256xf32>
    %slice3A_639 = vector.extract_strided_slice %stack3A_484 {offsets = [0, 7, 0], sizes = [24, 1, 256], strides = [1, 1, 1]} : vector<24x96x256xf32> to vector<24x1x256xf32>
    %squeeze3A_640 = vector.shape_cast %slice3A_639 : vector<24x1x256xf32> to vector<24x256xf32>
    %concatenate3A_641 = tpu.concatenate %squeeze3A_638, %squeeze3A_640 in 0 : vector<8x256xf32>, vector<24x256xf32> -> vector<32x256xf32>
    %mul3A_642 = arith.mulf %div3A_636, %concatenate3A_641 : vector<32x256xf32>
    %add3A_643 = arith.addf %add3A_614, %mul3A_642 : vector<32x256xf32>
    %slice3A_644 = vector.extract_strided_slice %stack3A_484 {offsets = [16, 70, 0], sizes = [8, 1, 256], strides = [1, 1, 1]} : vector<24x96x256xf32> to vector<8x1x256xf32>
    %squeeze3A_645 = vector.shape_cast %slice3A_644 : vector<8x1x256xf32> to vector<8x256xf32>
    %slice3A_646 = vector.extract_strided_slice %stack3A_484 {offsets = [0, 71, 0], sizes = [24, 1, 256], strides = [1, 1, 1]} : vector<24x96x256xf32> to vector<24x1x256xf32>
    %squeeze3A_647 = vector.shape_cast %slice3A_646 : vector<24x1x256xf32> to vector<24x256xf32>
    %concatenate3A_648 = tpu.concatenate %squeeze3A_645, %squeeze3A_647 in 0 : vector<8x256xf32>, vector<24x256xf32> -> vector<32x256xf32>
    %max3A_649 = arith.maximumf %max3A_620, %concatenate3A_648 : vector<32x256xf32>
    %slice3A_650 = vector.extract_strided_slice %stack3A_484 {offsets = [0, 40, 0], sizes = [24, 1, 256], strides = [1, 1, 1]} : vector<24x96x256xf32> to vector<24x1x256xf32>
    %squeeze3A_651 = vector.shape_cast %slice3A_650 : vector<24x1x256xf32> to vector<24x256xf32>
    %slice3A_652 = vector.extract_strided_slice %stack3A_484 {offsets = [0, 41, 0], sizes = [8, 1, 256], strides = [1, 1, 1]} : vector<24x96x256xf32> to vector<8x1x256xf32>
    %squeeze3A_653 = vector.shape_cast %slice3A_652 : vector<8x1x256xf32> to vector<8x256xf32>
    %concatenate3A_654 = tpu.concatenate %squeeze3A_651, %squeeze3A_653 in 0 : vector<24x256xf32>, vector<8x256xf32> -> vector<32x256xf32>
    %reduce_max3A_655 = arith.constant dense<0xFF800000> : vector<256xf32>
    %reduce_max3A_656 = vector.multi_reduction <maximumf>, %concatenate3A_654, %reduce_max3A_655 [0] : vector<32x256xf32> to vector<256xf32>
    %broadcast_in_dim3A_657 = vector.shape_cast %reduce_max3A_656 : vector<256xf32> to vector<1x256xf32>
    %sub3A_658 = vector.broadcast %broadcast_in_dim3A_657 : vector<1x256xf32> to vector<32x256xf32>
    %sub3A_659 = arith.subf %concatenate3A_654, %sub3A_658 : vector<32x256xf32>
    %exp3A_660 = math.exp %sub3A_659 : vector<32x256xf32>
    %reduce_sum3A_661 = arith.constant dense<0.000000e+00> : vector<256xf32>
    %reduce_sum3A_662 = vector.multi_reduction <add>, %exp3A_660, %reduce_sum3A_661 [0] : vector<32x256xf32> to vector<256xf32>
    %broadcast_in_dim3A_663 = vector.shape_cast %reduce_sum3A_662 : vector<256xf32> to vector<1x256xf32>
    %div3A_664 = vector.broadcast %broadcast_in_dim3A_663 : vector<1x256xf32> to vector<32x256xf32>
    %div3A_665 = arith.divf %exp3A_660, %div3A_664 : vector<32x256xf32>
    %slice3A_666 = vector.extract_strided_slice %stack3A_484 {offsets = [0, 8, 0], sizes = [24, 1, 256], strides = [1, 1, 1]} : vector<24x96x256xf32> to vector<24x1x256xf32>
    %squeeze3A_667 = vector.shape_cast %slice3A_666 : vector<24x1x256xf32> to vector<24x256xf32>
    %slice3A_668 = vector.extract_strided_slice %stack3A_484 {offsets = [0, 9, 0], sizes = [8, 1, 256], strides = [1, 1, 1]} : vector<24x96x256xf32> to vector<8x1x256xf32>
    %squeeze3A_669 = vector.shape_cast %slice3A_668 : vector<8x1x256xf32> to vector<8x256xf32>
    %concatenate3A_670 = tpu.concatenate %squeeze3A_667, %squeeze3A_669 in 0 : vector<24x256xf32>, vector<8x256xf32> -> vector<32x256xf32>
    %mul3A_671 = arith.mulf %div3A_665, %concatenate3A_670 : vector<32x256xf32>
    %add3A_672 = arith.addf %add3A_643, %mul3A_671 : vector<32x256xf32>
    %slice3A_673 = vector.extract_strided_slice %stack3A_484 {offsets = [0, 72, 0], sizes = [24, 1, 256], strides = [1, 1, 1]} : vector<24x96x256xf32> to vector<24x1x256xf32>
    %squeeze3A_674 = vector.shape_cast %slice3A_673 : vector<24x1x256xf32> to vector<24x256xf32>
    %slice3A_675 = vector.extract_strided_slice %stack3A_484 {offsets = [0, 73, 0], sizes = [8, 1, 256], strides = [1, 1, 1]} : vector<24x96x256xf32> to vector<8x1x256xf32>
    %squeeze3A_676 = vector.shape_cast %slice3A_675 : vector<8x1x256xf32> to vector<8x256xf32>
    %concatenate3A_677 = tpu.concatenate %squeeze3A_674, %squeeze3A_676 in 0 : vector<24x256xf32>, vector<8x256xf32> -> vector<32x256xf32>
    %max3A_678 = arith.maximumf %max3A_649, %concatenate3A_677 : vector<32x256xf32>
    %slice3A_679 = vector.extract_strided_slice %stack3A_484 {offsets = [8, 41, 0], sizes = [16, 1, 256], strides = [1, 1, 1]} : vector<24x96x256xf32> to vector<16x1x256xf32>
    %squeeze3A_680 = vector.shape_cast %slice3A_679 : vector<16x1x256xf32> to vector<16x256xf32>
    %slice3A_681 = vector.extract_strided_slice %stack3A_484 {offsets = [0, 42, 0], sizes = [16, 1, 256], strides = [1, 1, 1]} : vector<24x96x256xf32> to vector<16x1x256xf32>
    %squeeze3A_682 = vector.shape_cast %slice3A_681 : vector<16x1x256xf32> to vector<16x256xf32>
    %concatenate3A_683 = tpu.concatenate %squeeze3A_680, %squeeze3A_682 in 0 : vector<16x256xf32>, vector<16x256xf32> -> vector<32x256xf32>
    %reduce_max3A_684 = arith.constant dense<0xFF800000> : vector<256xf32>
    %reduce_max3A_685 = vector.multi_reduction <maximumf>, %concatenate3A_683, %reduce_max3A_684 [0] : vector<32x256xf32> to vector<256xf32>
    %broadcast_in_dim3A_686 = vector.shape_cast %reduce_max3A_685 : vector<256xf32> to vector<1x256xf32>
    %sub3A_687 = vector.broadcast %broadcast_in_dim3A_686 : vector<1x256xf32> to vector<32x256xf32>
    %sub3A_688 = arith.subf %concatenate3A_683, %sub3A_687 : vector<32x256xf32>
    %exp3A_689 = math.exp %sub3A_688 : vector<32x256xf32>
    %reduce_sum3A_690 = arith.constant dense<0.000000e+00> : vector<256xf32>
    %reduce_sum3A_691 = vector.multi_reduction <add>, %exp3A_689, %reduce_sum3A_690 [0] : vector<32x256xf32> to vector<256xf32>
    %broadcast_in_dim3A_692 = vector.shape_cast %reduce_sum3A_691 : vector<256xf32> to vector<1x256xf32>
    %div3A_693 = vector.broadcast %broadcast_in_dim3A_692 : vector<1x256xf32> to vector<32x256xf32>
    %div3A_694 = arith.divf %exp3A_689, %div3A_693 : vector<32x256xf32>
    %slice3A_695 = vector.extract_strided_slice %stack3A_484 {offsets = [8, 9, 0], sizes = [16, 1, 256], strides = [1, 1, 1]} : vector<24x96x256xf32> to vector<16x1x256xf32>
    %squeeze3A_696 = vector.shape_cast %slice3A_695 : vector<16x1x256xf32> to vector<16x256xf32>
    %slice3A_697 = vector.extract_strided_slice %stack3A_484 {offsets = [0, 10, 0], sizes = [16, 1, 256], strides = [1, 1, 1]} : vector<24x96x256xf32> to vector<16x1x256xf32>
    %squeeze3A_698 = vector.shape_cast %slice3A_697 : vector<16x1x256xf32> to vector<16x256xf32>
    %concatenate3A_699 = tpu.concatenate %squeeze3A_696, %squeeze3A_698 in 0 : vector<16x256xf32>, vector<16x256xf32> -> vector<32x256xf32>
    %mul3A_700 = arith.mulf %div3A_694, %concatenate3A_699 : vector<32x256xf32>
    %add3A_701 = arith.addf %add3A_672, %mul3A_700 : vector<32x256xf32>
    %slice3A_702 = vector.extract_strided_slice %stack3A_484 {offsets = [8, 73, 0], sizes = [16, 1, 256], strides = [1, 1, 1]} : vector<24x96x256xf32> to vector<16x1x256xf32>
    %squeeze3A_703 = vector.shape_cast %slice3A_702 : vector<16x1x256xf32> to vector<16x256xf32>
    %slice3A_704 = vector.extract_strided_slice %stack3A_484 {offsets = [0, 74, 0], sizes = [16, 1, 256], strides = [1, 1, 1]} : vector<24x96x256xf32> to vector<16x1x256xf32>
    %squeeze3A_705 = vector.shape_cast %slice3A_704 : vector<16x1x256xf32> to vector<16x256xf32>
    %concatenate3A_706 = tpu.concatenate %squeeze3A_703, %squeeze3A_705 in 0 : vector<16x256xf32>, vector<16x256xf32> -> vector<32x256xf32>
    %max3A_707 = arith.maximumf %max3A_678, %concatenate3A_706 : vector<32x256xf32>
    %slice3A_708 = vector.extract_strided_slice %stack3A_484 {offsets = [16, 42, 0], sizes = [8, 1, 256], strides = [1, 1, 1]} : vector<24x96x256xf32> to vector<8x1x256xf32>
    %squeeze3A_709 = vector.shape_cast %slice3A_708 : vector<8x1x256xf32> to vector<8x256xf32>
    %slice3A_710 = vector.extract_strided_slice %stack3A_484 {offsets = [0, 43, 0], sizes = [24, 1, 256], strides = [1, 1, 1]} : vector<24x96x256xf32> to vector<24x1x256xf32>
    %squeeze3A_711 = vector.shape_cast %slice3A_710 : vector<24x1x256xf32> to vector<24x256xf32>
    %concatenate3A_712 = tpu.concatenate %squeeze3A_709, %squeeze3A_711 in 0 : vector<8x256xf32>, vector<24x256xf32> -> vector<32x256xf32>
    %reduce_max3A_713 = arith.constant dense<0xFF800000> : vector<256xf32>
    %reduce_max3A_714 = vector.multi_reduction <maximumf>, %concatenate3A_712, %reduce_max3A_713 [0] : vector<32x256xf32> to vector<256xf32>
    %broadcast_in_dim3A_715 = vector.shape_cast %reduce_max3A_714 : vector<256xf32> to vector<1x256xf32>
    %sub3A_716 = vector.broadcast %broadcast_in_dim3A_715 : vector<1x256xf32> to vector<32x256xf32>
    %sub3A_717 = arith.subf %concatenate3A_712, %sub3A_716 : vector<32x256xf32>
    %exp3A_718 = math.exp %sub3A_717 : vector<32x256xf32>
    %reduce_sum3A_719 = arith.constant dense<0.000000e+00> : vector<256xf32>
    %reduce_sum3A_720 = vector.multi_reduction <add>, %exp3A_718, %reduce_sum3A_719 [0] : vector<32x256xf32> to vector<256xf32>
    %broadcast_in_dim3A_721 = vector.shape_cast %reduce_sum3A_720 : vector<256xf32> to vector<1x256xf32>
    %div3A_722 = vector.broadcast %broadcast_in_dim3A_721 : vector<1x256xf32> to vector<32x256xf32>
    %div3A_723 = arith.divf %exp3A_718, %div3A_722 : vector<32x256xf32>
    %slice3A_724 = vector.extract_strided_slice %stack3A_484 {offsets = [16, 10, 0], sizes = [8, 1, 256], strides = [1, 1, 1]} : vector<24x96x256xf32> to vector<8x1x256xf32>
    %squeeze3A_725 = vector.shape_cast %slice3A_724 : vector<8x1x256xf32> to vector<8x256xf32>
    %slice3A_726 = vector.extract_strided_slice %stack3A_484 {offsets = [0, 11, 0], sizes = [24, 1, 256], strides = [1, 1, 1]} : vector<24x96x256xf32> to vector<24x1x256xf32>
    %squeeze3A_727 = vector.shape_cast %slice3A_726 : vector<24x1x256xf32> to vector<24x256xf32>
    %concatenate3A_728 = tpu.concatenate %squeeze3A_725, %squeeze3A_727 in 0 : vector<8x256xf32>, vector<24x256xf32> -> vector<32x256xf32>
    %mul3A_729 = arith.mulf %div3A_723, %concatenate3A_728 : vector<32x256xf32>
    %add3A_730 = arith.addf %add3A_701, %mul3A_729 : vector<32x256xf32>
    %slice3A_731 = vector.extract_strided_slice %stack3A_484 {offsets = [16, 74, 0], sizes = [8, 1, 256], strides = [1, 1, 1]} : vector<24x96x256xf32> to vector<8x1x256xf32>
    %squeeze3A_732 = vector.shape_cast %slice3A_731 : vector<8x1x256xf32> to vector<8x256xf32>
    %slice3A_733 = vector.extract_strided_slice %stack3A_484 {offsets = [0, 75, 0], sizes = [24, 1, 256], strides = [1, 1, 1]} : vector<24x96x256xf32> to vector<24x1x256xf32>
    %squeeze3A_734 = vector.shape_cast %slice3A_733 : vector<24x1x256xf32> to vector<24x256xf32>
    %concatenate3A_735 = tpu.concatenate %squeeze3A_732, %squeeze3A_734 in 0 : vector<8x256xf32>, vector<24x256xf32> -> vector<32x256xf32>
    %max3A_736 = arith.maximumf %max3A_707, %concatenate3A_735 : vector<32x256xf32>
    %slice3A_737 = vector.extract_strided_slice %stack3A_484 {offsets = [0, 44, 0], sizes = [24, 1, 256], strides = [1, 1, 1]} : vector<24x96x256xf32> to vector<24x1x256xf32>
    %squeeze3A_738 = vector.shape_cast %slice3A_737 : vector<24x1x256xf32> to vector<24x256xf32>
    %slice3A_739 = vector.extract_strided_slice %stack3A_484 {offsets = [0, 45, 0], sizes = [8, 1, 256], strides = [1, 1, 1]} : vector<24x96x256xf32> to vector<8x1x256xf32>
    %squeeze3A_740 = vector.shape_cast %slice3A_739 : vector<8x1x256xf32> to vector<8x256xf32>
    %concatenate3A_741 = tpu.concatenate %squeeze3A_738, %squeeze3A_740 in 0 : vector<24x256xf32>, vector<8x256xf32> -> vector<32x256xf32>
    %reduce_max3A_742 = arith.constant dense<0xFF800000> : vector<256xf32>
    %reduce_max3A_743 = vector.multi_reduction <maximumf>, %concatenate3A_741, %reduce_max3A_742 [0] : vector<32x256xf32> to vector<256xf32>
    %broadcast_in_dim3A_744 = vector.shape_cast %reduce_max3A_743 : vector<256xf32> to vector<1x256xf32>
    %sub3A_745 = vector.broadcast %broadcast_in_dim3A_744 : vector<1x256xf32> to vector<32x256xf32>
    %sub3A_746 = arith.subf %concatenate3A_741, %sub3A_745 : vector<32x256xf32>
    %exp3A_747 = math.exp %sub3A_746 : vector<32x256xf32>
    %reduce_sum3A_748 = arith.constant dense<0.000000e+00> : vector<256xf32>
    %reduce_sum3A_749 = vector.multi_reduction <add>, %exp3A_747, %reduce_sum3A_748 [0] : vector<32x256xf32> to vector<256xf32>
    %broadcast_in_dim3A_750 = vector.shape_cast %reduce_sum3A_749 : vector<256xf32> to vector<1x256xf32>
    %div3A_751 = vector.broadcast %broadcast_in_dim3A_750 : vector<1x256xf32> to vector<32x256xf32>
    %div3A_752 = arith.divf %exp3A_747, %div3A_751 : vector<32x256xf32>
    %slice3A_753 = vector.extract_strided_slice %stack3A_484 {offsets = [0, 12, 0], sizes = [24, 1, 256], strides = [1, 1, 1]} : vector<24x96x256xf32> to vector<24x1x256xf32>
    %squeeze3A_754 = vector.shape_cast %slice3A_753 : vector<24x1x256xf32> to vector<24x256xf32>
    %slice3A_755 = vector.extract_strided_slice %stack3A_484 {offsets = [0, 13, 0], sizes = [8, 1, 256], strides = [1, 1, 1]} : vector<24x96x256xf32> to vector<8x1x256xf32>
    %squeeze3A_756 = vector.shape_cast %slice3A_755 : vector<8x1x256xf32> to vector<8x256xf32>
    %concatenate3A_757 = tpu.concatenate %squeeze3A_754, %squeeze3A_756 in 0 : vector<24x256xf32>, vector<8x256xf32> -> vector<32x256xf32>
    %mul3A_758 = arith.mulf %div3A_752, %concatenate3A_757 : vector<32x256xf32>
    %add3A_759 = arith.addf %add3A_730, %mul3A_758 : vector<32x256xf32>
    %slice3A_760 = vector.extract_strided_slice %stack3A_484 {offsets = [0, 76, 0], sizes = [24, 1, 256], strides = [1, 1, 1]} : vector<24x96x256xf32> to vector<24x1x256xf32>
    %squeeze3A_761 = vector.shape_cast %slice3A_760 : vector<24x1x256xf32> to vector<24x256xf32>
    %slice3A_762 = vector.extract_strided_slice %stack3A_484 {offsets = [0, 77, 0], sizes = [8, 1, 256], strides = [1, 1, 1]} : vector<24x96x256xf32> to vector<8x1x256xf32>
    %squeeze3A_763 = vector.shape_cast %slice3A_762 : vector<8x1x256xf32> to vector<8x256xf32>
    %concatenate3A_764 = tpu.concatenate %squeeze3A_761, %squeeze3A_763 in 0 : vector<24x256xf32>, vector<8x256xf32> -> vector<32x256xf32>
    %max3A_765 = arith.maximumf %max3A_736, %concatenate3A_764 : vector<32x256xf32>
    %slice3A_766 = vector.extract_strided_slice %stack3A_484 {offsets = [8, 45, 0], sizes = [16, 1, 256], strides = [1, 1, 1]} : vector<24x96x256xf32> to vector<16x1x256xf32>
    %squeeze3A_767 = vector.shape_cast %slice3A_766 : vector<16x1x256xf32> to vector<16x256xf32>
    %slice3A_768 = vector.extract_strided_slice %stack3A_484 {offsets = [0, 46, 0], sizes = [16, 1, 256], strides = [1, 1, 1]} : vector<24x96x256xf32> to vector<16x1x256xf32>
    %squeeze3A_769 = vector.shape_cast %slice3A_768 : vector<16x1x256xf32> to vector<16x256xf32>
    %concatenate3A_770 = tpu.concatenate %squeeze3A_767, %squeeze3A_769 in 0 : vector<16x256xf32>, vector<16x256xf32> -> vector<32x256xf32>
    %reduce_max3A_771 = arith.constant dense<0xFF800000> : vector<256xf32>
    %reduce_max3A_772 = vector.multi_reduction <maximumf>, %concatenate3A_770, %reduce_max3A_771 [0] : vector<32x256xf32> to vector<256xf32>
    %broadcast_in_dim3A_773 = vector.shape_cast %reduce_max3A_772 : vector<256xf32> to vector<1x256xf32>
    %sub3A_774 = vector.broadcast %broadcast_in_dim3A_773 : vector<1x256xf32> to vector<32x256xf32>
    %sub3A_775 = arith.subf %concatenate3A_770, %sub3A_774 : vector<32x256xf32>
    %exp3A_776 = math.exp %sub3A_775 : vector<32x256xf32>
    %reduce_sum3A_777 = arith.constant dense<0.000000e+00> : vector<256xf32>
    %reduce_sum3A_778 = vector.multi_reduction <add>, %exp3A_776, %reduce_sum3A_777 [0] : vector<32x256xf32> to vector<256xf32>
    %broadcast_in_dim3A_779 = vector.shape_cast %reduce_sum3A_778 : vector<256xf32> to vector<1x256xf32>
    %div3A_780 = vector.broadcast %broadcast_in_dim3A_779 : vector<1x256xf32> to vector<32x256xf32>
    %div3A_781 = arith.divf %exp3A_776, %div3A_780 : vector<32x256xf32>
    %slice3A_782 = vector.extract_strided_slice %stack3A_484 {offsets = [8, 13, 0], sizes = [16, 1, 256], strides = [1, 1, 1]} : vector<24x96x256xf32> to vector<16x1x256xf32>
    %squeeze3A_783 = vector.shape_cast %slice3A_782 : vector<16x1x256xf32> to vector<16x256xf32>
    %slice3A_784 = vector.extract_strided_slice %stack3A_484 {offsets = [0, 14, 0], sizes = [16, 1, 256], strides = [1, 1, 1]} : vector<24x96x256xf32> to vector<16x1x256xf32>
    %squeeze3A_785 = vector.shape_cast %slice3A_784 : vector<16x1x256xf32> to vector<16x256xf32>
    %concatenate3A_786 = tpu.concatenate %squeeze3A_783, %squeeze3A_785 in 0 : vector<16x256xf32>, vector<16x256xf32> -> vector<32x256xf32>
    %mul3A_787 = arith.mulf %div3A_781, %concatenate3A_786 : vector<32x256xf32>
    %add3A_788 = arith.addf %add3A_759, %mul3A_787 : vector<32x256xf32>
    %slice3A_789 = vector.extract_strided_slice %stack3A_484 {offsets = [8, 77, 0], sizes = [16, 1, 256], strides = [1, 1, 1]} : vector<24x96x256xf32> to vector<16x1x256xf32>
    %squeeze3A_790 = vector.shape_cast %slice3A_789 : vector<16x1x256xf32> to vector<16x256xf32>
    %slice3A_791 = vector.extract_strided_slice %stack3A_484 {offsets = [0, 78, 0], sizes = [16, 1, 256], strides = [1, 1, 1]} : vector<24x96x256xf32> to vector<16x1x256xf32>
    %squeeze3A_792 = vector.shape_cast %slice3A_791 : vector<16x1x256xf32> to vector<16x256xf32>
    %concatenate3A_793 = tpu.concatenate %squeeze3A_790, %squeeze3A_792 in 0 : vector<16x256xf32>, vector<16x256xf32> -> vector<32x256xf32>
    %max3A_794 = arith.maximumf %max3A_765, %concatenate3A_793 : vector<32x256xf32>
    %slice3A_795 = vector.extract_strided_slice %stack3A_484 {offsets = [16, 46, 0], sizes = [8, 1, 256], strides = [1, 1, 1]} : vector<24x96x256xf32> to vector<8x1x256xf32>
    %squeeze3A_796 = vector.shape_cast %slice3A_795 : vector<8x1x256xf32> to vector<8x256xf32>
    %slice3A_797 = vector.extract_strided_slice %stack3A_484 {offsets = [0, 47, 0], sizes = [24, 1, 256], strides = [1, 1, 1]} : vector<24x96x256xf32> to vector<24x1x256xf32>
    %squeeze3A_798 = vector.shape_cast %slice3A_797 : vector<24x1x256xf32> to vector<24x256xf32>
    %concatenate3A_799 = tpu.concatenate %squeeze3A_796, %squeeze3A_798 in 0 : vector<8x256xf32>, vector<24x256xf32> -> vector<32x256xf32>
    %reduce_max3A_800 = arith.constant dense<0xFF800000> : vector<256xf32>
    %reduce_max3A_801 = vector.multi_reduction <maximumf>, %concatenate3A_799, %reduce_max3A_800 [0] : vector<32x256xf32> to vector<256xf32>
    %broadcast_in_dim3A_802 = vector.shape_cast %reduce_max3A_801 : vector<256xf32> to vector<1x256xf32>
    %sub3A_803 = vector.broadcast %broadcast_in_dim3A_802 : vector<1x256xf32> to vector<32x256xf32>
    %sub3A_804 = arith.subf %concatenate3A_799, %sub3A_803 : vector<32x256xf32>
    %exp3A_805 = math.exp %sub3A_804 : vector<32x256xf32>
    %reduce_sum3A_806 = arith.constant dense<0.000000e+00> : vector<256xf32>
    %reduce_sum3A_807 = vector.multi_reduction <add>, %exp3A_805, %reduce_sum3A_806 [0] : vector<32x256xf32> to vector<256xf32>
    %broadcast_in_dim3A_808 = vector.shape_cast %reduce_sum3A_807 : vector<256xf32> to vector<1x256xf32>
    %div3A_809 = vector.broadcast %broadcast_in_dim3A_808 : vector<1x256xf32> to vector<32x256xf32>
    %div3A_810 = arith.divf %exp3A_805, %div3A_809 : vector<32x256xf32>
    %slice3A_811 = vector.extract_strided_slice %stack3A_484 {offsets = [16, 14, 0], sizes = [8, 1, 256], strides = [1, 1, 1]} : vector<24x96x256xf32> to vector<8x1x256xf32>
    %squeeze3A_812 = vector.shape_cast %slice3A_811 : vector<8x1x256xf32> to vector<8x256xf32>
    %slice3A_813 = vector.extract_strided_slice %stack3A_484 {offsets = [0, 15, 0], sizes = [24, 1, 256], strides = [1, 1, 1]} : vector<24x96x256xf32> to vector<24x1x256xf32>
    %squeeze3A_814 = vector.shape_cast %slice3A_813 : vector<24x1x256xf32> to vector<24x256xf32>
    %concatenate3A_815 = tpu.concatenate %squeeze3A_812, %squeeze3A_814 in 0 : vector<8x256xf32>, vector<24x256xf32> -> vector<32x256xf32>
    %mul3A_816 = arith.mulf %div3A_810, %concatenate3A_815 : vector<32x256xf32>
    %add3A_817 = arith.addf %add3A_788, %mul3A_816 : vector<32x256xf32>
    %slice3A_818 = vector.extract_strided_slice %stack3A_484 {offsets = [16, 78, 0], sizes = [8, 1, 256], strides = [1, 1, 1]} : vector<24x96x256xf32> to vector<8x1x256xf32>
    %squeeze3A_819 = vector.shape_cast %slice3A_818 : vector<8x1x256xf32> to vector<8x256xf32>
    %slice3A_820 = vector.extract_strided_slice %stack3A_484 {offsets = [0, 79, 0], sizes = [24, 1, 256], strides = [1, 1, 1]} : vector<24x96x256xf32> to vector<24x1x256xf32>
    %squeeze3A_821 = vector.shape_cast %slice3A_820 : vector<24x1x256xf32> to vector<24x256xf32>
    %concatenate3A_822 = tpu.concatenate %squeeze3A_819, %squeeze3A_821 in 0 : vector<8x256xf32>, vector<24x256xf32> -> vector<32x256xf32>
    %max3A_823 = arith.maximumf %max3A_794, %concatenate3A_822 : vector<32x256xf32>
    %slice3A_824 = vector.extract_strided_slice %stack3A_484 {offsets = [0, 48, 0], sizes = [24, 1, 256], strides = [1, 1, 1]} : vector<24x96x256xf32> to vector<24x1x256xf32>
    %squeeze3A_825 = vector.shape_cast %slice3A_824 : vector<24x1x256xf32> to vector<24x256xf32>
    %slice3A_826 = vector.extract_strided_slice %stack3A_484 {offsets = [0, 49, 0], sizes = [8, 1, 256], strides = [1, 1, 1]} : vector<24x96x256xf32> to vector<8x1x256xf32>
    %squeeze3A_827 = vector.shape_cast %slice3A_826 : vector<8x1x256xf32> to vector<8x256xf32>
    %concatenate3A_828 = tpu.concatenate %squeeze3A_825, %squeeze3A_827 in 0 : vector<24x256xf32>, vector<8x256xf32> -> vector<32x256xf32>
    %reduce_max3A_829 = arith.constant dense<0xFF800000> : vector<256xf32>
    %reduce_max3A_830 = vector.multi_reduction <maximumf>, %concatenate3A_828, %reduce_max3A_829 [0] : vector<32x256xf32> to vector<256xf32>
    %broadcast_in_dim3A_831 = vector.shape_cast %reduce_max3A_830 : vector<256xf32> to vector<1x256xf32>
    %sub3A_832 = vector.broadcast %broadcast_in_dim3A_831 : vector<1x256xf32> to vector<32x256xf32>
    %sub3A_833 = arith.subf %concatenate3A_828, %sub3A_832 : vector<32x256xf32>
    %exp3A_834 = math.exp %sub3A_833 : vector<32x256xf32>
    %reduce_sum3A_835 = arith.constant dense<0.000000e+00> : vector<256xf32>
    %reduce_sum3A_836 = vector.multi_reduction <add>, %exp3A_834, %reduce_sum3A_835 [0] : vector<32x256xf32> to vector<256xf32>
    %broadcast_in_dim3A_837 = vector.shape_cast %reduce_sum3A_836 : vector<256xf32> to vector<1x256xf32>
    %div3A_838 = vector.broadcast %broadcast_in_dim3A_837 : vector<1x256xf32> to vector<32x256xf32>
    %div3A_839 = arith.divf %exp3A_834, %div3A_838 : vector<32x256xf32>
    %slice3A_840 = vector.extract_strided_slice %stack3A_484 {offsets = [0, 16, 0], sizes = [24, 1, 256], strides = [1, 1, 1]} : vector<24x96x256xf32> to vector<24x1x256xf32>
    %squeeze3A_841 = vector.shape_cast %slice3A_840 : vector<24x1x256xf32> to vector<24x256xf32>
    %slice3A_842 = vector.extract_strided_slice %stack3A_484 {offsets = [0, 17, 0], sizes = [8, 1, 256], strides = [1, 1, 1]} : vector<24x96x256xf32> to vector<8x1x256xf32>
    %squeeze3A_843 = vector.shape_cast %slice3A_842 : vector<8x1x256xf32> to vector<8x256xf32>
    %concatenate3A_844 = tpu.concatenate %squeeze3A_841, %squeeze3A_843 in 0 : vector<24x256xf32>, vector<8x256xf32> -> vector<32x256xf32>
    %mul3A_845 = arith.mulf %div3A_839, %concatenate3A_844 : vector<32x256xf32>
    %add3A_846 = arith.addf %add3A_817, %mul3A_845 : vector<32x256xf32>
    %slice3A_847 = vector.extract_strided_slice %stack3A_484 {offsets = [0, 80, 0], sizes = [24, 1, 256], strides = [1, 1, 1]} : vector<24x96x256xf32> to vector<24x1x256xf32>
    %squeeze3A_848 = vector.shape_cast %slice3A_847 : vector<24x1x256xf32> to vector<24x256xf32>
    %slice3A_849 = vector.extract_strided_slice %stack3A_484 {offsets = [0, 81, 0], sizes = [8, 1, 256], strides = [1, 1, 1]} : vector<24x96x256xf32> to vector<8x1x256xf32>
    %squeeze3A_850 = vector.shape_cast %slice3A_849 : vector<8x1x256xf32> to vector<8x256xf32>
    %concatenate3A_851 = tpu.concatenate %squeeze3A_848, %squeeze3A_850 in 0 : vector<24x256xf32>, vector<8x256xf32> -> vector<32x256xf32>
    %max3A_852 = arith.maximumf %max3A_823, %concatenate3A_851 : vector<32x256xf32>
    %slice3A_853 = vector.extract_strided_slice %stack3A_484 {offsets = [8, 49, 0], sizes = [16, 1, 256], strides = [1, 1, 1]} : vector<24x96x256xf32> to vector<16x1x256xf32>
    %squeeze3A_854 = vector.shape_cast %slice3A_853 : vector<16x1x256xf32> to vector<16x256xf32>
    %slice3A_855 = vector.extract_strided_slice %stack3A_484 {offsets = [0, 50, 0], sizes = [16, 1, 256], strides = [1, 1, 1]} : vector<24x96x256xf32> to vector<16x1x256xf32>
    %squeeze3A_856 = vector.shape_cast %slice3A_855 : vector<16x1x256xf32> to vector<16x256xf32>
    %concatenate3A_857 = tpu.concatenate %squeeze3A_854, %squeeze3A_856 in 0 : vector<16x256xf32>, vector<16x256xf32> -> vector<32x256xf32>
    %reduce_max3A_858 = arith.constant dense<0xFF800000> : vector<256xf32>
    %reduce_max3A_859 = vector.multi_reduction <maximumf>, %concatenate3A_857, %reduce_max3A_858 [0] : vector<32x256xf32> to vector<256xf32>
    %broadcast_in_dim3A_860 = vector.shape_cast %reduce_max3A_859 : vector<256xf32> to vector<1x256xf32>
    %sub3A_861 = vector.broadcast %broadcast_in_dim3A_860 : vector<1x256xf32> to vector<32x256xf32>
    %sub3A_862 = arith.subf %concatenate3A_857, %sub3A_861 : vector<32x256xf32>
    %exp3A_863 = math.exp %sub3A_862 : vector<32x256xf32>
    %reduce_sum3A_864 = arith.constant dense<0.000000e+00> : vector<256xf32>
    %reduce_sum3A_865 = vector.multi_reduction <add>, %exp3A_863, %reduce_sum3A_864 [0] : vector<32x256xf32> to vector<256xf32>
    %broadcast_in_dim3A_866 = vector.shape_cast %reduce_sum3A_865 : vector<256xf32> to vector<1x256xf32>
    %div3A_867 = vector.broadcast %broadcast_in_dim3A_866 : vector<1x256xf32> to vector<32x256xf32>
    %div3A_868 = arith.divf %exp3A_863, %div3A_867 : vector<32x256xf32>
    %slice3A_869 = vector.extract_strided_slice %stack3A_484 {offsets = [8, 17, 0], sizes = [16, 1, 256], strides = [1, 1, 1]} : vector<24x96x256xf32> to vector<16x1x256xf32>
    %squeeze3A_870 = vector.shape_cast %slice3A_869 : vector<16x1x256xf32> to vector<16x256xf32>
    %slice3A_871 = vector.extract_strided_slice %stack3A_484 {offsets = [0, 18, 0], sizes = [16, 1, 256], strides = [1, 1, 1]} : vector<24x96x256xf32> to vector<16x1x256xf32>
    %squeeze3A_872 = vector.shape_cast %slice3A_871 : vector<16x1x256xf32> to vector<16x256xf32>
    %concatenate3A_873 = tpu.concatenate %squeeze3A_870, %squeeze3A_872 in 0 : vector<16x256xf32>, vector<16x256xf32> -> vector<32x256xf32>
    %mul3A_874 = arith.mulf %div3A_868, %concatenate3A_873 : vector<32x256xf32>
    %add3A_875 = arith.addf %add3A_846, %mul3A_874 : vector<32x256xf32>
    %slice3A_876 = vector.extract_strided_slice %stack3A_484 {offsets = [8, 81, 0], sizes = [16, 1, 256], strides = [1, 1, 1]} : vector<24x96x256xf32> to vector<16x1x256xf32>
    %squeeze3A_877 = vector.shape_cast %slice3A_876 : vector<16x1x256xf32> to vector<16x256xf32>
    %slice3A_878 = vector.extract_strided_slice %stack3A_484 {offsets = [0, 82, 0], sizes = [16, 1, 256], strides = [1, 1, 1]} : vector<24x96x256xf32> to vector<16x1x256xf32>
    %squeeze3A_879 = vector.shape_cast %slice3A_878 : vector<16x1x256xf32> to vector<16x256xf32>
    %concatenate3A_880 = tpu.concatenate %squeeze3A_877, %squeeze3A_879 in 0 : vector<16x256xf32>, vector<16x256xf32> -> vector<32x256xf32>
    %max3A_881 = arith.maximumf %max3A_852, %concatenate3A_880 : vector<32x256xf32>
    %slice3A_882 = vector.extract_strided_slice %stack3A_484 {offsets = [16, 50, 0], sizes = [8, 1, 256], strides = [1, 1, 1]} : vector<24x96x256xf32> to vector<8x1x256xf32>
    %squeeze3A_883 = vector.shape_cast %slice3A_882 : vector<8x1x256xf32> to vector<8x256xf32>
    %slice3A_884 = vector.extract_strided_slice %stack3A_484 {offsets = [0, 51, 0], sizes = [24, 1, 256], strides = [1, 1, 1]} : vector<24x96x256xf32> to vector<24x1x256xf32>
    %squeeze3A_885 = vector.shape_cast %slice3A_884 : vector<24x1x256xf32> to vector<24x256xf32>
    %concatenate3A_886 = tpu.concatenate %squeeze3A_883, %squeeze3A_885 in 0 : vector<8x256xf32>, vector<24x256xf32> -> vector<32x256xf32>
    %reduce_max3A_887 = arith.constant dense<0xFF800000> : vector<256xf32>
    %reduce_max3A_888 = vector.multi_reduction <maximumf>, %concatenate3A_886, %reduce_max3A_887 [0] : vector<32x256xf32> to vector<256xf32>
    %broadcast_in_dim3A_889 = vector.shape_cast %reduce_max3A_888 : vector<256xf32> to vector<1x256xf32>
    %sub3A_890 = vector.broadcast %broadcast_in_dim3A_889 : vector<1x256xf32> to vector<32x256xf32>
    %sub3A_891 = arith.subf %concatenate3A_886, %sub3A_890 : vector<32x256xf32>
    %exp3A_892 = math.exp %sub3A_891 : vector<32x256xf32>
    %reduce_sum3A_893 = arith.constant dense<0.000000e+00> : vector<256xf32>
    %reduce_sum3A_894 = vector.multi_reduction <add>, %exp3A_892, %reduce_sum3A_893 [0] : vector<32x256xf32> to vector<256xf32>
    %broadcast_in_dim3A_895 = vector.shape_cast %reduce_sum3A_894 : vector<256xf32> to vector<1x256xf32>
    %div3A_896 = vector.broadcast %broadcast_in_dim3A_895 : vector<1x256xf32> to vector<32x256xf32>
    %div3A_897 = arith.divf %exp3A_892, %div3A_896 : vector<32x256xf32>
    %slice3A_898 = vector.extract_strided_slice %stack3A_484 {offsets = [16, 18, 0], sizes = [8, 1, 256], strides = [1, 1, 1]} : vector<24x96x256xf32> to vector<8x1x256xf32>
    %squeeze3A_899 = vector.shape_cast %slice3A_898 : vector<8x1x256xf32> to vector<8x256xf32>
    %slice3A_900 = vector.extract_strided_slice %stack3A_484 {offsets = [0, 19, 0], sizes = [24, 1, 256], strides = [1, 1, 1]} : vector<24x96x256xf32> to vector<24x1x256xf32>
    %squeeze3A_901 = vector.shape_cast %slice3A_900 : vector<24x1x256xf32> to vector<24x256xf32>
    %concatenate3A_902 = tpu.concatenate %squeeze3A_899, %squeeze3A_901 in 0 : vector<8x256xf32>, vector<24x256xf32> -> vector<32x256xf32>
    %mul3A_903 = arith.mulf %div3A_897, %concatenate3A_902 : vector<32x256xf32>
    %add3A_904 = arith.addf %add3A_875, %mul3A_903 : vector<32x256xf32>
    %slice3A_905 = vector.extract_strided_slice %stack3A_484 {offsets = [16, 82, 0], sizes = [8, 1, 256], strides = [1, 1, 1]} : vector<24x96x256xf32> to vector<8x1x256xf32>
    %squeeze3A_906 = vector.shape_cast %slice3A_905 : vector<8x1x256xf32> to vector<8x256xf32>
    %slice3A_907 = vector.extract_strided_slice %stack3A_484 {offsets = [0, 83, 0], sizes = [24, 1, 256], strides = [1, 1, 1]} : vector<24x96x256xf32> to vector<24x1x256xf32>
    %squeeze3A_908 = vector.shape_cast %slice3A_907 : vector<24x1x256xf32> to vector<24x256xf32>
    %concatenate3A_909 = tpu.concatenate %squeeze3A_906, %squeeze3A_908 in 0 : vector<8x256xf32>, vector<24x256xf32> -> vector<32x256xf32>
    %max3A_910 = arith.maximumf %max3A_881, %concatenate3A_909 : vector<32x256xf32>
    %slice3A_911 = vector.extract_strided_slice %stack3A_484 {offsets = [0, 52, 0], sizes = [24, 1, 256], strides = [1, 1, 1]} : vector<24x96x256xf32> to vector<24x1x256xf32>
    %squeeze3A_912 = vector.shape_cast %slice3A_911 : vector<24x1x256xf32> to vector<24x256xf32>
    %slice3A_913 = vector.extract_strided_slice %stack3A_484 {offsets = [0, 53, 0], sizes = [8, 1, 256], strides = [1, 1, 1]} : vector<24x96x256xf32> to vector<8x1x256xf32>
    %squeeze3A_914 = vector.shape_cast %slice3A_913 : vector<8x1x256xf32> to vector<8x256xf32>
    %concatenate3A_915 = tpu.concatenate %squeeze3A_912, %squeeze3A_914 in 0 : vector<24x256xf32>, vector<8x256xf32> -> vector<32x256xf32>
    %reduce_max3A_916 = arith.constant dense<0xFF800000> : vector<256xf32>
    %reduce_max3A_917 = vector.multi_reduction <maximumf>, %concatenate3A_915, %reduce_max3A_916 [0] : vector<32x256xf32> to vector<256xf32>
    %broadcast_in_dim3A_918 = vector.shape_cast %reduce_max3A_917 : vector<256xf32> to vector<1x256xf32>
    %sub3A_919 = vector.broadcast %broadcast_in_dim3A_918 : vector<1x256xf32> to vector<32x256xf32>
    %sub3A_920 = arith.subf %concatenate3A_915, %sub3A_919 : vector<32x256xf32>
    %exp3A_921 = math.exp %sub3A_920 : vector<32x256xf32>
    %reduce_sum3A_922 = arith.constant dense<0.000000e+00> : vector<256xf32>
    %reduce_sum3A_923 = vector.multi_reduction <add>, %exp3A_921, %reduce_sum3A_922 [0] : vector<32x256xf32> to vector<256xf32>
    %broadcast_in_dim3A_924 = vector.shape_cast %reduce_sum3A_923 : vector<256xf32> to vector<1x256xf32>
    %div3A_925 = vector.broadcast %broadcast_in_dim3A_924 : vector<1x256xf32> to vector<32x256xf32>
    %div3A_926 = arith.divf %exp3A_921, %div3A_925 : vector<32x256xf32>
    %slice3A_927 = vector.extract_strided_slice %stack3A_484 {offsets = [0, 20, 0], sizes = [24, 1, 256], strides = [1, 1, 1]} : vector<24x96x256xf32> to vector<24x1x256xf32>
    %squeeze3A_928 = vector.shape_cast %slice3A_927 : vector<24x1x256xf32> to vector<24x256xf32>
    %slice3A_929 = vector.extract_strided_slice %stack3A_484 {offsets = [0, 21, 0], sizes = [8, 1, 256], strides = [1, 1, 1]} : vector<24x96x256xf32> to vector<8x1x256xf32>
    %squeeze3A_930 = vector.shape_cast %slice3A_929 : vector<8x1x256xf32> to vector<8x256xf32>
    %concatenate3A_931 = tpu.concatenate %squeeze3A_928, %squeeze3A_930 in 0 : vector<24x256xf32>, vector<8x256xf32> -> vector<32x256xf32>
    %mul3A_932 = arith.mulf %div3A_926, %concatenate3A_931 : vector<32x256xf32>
    %add3A_933 = arith.addf %add3A_904, %mul3A_932 : vector<32x256xf32>
    %slice3A_934 = vector.extract_strided_slice %stack3A_484 {offsets = [0, 84, 0], sizes = [24, 1, 256], strides = [1, 1, 1]} : vector<24x96x256xf32> to vector<24x1x256xf32>
    %squeeze3A_935 = vector.shape_cast %slice3A_934 : vector<24x1x256xf32> to vector<24x256xf32>
    %slice3A_936 = vector.extract_strided_slice %stack3A_484 {offsets = [0, 85, 0], sizes = [8, 1, 256], strides = [1, 1, 1]} : vector<24x96x256xf32> to vector<8x1x256xf32>
    %squeeze3A_937 = vector.shape_cast %slice3A_936 : vector<8x1x256xf32> to vector<8x256xf32>
    %concatenate3A_938 = tpu.concatenate %squeeze3A_935, %squeeze3A_937 in 0 : vector<24x256xf32>, vector<8x256xf32> -> vector<32x256xf32>
    %max3A_939 = arith.maximumf %max3A_910, %concatenate3A_938 : vector<32x256xf32>
    %slice3A_940 = vector.extract_strided_slice %stack3A_484 {offsets = [8, 53, 0], sizes = [16, 1, 256], strides = [1, 1, 1]} : vector<24x96x256xf32> to vector<16x1x256xf32>
    %squeeze3A_941 = vector.shape_cast %slice3A_940 : vector<16x1x256xf32> to vector<16x256xf32>
    %slice3A_942 = vector.extract_strided_slice %stack3A_484 {offsets = [0, 54, 0], sizes = [16, 1, 256], strides = [1, 1, 1]} : vector<24x96x256xf32> to vector<16x1x256xf32>
    %squeeze3A_943 = vector.shape_cast %slice3A_942 : vector<16x1x256xf32> to vector<16x256xf32>
    %concatenate3A_944 = tpu.concatenate %squeeze3A_941, %squeeze3A_943 in 0 : vector<16x256xf32>, vector<16x256xf32> -> vector<32x256xf32>
    %reduce_max3A_945 = arith.constant dense<0xFF800000> : vector<256xf32>
    %reduce_max3A_946 = vector.multi_reduction <maximumf>, %concatenate3A_944, %reduce_max3A_945 [0] : vector<32x256xf32> to vector<256xf32>
    %broadcast_in_dim3A_947 = vector.shape_cast %reduce_max3A_946 : vector<256xf32> to vector<1x256xf32>
    %sub3A_948 = vector.broadcast %broadcast_in_dim3A_947 : vector<1x256xf32> to vector<32x256xf32>
    %sub3A_949 = arith.subf %concatenate3A_944, %sub3A_948 : vector<32x256xf32>
    %exp3A_950 = math.exp %sub3A_949 : vector<32x256xf32>
    %reduce_sum3A_951 = arith.constant dense<0.000000e+00> : vector<256xf32>
    %reduce_sum3A_952 = vector.multi_reduction <add>, %exp3A_950, %reduce_sum3A_951 [0] : vector<32x256xf32> to vector<256xf32>
    %broadcast_in_dim3A_953 = vector.shape_cast %reduce_sum3A_952 : vector<256xf32> to vector<1x256xf32>
    %div3A_954 = vector.broadcast %broadcast_in_dim3A_953 : vector<1x256xf32> to vector<32x256xf32>
    %div3A_955 = arith.divf %exp3A_950, %div3A_954 : vector<32x256xf32>
    %slice3A_956 = vector.extract_strided_slice %stack3A_484 {offsets = [8, 21, 0], sizes = [16, 1, 256], strides = [1, 1, 1]} : vector<24x96x256xf32> to vector<16x1x256xf32>
    %squeeze3A_957 = vector.shape_cast %slice3A_956 : vector<16x1x256xf32> to vector<16x256xf32>
    %slice3A_958 = vector.extract_strided_slice %stack3A_484 {offsets = [0, 22, 0], sizes = [16, 1, 256], strides = [1, 1, 1]} : vector<24x96x256xf32> to vector<16x1x256xf32>
    %squeeze3A_959 = vector.shape_cast %slice3A_958 : vector<16x1x256xf32> to vector<16x256xf32>
    %concatenate3A_960 = tpu.concatenate %squeeze3A_957, %squeeze3A_959 in 0 : vector<16x256xf32>, vector<16x256xf32> -> vector<32x256xf32>
    %mul3A_961 = arith.mulf %div3A_955, %concatenate3A_960 : vector<32x256xf32>
    %add3A_962 = arith.addf %add3A_933, %mul3A_961 : vector<32x256xf32>
    %slice3A_963 = vector.extract_strided_slice %stack3A_484 {offsets = [8, 85, 0], sizes = [16, 1, 256], strides = [1, 1, 1]} : vector<24x96x256xf32> to vector<16x1x256xf32>
    %squeeze3A_964 = vector.shape_cast %slice3A_963 : vector<16x1x256xf32> to vector<16x256xf32>
    %slice3A_965 = vector.extract_strided_slice %stack3A_484 {offsets = [0, 86, 0], sizes = [16, 1, 256], strides = [1, 1, 1]} : vector<24x96x256xf32> to vector<16x1x256xf32>
    %squeeze3A_966 = vector.shape_cast %slice3A_965 : vector<16x1x256xf32> to vector<16x256xf32>
    %concatenate3A_967 = tpu.concatenate %squeeze3A_964, %squeeze3A_966 in 0 : vector<16x256xf32>, vector<16x256xf32> -> vector<32x256xf32>
    %max3A_968 = arith.maximumf %max3A_939, %concatenate3A_967 : vector<32x256xf32>
    %slice3A_969 = vector.extract_strided_slice %stack3A_484 {offsets = [16, 54, 0], sizes = [8, 1, 256], strides = [1, 1, 1]} : vector<24x96x256xf32> to vector<8x1x256xf32>
    %squeeze3A_970 = vector.shape_cast %slice3A_969 : vector<8x1x256xf32> to vector<8x256xf32>
    %slice3A_971 = vector.extract_strided_slice %stack3A_484 {offsets = [0, 55, 0], sizes = [24, 1, 256], strides = [1, 1, 1]} : vector<24x96x256xf32> to vector<24x1x256xf32>
    %squeeze3A_972 = vector.shape_cast %slice3A_971 : vector<24x1x256xf32> to vector<24x256xf32>
    %concatenate3A_973 = tpu.concatenate %squeeze3A_970, %squeeze3A_972 in 0 : vector<8x256xf32>, vector<24x256xf32> -> vector<32x256xf32>
    %reduce_max3A_974 = arith.constant dense<0xFF800000> : vector<256xf32>
    %reduce_max3A_975 = vector.multi_reduction <maximumf>, %concatenate3A_973, %reduce_max3A_974 [0] : vector<32x256xf32> to vector<256xf32>
    %broadcast_in_dim3A_976 = vector.shape_cast %reduce_max3A_975 : vector<256xf32> to vector<1x256xf32>
    %sub3A_977 = vector.broadcast %broadcast_in_dim3A_976 : vector<1x256xf32> to vector<32x256xf32>
    %sub3A_978 = arith.subf %concatenate3A_973, %sub3A_977 : vector<32x256xf32>
    %exp3A_979 = math.exp %sub3A_978 : vector<32x256xf32>
    %reduce_sum3A_980 = arith.constant dense<0.000000e+00> : vector<256xf32>
    %reduce_sum3A_981 = vector.multi_reduction <add>, %exp3A_979, %reduce_sum3A_980 [0] : vector<32x256xf32> to vector<256xf32>
    %broadcast_in_dim3A_982 = vector.shape_cast %reduce_sum3A_981 : vector<256xf32> to vector<1x256xf32>
    %div3A_983 = vector.broadcast %broadcast_in_dim3A_982 : vector<1x256xf32> to vector<32x256xf32>
    %div3A_984 = arith.divf %exp3A_979, %div3A_983 : vector<32x256xf32>
    %slice3A_985 = vector.extract_strided_slice %stack3A_484 {offsets = [16, 22, 0], sizes = [8, 1, 256], strides = [1, 1, 1]} : vector<24x96x256xf32> to vector<8x1x256xf32>
    %squeeze3A_986 = vector.shape_cast %slice3A_985 : vector<8x1x256xf32> to vector<8x256xf32>
    %slice3A_987 = vector.extract_strided_slice %stack3A_484 {offsets = [0, 23, 0], sizes = [24, 1, 256], strides = [1, 1, 1]} : vector<24x96x256xf32> to vector<24x1x256xf32>
    %squeeze3A_988 = vector.shape_cast %slice3A_987 : vector<24x1x256xf32> to vector<24x256xf32>
    %concatenate3A_989 = tpu.concatenate %squeeze3A_986, %squeeze3A_988 in 0 : vector<8x256xf32>, vector<24x256xf32> -> vector<32x256xf32>
    %mul3A_990 = arith.mulf %div3A_984, %concatenate3A_989 : vector<32x256xf32>
    %add3A_991 = arith.addf %add3A_962, %mul3A_990 : vector<32x256xf32>
    %slice3A_992 = vector.extract_strided_slice %stack3A_484 {offsets = [16, 86, 0], sizes = [8, 1, 256], strides = [1, 1, 1]} : vector<24x96x256xf32> to vector<8x1x256xf32>
    %squeeze3A_993 = vector.shape_cast %slice3A_992 : vector<8x1x256xf32> to vector<8x256xf32>
    %slice3A_994 = vector.extract_strided_slice %stack3A_484 {offsets = [0, 87, 0], sizes = [24, 1, 256], strides = [1, 1, 1]} : vector<24x96x256xf32> to vector<24x1x256xf32>
    %squeeze3A_995 = vector.shape_cast %slice3A_994 : vector<24x1x256xf32> to vector<24x256xf32>
    %concatenate3A_996 = tpu.concatenate %squeeze3A_993, %squeeze3A_995 in 0 : vector<8x256xf32>, vector<24x256xf32> -> vector<32x256xf32>
    %max3A_997 = arith.maximumf %max3A_968, %concatenate3A_996 : vector<32x256xf32>
    %slice3A_998 = vector.extract_strided_slice %stack3A_484 {offsets = [0, 56, 0], sizes = [24, 1, 256], strides = [1, 1, 1]} : vector<24x96x256xf32> to vector<24x1x256xf32>
    %squeeze3A_999 = vector.shape_cast %slice3A_998 : vector<24x1x256xf32> to vector<24x256xf32>
    %slice3A_1000 = vector.extract_strided_slice %stack3A_484 {offsets = [0, 57, 0], sizes = [8, 1, 256], strides = [1, 1, 1]} : vector<24x96x256xf32> to vector<8x1x256xf32>
    %squeeze3A_1001 = vector.shape_cast %slice3A_1000 : vector<8x1x256xf32> to vector<8x256xf32>
    %concatenate3A_1002 = tpu.concatenate %squeeze3A_999, %squeeze3A_1001 in 0 : vector<24x256xf32>, vector<8x256xf32> -> vector<32x256xf32>
    %reduce_max3A_1003 = arith.constant dense<0xFF800000> : vector<256xf32>
    %reduce_max3A_1004 = vector.multi_reduction <maximumf>, %concatenate3A_1002, %reduce_max3A_1003 [0] : vector<32x256xf32> to vector<256xf32>
    %broadcast_in_dim3A_1005 = vector.shape_cast %reduce_max3A_1004 : vector<256xf32> to vector<1x256xf32>
    %sub3A_1006 = vector.broadcast %broadcast_in_dim3A_1005 : vector<1x256xf32> to vector<32x256xf32>
    %sub3A_1007 = arith.subf %concatenate3A_1002, %sub3A_1006 : vector<32x256xf32>
    %exp3A_1008 = math.exp %sub3A_1007 : vector<32x256xf32>
    %reduce_sum3A_1009 = arith.constant dense<0.000000e+00> : vector<256xf32>
    %reduce_sum3A_1010 = vector.multi_reduction <add>, %exp3A_1008, %reduce_sum3A_1009 [0] : vector<32x256xf32> to vector<256xf32>
    %broadcast_in_dim3A_1011 = vector.shape_cast %reduce_sum3A_1010 : vector<256xf32> to vector<1x256xf32>
    %div3A_1012 = vector.broadcast %broadcast_in_dim3A_1011 : vector<1x256xf32> to vector<32x256xf32>
    %div3A_1013 = arith.divf %exp3A_1008, %div3A_1012 : vector<32x256xf32>
    %slice3A_1014 = vector.extract_strided_slice %stack3A_484 {offsets = [0, 24, 0], sizes = [24, 1, 256], strides = [1, 1, 1]} : vector<24x96x256xf32> to vector<24x1x256xf32>
    %squeeze3A_1015 = vector.shape_cast %slice3A_1014 : vector<24x1x256xf32> to vector<24x256xf32>
    %slice3A_1016 = vector.extract_strided_slice %stack3A_484 {offsets = [0, 25, 0], sizes = [8, 1, 256], strides = [1, 1, 1]} : vector<24x96x256xf32> to vector<8x1x256xf32>
    %squeeze3A_1017 = vector.shape_cast %slice3A_1016 : vector<8x1x256xf32> to vector<8x256xf32>
    %concatenate3A_1018 = tpu.concatenate %squeeze3A_1015, %squeeze3A_1017 in 0 : vector<24x256xf32>, vector<8x256xf32> -> vector<32x256xf32>
    %mul3A_1019 = arith.mulf %div3A_1013, %concatenate3A_1018 : vector<32x256xf32>
    %add3A_1020 = arith.addf %add3A_991, %mul3A_1019 : vector<32x256xf32>
    %slice3A_1021 = vector.extract_strided_slice %stack3A_484 {offsets = [0, 88, 0], sizes = [24, 1, 256], strides = [1, 1, 1]} : vector<24x96x256xf32> to vector<24x1x256xf32>
    %squeeze3A_1022 = vector.shape_cast %slice3A_1021 : vector<24x1x256xf32> to vector<24x256xf32>
    %slice3A_1023 = vector.extract_strided_slice %stack3A_484 {offsets = [0, 89, 0], sizes = [8, 1, 256], strides = [1, 1, 1]} : vector<24x96x256xf32> to vector<8x1x256xf32>
    %squeeze3A_1024 = vector.shape_cast %slice3A_1023 : vector<8x1x256xf32> to vector<8x256xf32>
    %concatenate3A_1025 = tpu.concatenate %squeeze3A_1022, %squeeze3A_1024 in 0 : vector<24x256xf32>, vector<8x256xf32> -> vector<32x256xf32>
    %max3A_1026 = arith.maximumf %max3A_997, %concatenate3A_1025 : vector<32x256xf32>
    %slice3A_1027 = vector.extract_strided_slice %stack3A_484 {offsets = [8, 57, 0], sizes = [16, 1, 256], strides = [1, 1, 1]} : vector<24x96x256xf32> to vector<16x1x256xf32>
    %squeeze3A_1028 = vector.shape_cast %slice3A_1027 : vector<16x1x256xf32> to vector<16x256xf32>
    %slice3A_1029 = vector.extract_strided_slice %stack3A_484 {offsets = [0, 58, 0], sizes = [16, 1, 256], strides = [1, 1, 1]} : vector<24x96x256xf32> to vector<16x1x256xf32>
    %squeeze3A_1030 = vector.shape_cast %slice3A_1029 : vector<16x1x256xf32> to vector<16x256xf32>
    %concatenate3A_1031 = tpu.concatenate %squeeze3A_1028, %squeeze3A_1030 in 0 : vector<16x256xf32>, vector<16x256xf32> -> vector<32x256xf32>
    %reduce_max3A_1032 = arith.constant dense<0xFF800000> : vector<256xf32>
    %reduce_max3A_1033 = vector.multi_reduction <maximumf>, %concatenate3A_1031, %reduce_max3A_1032 [0] : vector<32x256xf32> to vector<256xf32>
    %broadcast_in_dim3A_1034 = vector.shape_cast %reduce_max3A_1033 : vector<256xf32> to vector<1x256xf32>
    %sub3A_1035 = vector.broadcast %broadcast_in_dim3A_1034 : vector<1x256xf32> to vector<32x256xf32>
    %sub3A_1036 = arith.subf %concatenate3A_1031, %sub3A_1035 : vector<32x256xf32>
    %exp3A_1037 = math.exp %sub3A_1036 : vector<32x256xf32>
    %reduce_sum3A_1038 = arith.constant dense<0.000000e+00> : vector<256xf32>
    %reduce_sum3A_1039 = vector.multi_reduction <add>, %exp3A_1037, %reduce_sum3A_1038 [0] : vector<32x256xf32> to vector<256xf32>
    %broadcast_in_dim3A_1040 = vector.shape_cast %reduce_sum3A_1039 : vector<256xf32> to vector<1x256xf32>
    %div3A_1041 = vector.broadcast %broadcast_in_dim3A_1040 : vector<1x256xf32> to vector<32x256xf32>
    %div3A_1042 = arith.divf %exp3A_1037, %div3A_1041 : vector<32x256xf32>
    %slice3A_1043 = vector.extract_strided_slice %stack3A_484 {offsets = [8, 25, 0], sizes = [16, 1, 256], strides = [1, 1, 1]} : vector<24x96x256xf32> to vector<16x1x256xf32>
    %squeeze3A_1044 = vector.shape_cast %slice3A_1043 : vector<16x1x256xf32> to vector<16x256xf32>
    %slice3A_1045 = vector.extract_strided_slice %stack3A_484 {offsets = [0, 26, 0], sizes = [16, 1, 256], strides = [1, 1, 1]} : vector<24x96x256xf32> to vector<16x1x256xf32>
    %squeeze3A_1046 = vector.shape_cast %slice3A_1045 : vector<16x1x256xf32> to vector<16x256xf32>
    %concatenate3A_1047 = tpu.concatenate %squeeze3A_1044, %squeeze3A_1046 in 0 : vector<16x256xf32>, vector<16x256xf32> -> vector<32x256xf32>
    %mul3A_1048 = arith.mulf %div3A_1042, %concatenate3A_1047 : vector<32x256xf32>
    %add3A_1049 = arith.addf %add3A_1020, %mul3A_1048 : vector<32x256xf32>
    %slice3A_1050 = vector.extract_strided_slice %stack3A_484 {offsets = [8, 89, 0], sizes = [16, 1, 256], strides = [1, 1, 1]} : vector<24x96x256xf32> to vector<16x1x256xf32>
    %squeeze3A_1051 = vector.shape_cast %slice3A_1050 : vector<16x1x256xf32> to vector<16x256xf32>
    %slice3A_1052 = vector.extract_strided_slice %stack3A_484 {offsets = [0, 90, 0], sizes = [16, 1, 256], strides = [1, 1, 1]} : vector<24x96x256xf32> to vector<16x1x256xf32>
    %squeeze3A_1053 = vector.shape_cast %slice3A_1052 : vector<16x1x256xf32> to vector<16x256xf32>
    %concatenate3A_1054 = tpu.concatenate %squeeze3A_1051, %squeeze3A_1053 in 0 : vector<16x256xf32>, vector<16x256xf32> -> vector<32x256xf32>
    %max3A_1055 = arith.maximumf %max3A_1026, %concatenate3A_1054 : vector<32x256xf32>
    %slice3A_1056 = vector.extract_strided_slice %stack3A_484 {offsets = [16, 58, 0], sizes = [8, 1, 256], strides = [1, 1, 1]} : vector<24x96x256xf32> to vector<8x1x256xf32>
    %squeeze3A_1057 = vector.shape_cast %slice3A_1056 : vector<8x1x256xf32> to vector<8x256xf32>
    %slice3A_1058 = vector.extract_strided_slice %stack3A_484 {offsets = [0, 59, 0], sizes = [24, 1, 256], strides = [1, 1, 1]} : vector<24x96x256xf32> to vector<24x1x256xf32>
    %squeeze3A_1059 = vector.shape_cast %slice3A_1058 : vector<24x1x256xf32> to vector<24x256xf32>
    %concatenate3A_1060 = tpu.concatenate %squeeze3A_1057, %squeeze3A_1059 in 0 : vector<8x256xf32>, vector<24x256xf32> -> vector<32x256xf32>
    %reduce_max3A_1061 = arith.constant dense<0xFF800000> : vector<256xf32>
    %reduce_max3A_1062 = vector.multi_reduction <maximumf>, %concatenate3A_1060, %reduce_max3A_1061 [0] : vector<32x256xf32> to vector<256xf32>
    %broadcast_in_dim3A_1063 = vector.shape_cast %reduce_max3A_1062 : vector<256xf32> to vector<1x256xf32>
    %sub3A_1064 = vector.broadcast %broadcast_in_dim3A_1063 : vector<1x256xf32> to vector<32x256xf32>
    %sub3A_1065 = arith.subf %concatenate3A_1060, %sub3A_1064 : vector<32x256xf32>
    %exp3A_1066 = math.exp %sub3A_1065 : vector<32x256xf32>
    %reduce_sum3A_1067 = arith.constant dense<0.000000e+00> : vector<256xf32>
    %reduce_sum3A_1068 = vector.multi_reduction <add>, %exp3A_1066, %reduce_sum3A_1067 [0] : vector<32x256xf32> to vector<256xf32>
    %broadcast_in_dim3A_1069 = vector.shape_cast %reduce_sum3A_1068 : vector<256xf32> to vector<1x256xf32>
    %div3A_1070 = vector.broadcast %broadcast_in_dim3A_1069 : vector<1x256xf32> to vector<32x256xf32>
    %div3A_1071 = arith.divf %exp3A_1066, %div3A_1070 : vector<32x256xf32>
    %slice3A_1072 = vector.extract_strided_slice %stack3A_484 {offsets = [16, 26, 0], sizes = [8, 1, 256], strides = [1, 1, 1]} : vector<24x96x256xf32> to vector<8x1x256xf32>
    %squeeze3A_1073 = vector.shape_cast %slice3A_1072 : vector<8x1x256xf32> to vector<8x256xf32>
    %slice3A_1074 = vector.extract_strided_slice %stack3A_484 {offsets = [0, 27, 0], sizes = [24, 1, 256], strides = [1, 1, 1]} : vector<24x96x256xf32> to vector<24x1x256xf32>
    %squeeze3A_1075 = vector.shape_cast %slice3A_1074 : vector<24x1x256xf32> to vector<24x256xf32>
    %concatenate3A_1076 = tpu.concatenate %squeeze3A_1073, %squeeze3A_1075 in 0 : vector<8x256xf32>, vector<24x256xf32> -> vector<32x256xf32>
    %mul3A_1077 = arith.mulf %div3A_1071, %concatenate3A_1076 : vector<32x256xf32>
    %add3A_1078 = arith.addf %add3A_1049, %mul3A_1077 : vector<32x256xf32>
    %slice3A_1079 = vector.extract_strided_slice %stack3A_484 {offsets = [16, 90, 0], sizes = [8, 1, 256], strides = [1, 1, 1]} : vector<24x96x256xf32> to vector<8x1x256xf32>
    %squeeze3A_1080 = vector.shape_cast %slice3A_1079 : vector<8x1x256xf32> to vector<8x256xf32>
    %slice3A_1081 = vector.extract_strided_slice %stack3A_484 {offsets = [0, 91, 0], sizes = [24, 1, 256], strides = [1, 1, 1]} : vector<24x96x256xf32> to vector<24x1x256xf32>
    %squeeze3A_1082 = vector.shape_cast %slice3A_1081 : vector<24x1x256xf32> to vector<24x256xf32>
    %concatenate3A_1083 = tpu.concatenate %squeeze3A_1080, %squeeze3A_1082 in 0 : vector<8x256xf32>, vector<24x256xf32> -> vector<32x256xf32>
    %max3A_1084 = arith.maximumf %max3A_1055, %concatenate3A_1083 : vector<32x256xf32>
    %slice3A_1085 = vector.extract_strided_slice %stack3A_484 {offsets = [0, 60, 0], sizes = [24, 1, 256], strides = [1, 1, 1]} : vector<24x96x256xf32> to vector<24x1x256xf32>
    %squeeze3A_1086 = vector.shape_cast %slice3A_1085 : vector<24x1x256xf32> to vector<24x256xf32>
    %slice3A_1087 = vector.extract_strided_slice %stack3A_484 {offsets = [0, 61, 0], sizes = [8, 1, 256], strides = [1, 1, 1]} : vector<24x96x256xf32> to vector<8x1x256xf32>
    %squeeze3A_1088 = vector.shape_cast %slice3A_1087 : vector<8x1x256xf32> to vector<8x256xf32>
    %concatenate3A_1089 = tpu.concatenate %squeeze3A_1086, %squeeze3A_1088 in 0 : vector<24x256xf32>, vector<8x256xf32> -> vector<32x256xf32>
    %reduce_max3A_1090 = arith.constant dense<0xFF800000> : vector<256xf32>
    %reduce_max3A_1091 = vector.multi_reduction <maximumf>, %concatenate3A_1089, %reduce_max3A_1090 [0] : vector<32x256xf32> to vector<256xf32>
    %broadcast_in_dim3A_1092 = vector.shape_cast %reduce_max3A_1091 : vector<256xf32> to vector<1x256xf32>
    %sub3A_1093 = vector.broadcast %broadcast_in_dim3A_1092 : vector<1x256xf32> to vector<32x256xf32>
    %sub3A_1094 = arith.subf %concatenate3A_1089, %sub3A_1093 : vector<32x256xf32>
    %exp3A_1095 = math.exp %sub3A_1094 : vector<32x256xf32>
    %reduce_sum3A_1096 = arith.constant dense<0.000000e+00> : vector<256xf32>
    %reduce_sum3A_1097 = vector.multi_reduction <add>, %exp3A_1095, %reduce_sum3A_1096 [0] : vector<32x256xf32> to vector<256xf32>
    %broadcast_in_dim3A_1098 = vector.shape_cast %reduce_sum3A_1097 : vector<256xf32> to vector<1x256xf32>
    %div3A_1099 = vector.broadcast %broadcast_in_dim3A_1098 : vector<1x256xf32> to vector<32x256xf32>
    %div3A_1100 = arith.divf %exp3A_1095, %div3A_1099 : vector<32x256xf32>
    %slice3A_1101 = vector.extract_strided_slice %stack3A_484 {offsets = [0, 28, 0], sizes = [24, 1, 256], strides = [1, 1, 1]} : vector<24x96x256xf32> to vector<24x1x256xf32>
    %squeeze3A_1102 = vector.shape_cast %slice3A_1101 : vector<24x1x256xf32> to vector<24x256xf32>
    %slice3A_1103 = vector.extract_strided_slice %stack3A_484 {offsets = [0, 29, 0], sizes = [8, 1, 256], strides = [1, 1, 1]} : vector<24x96x256xf32> to vector<8x1x256xf32>
    %squeeze3A_1104 = vector.shape_cast %slice3A_1103 : vector<8x1x256xf32> to vector<8x256xf32>
    %concatenate3A_1105 = tpu.concatenate %squeeze3A_1102, %squeeze3A_1104 in 0 : vector<24x256xf32>, vector<8x256xf32> -> vector<32x256xf32>
    %mul3A_1106 = arith.mulf %div3A_1100, %concatenate3A_1105 : vector<32x256xf32>
    %add3A_1107 = arith.addf %add3A_1078, %mul3A_1106 : vector<32x256xf32>
    %slice3A_1108 = vector.extract_strided_slice %stack3A_484 {offsets = [0, 92, 0], sizes = [24, 1, 256], strides = [1, 1, 1]} : vector<24x96x256xf32> to vector<24x1x256xf32>
    %squeeze3A_1109 = vector.shape_cast %slice3A_1108 : vector<24x1x256xf32> to vector<24x256xf32>
    %slice3A_1110 = vector.extract_strided_slice %stack3A_484 {offsets = [0, 93, 0], sizes = [8, 1, 256], strides = [1, 1, 1]} : vector<24x96x256xf32> to vector<8x1x256xf32>
    %squeeze3A_1111 = vector.shape_cast %slice3A_1110 : vector<8x1x256xf32> to vector<8x256xf32>
    %concatenate3A_1112 = tpu.concatenate %squeeze3A_1109, %squeeze3A_1111 in 0 : vector<24x256xf32>, vector<8x256xf32> -> vector<32x256xf32>
    %max3A_1113 = arith.maximumf %max3A_1084, %concatenate3A_1112 : vector<32x256xf32>
    %slice3A_1114 = vector.extract_strided_slice %stack3A_484 {offsets = [8, 61, 0], sizes = [16, 1, 256], strides = [1, 1, 1]} : vector<24x96x256xf32> to vector<16x1x256xf32>
    %squeeze3A_1115 = vector.shape_cast %slice3A_1114 : vector<16x1x256xf32> to vector<16x256xf32>
    %slice3A_1116 = vector.extract_strided_slice %stack3A_484 {offsets = [0, 62, 0], sizes = [16, 1, 256], strides = [1, 1, 1]} : vector<24x96x256xf32> to vector<16x1x256xf32>
    %squeeze3A_1117 = vector.shape_cast %slice3A_1116 : vector<16x1x256xf32> to vector<16x256xf32>
    %concatenate3A_1118 = tpu.concatenate %squeeze3A_1115, %squeeze3A_1117 in 0 : vector<16x256xf32>, vector<16x256xf32> -> vector<32x256xf32>
    %reduce_max3A_1119 = arith.constant dense<0xFF800000> : vector<256xf32>
    %reduce_max3A_1120 = vector.multi_reduction <maximumf>, %concatenate3A_1118, %reduce_max3A_1119 [0] : vector<32x256xf32> to vector<256xf32>
    %broadcast_in_dim3A_1121 = vector.shape_cast %reduce_max3A_1120 : vector<256xf32> to vector<1x256xf32>
    %sub3A_1122 = vector.broadcast %broadcast_in_dim3A_1121 : vector<1x256xf32> to vector<32x256xf32>
    %sub3A_1123 = arith.subf %concatenate3A_1118, %sub3A_1122 : vector<32x256xf32>
    %exp3A_1124 = math.exp %sub3A_1123 : vector<32x256xf32>
    %reduce_sum3A_1125 = arith.constant dense<0.000000e+00> : vector<256xf32>
    %reduce_sum3A_1126 = vector.multi_reduction <add>, %exp3A_1124, %reduce_sum3A_1125 [0] : vector<32x256xf32> to vector<256xf32>
    %broadcast_in_dim3A_1127 = vector.shape_cast %reduce_sum3A_1126 : vector<256xf32> to vector<1x256xf32>
    %div3A_1128 = vector.broadcast %broadcast_in_dim3A_1127 : vector<1x256xf32> to vector<32x256xf32>
    %div3A_1129 = arith.divf %exp3A_1124, %div3A_1128 : vector<32x256xf32>
    %slice3A_1130 = vector.extract_strided_slice %stack3A_484 {offsets = [8, 29, 0], sizes = [16, 1, 256], strides = [1, 1, 1]} : vector<24x96x256xf32> to vector<16x1x256xf32>
    %squeeze3A_1131 = vector.shape_cast %slice3A_1130 : vector<16x1x256xf32> to vector<16x256xf32>
    %slice3A_1132 = vector.extract_strided_slice %stack3A_484 {offsets = [0, 30, 0], sizes = [16, 1, 256], strides = [1, 1, 1]} : vector<24x96x256xf32> to vector<16x1x256xf32>
    %squeeze3A_1133 = vector.shape_cast %slice3A_1132 : vector<16x1x256xf32> to vector<16x256xf32>
    %concatenate3A_1134 = tpu.concatenate %squeeze3A_1131, %squeeze3A_1133 in 0 : vector<16x256xf32>, vector<16x256xf32> -> vector<32x256xf32>
    %mul3A_1135 = arith.mulf %div3A_1129, %concatenate3A_1134 : vector<32x256xf32>
    %add3A_1136 = arith.addf %add3A_1107, %mul3A_1135 : vector<32x256xf32>
    %slice3A_1137 = vector.extract_strided_slice %stack3A_484 {offsets = [8, 93, 0], sizes = [16, 1, 256], strides = [1, 1, 1]} : vector<24x96x256xf32> to vector<16x1x256xf32>
    %squeeze3A_1138 = vector.shape_cast %slice3A_1137 : vector<16x1x256xf32> to vector<16x256xf32>
    %slice3A_1139 = vector.extract_strided_slice %stack3A_484 {offsets = [0, 94, 0], sizes = [16, 1, 256], strides = [1, 1, 1]} : vector<24x96x256xf32> to vector<16x1x256xf32>
    %squeeze3A_1140 = vector.shape_cast %slice3A_1139 : vector<16x1x256xf32> to vector<16x256xf32>
    %concatenate3A_1141 = tpu.concatenate %squeeze3A_1138, %squeeze3A_1140 in 0 : vector<16x256xf32>, vector<16x256xf32> -> vector<32x256xf32>
    %max3A_1142 = arith.maximumf %max3A_1113, %concatenate3A_1141 : vector<32x256xf32>
    %slice3A_1143 = vector.extract_strided_slice %stack3A_484 {offsets = [16, 62, 0], sizes = [8, 1, 256], strides = [1, 1, 1]} : vector<24x96x256xf32> to vector<8x1x256xf32>
    %squeeze3A_1144 = vector.shape_cast %slice3A_1143 : vector<8x1x256xf32> to vector<8x256xf32>
    %slice3A_1145 = vector.extract_strided_slice %stack3A_484 {offsets = [0, 63, 0], sizes = [24, 1, 256], strides = [1, 1, 1]} : vector<24x96x256xf32> to vector<24x1x256xf32>
    %squeeze3A_1146 = vector.shape_cast %slice3A_1145 : vector<24x1x256xf32> to vector<24x256xf32>
    %concatenate3A_1147 = tpu.concatenate %squeeze3A_1144, %squeeze3A_1146 in 0 : vector<8x256xf32>, vector<24x256xf32> -> vector<32x256xf32>
    %reduce_max3A_1148 = arith.constant dense<0xFF800000> : vector<256xf32>
    %reduce_max3A_1149 = vector.multi_reduction <maximumf>, %concatenate3A_1147, %reduce_max3A_1148 [0] : vector<32x256xf32> to vector<256xf32>
    %broadcast_in_dim3A_1150 = vector.shape_cast %reduce_max3A_1149 : vector<256xf32> to vector<1x256xf32>
    %sub3A_1151 = vector.broadcast %broadcast_in_dim3A_1150 : vector<1x256xf32> to vector<32x256xf32>
    %sub3A_1152 = arith.subf %concatenate3A_1147, %sub3A_1151 : vector<32x256xf32>
    %exp3A_1153 = math.exp %sub3A_1152 : vector<32x256xf32>
    %reduce_sum3A_1154 = arith.constant dense<0.000000e+00> : vector<256xf32>
    %reduce_sum3A_1155 = vector.multi_reduction <add>, %exp3A_1153, %reduce_sum3A_1154 [0] : vector<32x256xf32> to vector<256xf32>
    %broadcast_in_dim3A_1156 = vector.shape_cast %reduce_sum3A_1155 : vector<256xf32> to vector<1x256xf32>
    %div3A_1157 = vector.broadcast %broadcast_in_dim3A_1156 : vector<1x256xf32> to vector<32x256xf32>
    %div3A_1158 = arith.divf %exp3A_1153, %div3A_1157 : vector<32x256xf32>
    %slice3A_1159 = vector.extract_strided_slice %stack3A_484 {offsets = [16, 30, 0], sizes = [8, 1, 256], strides = [1, 1, 1]} : vector<24x96x256xf32> to vector<8x1x256xf32>
    %squeeze3A_1160 = vector.shape_cast %slice3A_1159 : vector<8x1x256xf32> to vector<8x256xf32>
    %slice3A_1161 = vector.extract_strided_slice %stack3A_484 {offsets = [0, 31, 0], sizes = [24, 1, 256], strides = [1, 1, 1]} : vector<24x96x256xf32> to vector<24x1x256xf32>
    %squeeze3A_1162 = vector.shape_cast %slice3A_1161 : vector<24x1x256xf32> to vector<24x256xf32>
    %concatenate3A_1163 = tpu.concatenate %squeeze3A_1160, %squeeze3A_1162 in 0 : vector<8x256xf32>, vector<24x256xf32> -> vector<32x256xf32>
    %mul3A_1164 = arith.mulf %div3A_1158, %concatenate3A_1163 : vector<32x256xf32>
    %add3A_1165 = arith.addf %add3A_1136, %mul3A_1164 : vector<32x256xf32>
    %slice3A_1166 = vector.extract_strided_slice %stack3A_484 {offsets = [16, 94, 0], sizes = [8, 1, 256], strides = [1, 1, 1]} : vector<24x96x256xf32> to vector<8x1x256xf32>
    %squeeze3A_1167 = vector.shape_cast %slice3A_1166 : vector<8x1x256xf32> to vector<8x256xf32>
    %slice3A_1168 = vector.extract_strided_slice %stack3A_484 {offsets = [0, 95, 0], sizes = [24, 1, 256], strides = [1, 1, 1]} : vector<24x96x256xf32> to vector<24x1x256xf32>
    %squeeze3A_1169 = vector.shape_cast %slice3A_1168 : vector<24x1x256xf32> to vector<24x256xf32>
    %concatenate3A_1170 = tpu.concatenate %squeeze3A_1167, %squeeze3A_1169 in 0 : vector<8x256xf32>, vector<24x256xf32> -> vector<32x256xf32>
    %max3A_1171 = arith.maximumf %max3A_1142, %concatenate3A_1170 : vector<32x256xf32>
    %swap3A = arith.constant 0 : index
    %swap3A_1172 = arith.constant 0 : index
    %swap3A_1173 = arith.constant 0 : index
    %swap3A_1174 = vector.load %arg5[%swap3A, %swap3A_1172, %swap3A_1173] : memref<1x32x256xf32, #tpu.memory_space<vmem>>, vector<1x32x256xf32>
    %swap3A_1175 = vector.shape_cast %swap3A_1174 : vector<1x32x256xf32> to vector<32x256xf32>
    %swap3A_1176 = vector.shape_cast %add3A_1165 : vector<32x256xf32> to vector<1x32x256xf32>
    tpu.vector_store %arg5[%swap3A, %swap3A_1172, %swap3A_1173], %swap3A_1176 {strides = array<i32>} : memref<1x32x256xf32, #tpu.memory_space<vmem>>, vector<1x32x256xf32>,
    %swap3A_1177 = arith.constant 0 : index
    %swap3A_1178 = arith.constant 0 : index
    %swap3A_1179 = arith.constant 0 : index
    %swap3A_1180 = vector.load %arg6[%swap3A_1177, %swap3A_1178, %swap3A_1179] : memref<1x32x256xf32, #tpu.memory_space<vmem>>, vector<1x32x256xf32>
    %swap3A_1181 = vector.shape_cast %swap3A_1180 : vector<1x32x256xf32> to vector<32x256xf32>
    %swap3A_1182 = vector.shape_cast %max3A_1171 : vector<32x256xf32> to vector<1x32x256xf32>
    tpu.vector_store %arg6[%swap3A_1177, %swap3A_1178, %swap3A_1179], %swap3A_1182 {strides = array<i32>} : memref<1x32x256xf32, #tpu.memory_space<vmem>>, vector<1x32x256xf32>,
    return
  }
  func.func @transform_0(%arg0: i32, %arg1: i32) -> (i32, i32, i32) {
    %c0_i32 = arith.constant 0 : i32
    %c0_i32_0 = arith.constant 0 : i32
    return %arg0, %arg1, %c0_i32 : i32, i32, i32
  }
  func.func @transform_1(%arg0: i32, %arg1: i32) -> (i32, i32, i32, i32) {
    %c0_i32 = arith.constant 0 : i32
    %c0_i32_0 = arith.constant 0 : i32
    %c0_i32_1 = arith.constant 0 : i32
    return %arg0, %c0_i32, %arg1, %c0_i32_0 : i32, i32, i32, i32
  }
  func.func @transform_2(%arg0: i32, %arg1: i32) -> (i32, i32) {
    %c0_i32 = arith.constant 0 : i32
    %c0_i32_0 = arith.constant 0 : i32
    %c0_i32_1 = arith.constant 0 : i32
    return %c0_i32, %c0_i32_0 : i32, i32
  }
  func.func @transform_3(%arg0: i32, %arg1: i32) -> (i32, i32, i32) {
    %c0_i32 = arith.constant 0 : i32
    %c0_i32_0 = arith.constant 0 : i32
    return %arg0, %c0_i32, %arg1 : i32, i32, i32
  }
  func.func @transform_4(%arg0: i32, %arg1: i32) -> (i32, i32, i32) {
    %c0_i32 = arith.constant 0 : i32
    %c0_i32_0 = arith.constant 0 : i32
    return %arg0, %c0_i32, %arg1 : i32, i32, i32
  }
}

</mosaic_0001>

<sc_bundles>
// kernel: kernel.7.cloned.1.call-start
scs
__scs_entry_jumppad:
0x0: {  	(pc) =	sbr.rel $0x88, $3  }
0x1: {  	(tag) =	ssettag $0x0;
	lr =	simm.s32 $0x1  }
0x2: {  	[smem:$0x3F93] =	sst lr;
	_ =	strace $0xD0000000  }
0x3: {  	_ = 	snop  }
0x4: {  	_ = 	snop  }
0x5: {  	_ = 	snop  }
0x6: {  	_ = 	snop  }
0x7: {  	_ = 	snop  }
__scs_overlays_trampoline_lowered:
0x8: {  	[smem:$0x3FA2] =	sst s0  }
0x9: {  	[smem:$0x3FA3] =	sst s1  }
0xa: {  	[smem:$0x3FA4] =	sst s2  }
0xb: {  	[smem:$0x3FA5] =	sst s3  }
0xc: {  	[smem:$0x3FA6] =	sst s4  }
0xd: {  	[smem:$0x3FA7] =	sst s5  }
0xe: {  	[smem:$0x3FA8] =	sst s6  }
0xf: {  	[smem:$0x3FA9] =	sst s7  }
0x10: {  	[smem:$0x3FAA] =	sst s8  }
0x11: {  	[smem:$0x3FAB] =	sst s9;
	s0 =	simm.s32 @!p0 $0x0  }
0x12: {  	s1 =	sld [smem:$0x3F91];
	s0 =	simm.s32 @p0 $0x1  }
0x13: {  	[smem:$0x3FAC] =	sst s0;
	s0 =	simm.s32 @!p1 $0x0  }
0x14: {  	s2 =	sld [smem:$0x3F90];
	s0 =	simm.s32 @p1 $0x1  }
0x15: {  	[smem:$0x3FAD] =	sst s0;
	s0 =	simm.s32 @!p2 $0x0  }
0x16: {  	s3 =	sld [smem:$0x3FDB];
	s0 =	simm.s32 @p2 $0x1  }
0x17: {  	s4 =	simm.s32 $0x1BF5;
	[smem:$0x3FAF] =	sst s0  }
0x18: {  	s0 =	sld [smem:$0x3F92];
	_ =	swait.ge [sflag:s4], $0x0  }
0x19: {  	s7 =	sld [smem:$0x3F93]  }
0x1a: {  	s8 =	sadd.s32 $0xFFFFE003, lr  }
0x1b: {  	s9 =	sadd.s32 $0xFFFFFEF7, lr;
	s5 =	simm.s32 $0xFFFFFFFF;
	p2 =	slt.u32 s8, $0xFFFFF086  }
0x1c: {  	p1 =	slt.u32 s9, $0xF7A;
	s5 =	simm.s32 @!p2 $0x0  }
0x1d: {  	s5 =	simm.s32 @p1 $0x1;
	p0 =	seq.s32 s7, s2  }
0x1e: {  	s7 =	smul.u32 @!p0 $0xF7A, s2;
	p2 =	seq.s32 @!p0 s5, $0x0  }
0x1f: {  	s9 =	smul.u32 $0xF7A, s1;
	s8 =	simm.s32 @!p0 $0x1BF5;
	p2 =	por !p2, p0  }
0x20: {  	[sflag:s8] =	ssyncset.s32 @!p0 $0xFFFFF086;
	s6 =	sadd.s32 @!p0 s3, s7;
	s7 =	simm.s32 @!p0 $0x108  }
0x21: {  	s3 =	sadd.s32 s3, s9;
	s6 =	sadd.s32 @!p0 $0x88, s6;
	s7 =	simm.s32 @p2 $0x1082  }
0x22: {  	[simem:s7], [sflag:s8] =	dma.local @!p0 [hbm:s6], $0xF7A  }
0x23: {  	s9 =	sor.u32 $0xD0000000, s2;
	s6 =	simm.s32 $0x108;
	_ =	swait.ge @!p0 [sflag:s8], $0x0  }
0x24: {  	s3 =	sadd.s32 $0x88, s3;
	s6 =	simm.s32 @!p1 $0x1082;
	[sflag:s4] =	ssyncset.s32 $0xFFFFF086  }
0x25: {  	[simem:s6], [sflag:s4] =	dma.local [hbm:s3], $0xF7A  }
0x26: {  	[smem:$0x3F93] =	sst s1;
	(tag) =	ssettag s2;
	_ =	strace s9  }
0x27: {  	s1 =	sld [smem:$0x3FA3]  }
0x28: {  	s2 =	sld [smem:$0x3FA4]  }
0x29: {  	s4 =	sld [smem:$0x3FA6]  }
0x2a: {  	p0 =	seq.s32 s5, $0x0;
	s5 =	sld [smem:$0x3FA7]  }
0x2b: {  	s6 =	sld [smem:$0x3FA8]  }
0x2c: {  	s7 =	sld [smem:$0x3FA9]  }
0x2d: {  	s3 =	simm.s32 $0x108;
	s8 =	sld [smem:$0x3FAA]  }
0x2e: {  	s3 =	simm.s32 @!p0 $0x1082;
	s9 =	sld [smem:$0x3FAB]  }
0x2f: {  	lr =	sadd.s32 s0, s3;
	s0 =	sld [smem:$0x3FA2]  }
0x30: {  	s3 =	sld [smem:$0x3FA5]  }
0x31: {  	[smem:$0x3FAE] =	sst s10  }
0x32: {  	s10 =	sld [smem:$0x3FAC];
	_ =	sdelay $0x3  }
0x33: {  	p0 =	seq.s32 s10, $0x1;
	s10 =	sld [smem:$0x3FAE];
	_ =	sdelay $0x3  }
0x34: {  	[smem:$0x3FAE] =	sst s10  }
0x35: {  	s10 =	sld [smem:$0x3FAD];
	_ =	sdelay $0x3  }
0x36: {  	p1 =	seq.s32 s10, $0x1;
	s10 =	sld [smem:$0x3FAE];
	_ =	sdelay $0x3  }
0x37: {  	[smem:$0x3FAE] =	sst s10  }
0x38: {  	s10 =	sld [smem:$0x3FAF]  }
0x39: {  	_ = 	snop;
	(pc) =	sbr.ind lr, $3  }
0x3a: {  	_ = 	snop  }
0x3b: {  	_ = 	snop  }
0x3c: {  	p2 =	seq.s32 s10, $0x1;
	s10 =	sld [smem:$0x3FAE]  }
0x3d: {  	_ =	shalt  }
0x3e: {  	_ =	shalt  }
0x3f: {  	_ =	shalt  }
0x40: {  	_ =	shalt  }
0x41: {  	_ =	shalt  }
0x42: {  	_ =	shalt  }
0x43: {  	_ =	shalt  }
0x44: {  	_ =	shalt  }
0x45: {  	_ =	shalt  }
0x46: {  	_ =	shalt  }
0x47: {  	_ =	shalt  }
0x48: {  	_ =	shalt  }
0x49: {  	_ =	shalt  }
0x4a: {  	_ =	shalt  }
0x4b: {  	_ =	shalt  }
0x4c: {  	_ =	shalt  }
0x4d: {  	_ =	shalt  }
0x4e: {  	_ =	shalt  }
0x4f: {  	_ =	shalt  }
0x50: {  	_ =	shalt  }
0x51: {  	_ =	shalt  }
0x52: {  	_ =	shalt  }
0x53: {  	_ =	shalt  }
0x54: {  	_ =	shalt  }
0x55: {  	_ =	shalt  }
0x56: {  	_ =	shalt  }
0x57: {  	_ =	shalt  }
0x58: {  	_ =	shalt  }
0x59: {  	_ =	shalt  }
0x5a: {  	_ =	shalt  }
0x5b: {  	_ =	shalt  }
0x5c: {  	_ =	shalt  }
0x5d: {  	_ =	shalt  }
0x5e: {  	_ =	shalt  }
0x5f: {  	_ =	shalt  }
0x60: {  	_ =	shalt  }
0x61: {  	_ =	shalt  }
0x62: {  	_ =	shalt  }
0x63: {  	_ =	shalt  }
0x64: {  	_ =	shalt  }
0x65: {  	_ =	shalt  }
0x66: {  	_ =	shalt  }
0x67: {  	_ =	shalt  }
0x68: {  	_ =	shalt  }
0x69: {  	_ =	shalt  }
0x6a: {  	_ =	shalt  }
0x6b: {  	_ =	shalt  }
0x6c: {  	_ =	shalt  }
0x6d: {  	_ =	shalt  }
0x6e: {  	_ =	shalt  }
0x6f: {  	_ =	shalt  }
0x70: {  	_ =	shalt  }
0x71: {  	_ =	shalt  }
0x72: {  	_ =	shalt  }
0x73: {  	_ =	shalt  }
0x74: {  	_ =	shalt  }
0x75: {  	_ =	shalt  }
0x76: {  	_ =	shalt  }
0x77: {  	_ =	shalt  }
0x78: {  	_ =	shalt  }
0x79: {  	_ =	shalt  }
0x7a: {  	_ =	shalt  }
0x7b: {  	_ =	shalt  }
0x7c: {  	_ =	shalt  }
0x7d: {  	_ =	shalt  }
0x7e: {  	_ =	shalt  }
0x7f: {  	_ =	shalt  }
0x80: {  	_ =	shalt  }
0x81: {  	_ =	shalt  }
0x82: {  	_ =	shalt  }
0x83: {  	_ =	shalt  }
0x84: {  	_ =	shalt  }
0x85: {  	_ =	shalt  }
0x86: {  	_ =	shalt  }
0x87: {  	_ =	shalt  }
.Lfunc_end0:
.L_simem_size_0:
called_computation_lowered:
.L_overlay_start_0:
0x88: {  	s2 =	sld [smem:$0x3FD9]  }
0x89: {  	s3 =	sld [smem:$0x3FFE];
	_ =	sdelay $0x1  }
0x8a: {  	s1 =	srdreg.scid  }
0x8b: {  	s0 =	sand.u32 $0x1, s1  }
0x8c: {  	s14 =	sshll.u32 s0, $0xA;
	s2 =	sadd.s32 s3, s2  }
0x8d: {  	s2 =	sadd.s32 s2, s14  }
0x8e: {  	[smem:$0x3FBA] =	sst s2  }
0x8f: {  	_ = 	snop  }
0x90: {  	s2 =	sld [smem:$0x3FD0];
	_ =	sdelay $0x2  }
0x91: {  	s15 =	simm.s32 $0xA;
	s4 =	simm.s32 $0x10  }
0x92: {  	[smem:s4], [sflag:s15] =	dma.local [hbm:s2], $0x1  }
0x93: {  	_ =	swait.eq [sflag:s15], $0x1  }
0x94: {  	[sflag:s15] =	ssyncset.done $0x0  }
0x95: {  	[sflag:s15] =	ssyncadd.s32 $0xFFFFFFFF  }
0x96: {  	s16 =	sld [smem:$0x11];
	(tm) =	ssettm $0x1  }
0x97: {  	s17 =	sld [smem:$0x3FFB];
	_ =	sdelay $0x3  }
0x98: {  	_ =	strace s17  }
0x99: {  	s3 =	sld [smem:$0x3FFC];
	_ =	sdelay $0x3  }
0x9a: {  	_ =	strace s3  }
0x9b: {  	s3 =	sld [smem:$0x3FFD];
	_ =	sdelay $0x3  }
0x9c: {  	_ =	strace s3  }
0x9d: {  	_ =	strace $0x8FFFFFFF  }
0x9e: {  	s18 =	sld [smem:$0x3FDB];
	_ =	sdelay $0x1  }
0x9f: {  	s19 =	simm.s32 $_scs_section_size  }
0xa0: {  	s5 =	simm.s32 $_size__tile_overlayer_lowered;
	s6 =	simm.s32 $_tile_overlayer_lowered  }
0xa1: {  	s22 =	simm.s32 $0x1BFF;
	s21 =	sshll.u32 s6, $0x1;
	s3 =	sadd.s32 s19, s18  }
0xa2: {  	s7 =	simm.s32 $0x0;
	s20 =	sshll.u32 s5, $0x1;
	s5 =	sadd.s32 s21, s3  }
0xa3: {  	[timem:s7], [sflag:s22] =	dma.local [hbm:s5], s20  }
0xa4: {  	_ =	swait.ge [sflag:s22], s20  }
0xa5: {  	s4 =	ssub.s32 $0x0, s20;
	[sflag:s22] =	ssyncset.done $0x0  }
0xa6: {  	[sflag:s22] =	ssyncadd.s32 s4;
	_ =	sdelay $0x1  }
0xa7: {  	s23 =	simm.s32 $0x1B8B  }
0xa8: {  	_ =	swait.ge [sflag:s23], $0x1  }
0xa9: {  	[sflag:s23] =	ssyncset.done $0x0  }
0xaa: {  	s25 =	simm.s32 $0x1B8E;
	s24 =	sld [smem:$0x3FFE];
	[sflag:s23] =	ssyncadd.s32 $0xFFFFFFFF  }
0xab: {  	s26 =	simm.s32 $execute0_lowered;
	[smem:$0x3FD2] =	sst s25  }
0xac: {  	s5 =	sshll.u32 s26, $0x1;
	_ =	strace $0x80000046;
	[dreg:$0x1] =	wrdreg $0xFFFFFFFF  }
0xad: {  	s28 =	simm.s32 $_size_execute0_lowered;
	s3 =	sadd.s32 s3, s5;
	[dreg:$0x0] =	wrdreg $0x0  }
0xae: {  	s5 =	sshll.u32 s28, $0x1;
	[dreg:$0x2] =	wrdreg s3  }
0xaf: {  	[dreg:$0x3] =	wrdreg s5  }
0xb0: {  	[dreg:$0x4] =	wrdreg $0xC0  }
0xb1: {  	_ =	task [dreg:s7], $0x5FFFF  }
0xb2: {  	[dreg:$0x1] =	wrdreg $0xFFFFFFFF  }
0xb3: {  	[dreg:$0x0] =	wrdreg $0x60  }
0xb4: {  	[dreg:$0x2] =	wrdreg s24  }
0xb5: {  	[dreg:$0x3] =	wrdreg s16  }
0xb6: {  	[dreg:$0x4] =	wrdreg $0x9  }
0xb7: {  	_ =	task.clear_ibuf [dreg:s7], $0x5FFFF;
	_ =	strace $0x90000046  }
0xb8: {  	s29 =	simm.s32 $0x9;
	_ =	strace $0x80000048  }
0xb9: {  	_ =	swait.ge [sflag:s29], $0x1  }
0xba: {  	[sflag:s29] =	ssyncadd.s32 $0xFFFFFFFF  }
0xbb: {  	_ =	strace $0x90000048  }
0xbc: {  	_ =	sfence  }
0xbd: {  	s30 =	sld [smem:$0x0];
	_ =	sdelay $0x2  }
0xbe: {  	s31 =	sshll.u32 s1, $0xD;
	s1 =	sshrl.u32 s1, $0x2  }
0xbf: {  	s3 =	sand.u32 $0x4000, s31;
	s1 =	sadd.s32 s1, s30  }
0xc0: {  	s0 =	sor.u32 s3, s0;
	s1 =	sshll.u32 s1, $0x11  }
0xc1: {  	s0 =	sor.u32 s1, s0  }
0xc2: {  	s0 =	sadd.s32 $0x8F2B, s0  }
0xc3: {  	[sflag:s0] =	ssyncadd.remote.s32 $0x1  }
0xc4: {  	_ =	sfence.sel $0xFFFF  }
0xc5: {  	[dreg:$0x0] =	wrdreg $0xFFFFFFFF;
	(pc) =	sbr.abs _section_cstart, $3  }
0xc6: {  	[dreg:$0x1] =	wrdreg $0xFFFFFFFF  }
0xc7: {  	_ =	task.clear_ibuf [dreg:s7], $0x2FFFF;
	_ =	strace $0x9FFFFFFF  }
0xc8: {  	(tm) =	ssettm $0x7FFFFFFF  }
0xc9: {  	_ =	shalt  }
tec
execute0_lowered:
.L_overlay_start_1:
0x0: {  	(tag) =	ssettag $0x1  }
0x1: {  	s4 =	rddreg [dreg:$0x0]  }
0x2: {  	s1 =	srdreg.scid;
	s0 =	stileid.u32  }
0x3: {  	s14 =	rddreg [dreg:$0x1];
	s2 =	simm.s32 $0x0;
	s20 =	simm.s32 $0x3100  }
0x4: {  	s21 =	simm.s32 $0x3;
	s22 =	simm.s32 $0x0;
	s12 =	smul.u32 $0x6000, s0  }
0x5: {  	s13 =	sand.u32 $0x1, s1;
	s1 =	rddreg [dreg:$0x2];
	s17 =	smul.u32 $0x48000, s0  }
0x6: {  	s3 =	sshll.u32 s0, $0x1;
	[smem:$0x7FF] =	sst s2;
	s16 =	smul.u32 $0x3000, s13  }
0x7: {  	s15 =	sadd.s32 $0x73000, s4;
	s5 =	sor.u32 s13, s3;
	s19 =	smul.u32 $0x24000, s13  }
0x8: {  	s6 =	ssub.s32 $0x2, s13;
	_ =	strace $0x80000047;
	s7 =	smul.u32 $0x3000, s5  }
0x9: {  	s3 =	sadd.s32 $0x43000, s4;
	s8 =	sshrl.u32 s6, $0x1;
	s30 =	smul.u32 $0x24000, s5  }
0xa: {  	s6 =	ssub.s32 s6, s8;
	s16 =	sadd.s32 s16, s12;
	s28 =	sshrl.u32 s7, $0x3  }
0xb: {  	s29 =	sor.u32 $0x100, s7;
	s5 =	smax.u32 s6, $0x1;
	s7 =	sadd.s32 s15, s30  }
0xc: {  	s18 =	sor.u32 $0x200, s16;
	s16 =	sor.u32 $0x180, s16;
	s15 =	sadd.s32 s17, s15  }
0xd: {  	s17 =	simm.s32 $0x80;
	s4 =	sadd.s32 s14, s28;
	s8 =	sshrl.u32 s29, $0x3  }
0xe: {  	s9 =	sadd.s32 $0x600, s7;
	s11 =	sadd.s32 $0x23400, s7;
	s12 =	sadd.s32 $0x23A00, s7  }
0xf: {  	s31 =	sshrl.u32 s18, $0x3;
	s16 =	sshrl.u32 s16, $0x3;
	s15 =	sadd.s32 s19, s15  }
0x10: {  	s18 =	simm.s32 $0x100;
	s19 =	simm.s32 $0x2;
	s6 =	sadd.s32 $0x10, s4  }
0x11: {  	s8 =	sadd.s32 s14, s8;
	s10 =	sadd.s32 $0x5F0, s4;
	s13 =	sadd.s32 s31, s14  }
0x12: {  	s14 =	sadd.s32 s16, s14;
	s15 =	sadd.s32 $0x1200, s15;
	s16 =	simm.s32 $0x1  }
.LBB2_1:
0x13: {  	[tilespmem:s2], [sflag:$0x1] =	stream.linear.gather [hbm4b:s4+s2], $0x80, $0x38;
	[tilespmem:$0x6100] =	vst v63  }
0x14: {  	_ =	swait.ge [sflag:s16], $0x80  }
0x15: {  	[sflag:s16] =	ssyncset.done $0x0  }
0x16: {  	[sflag:s16] =	ssyncadd.s32 $0xFFFFFF80  }
0x17: {  	[tilespmem:s18], [sflag:$0x2] =	stream.indirect.gather [hbm4b:s3+s17], $0x60, s2, s17, $0xb8;
	[tilespmem:$0x6100] =	vst v63  }
0x18: {  	_ = 	snop  }
0x19: {  	[tilespmem:s17], [sflag:$0x1] =	stream.linear.gather [hbm4b:s6+s2], $0x80, $0x38;
	[tilespmem:$0x6100] =	vst v63  }
0x1a: {  	_ =	swait.ge [sflag:s19], $0x3000  }
0x1b: {  	[sflag:s19] =	ssyncset.done $0x0  }
0x1c: {  	[sflag:s19] =	ssyncadd.s32 $0xFFFFD000  }
0x1d: {  	[hbm4b:s7+s2] =	stream.linear.scatter [tilespmem:s18], [sflag:$0x3], $0x3000, $0x38;
	[tilespmem:$0x6100] =	vst v63  }
0x1e: {  	_ =	swait.ge [sflag:s16], $0x80  }
0x1f: {  	[sflag:s16] =	ssyncset.done $0x0  }
0x20: {  	[sflag:s16] =	ssyncadd.s32 $0xFFFFFF80  }
0x21: {  	[tilespmem:s20], [sflag:$0x2] =	stream.indirect.gather [hbm4b:s3+s17], $0x60, s17, s17, $0xb8;
	[tilespmem:$0x6100] =	vst v63  }
0x22: {  	_ = 	snop  }
0x23: {  	[tilespmem:s2], [sflag:$0x1] =	stream.linear.gather [hbm4b:s8+s2], $0x80, $0x38;
	[tilespmem:$0x6100] =	vst v63  }
0x24: {  	_ =	swait.ge [sflag:s19], $0x3000  }
0x25: {  	[sflag:s19] =	ssyncset.done $0x0  }
0x26: {  	[sflag:s19] =	ssyncadd.s32 $0xFFFFD000  }
0x27: {  	[hbm4b:s9+s2] =	stream.linear.scatter [tilespmem:s20], [sflag:$0x3], $0x3000, $0x38;
	[tilespmem:$0x6100] =	vst v63  }
0x28: {  	_ =	swait.ge [sflag:s21], $0x3000  }
0x29: {  	[sflag:s21] =	ssyncset.done $0x0  }
0x2a: {  	[sflag:s21] =	ssyncadd.s32 $0xFFFFD000  }
0x2b: {  	_ =	swait.ge [sflag:s16], $0x80  }
0x2c: {  	[sflag:s16] =	ssyncset.done $0x0  }
0x2d: {  	[sflag:s16] =	ssyncadd.s32 $0xFFFFFF80  }
0x2e: {  	[tilespmem:s18], [sflag:$0x2] =	stream.indirect.gather [hbm4b:s3+s17], $0x60, s2, s17, $0xb8;
	[tilespmem:$0x6100] =	vst v63  }
0x2f: {  	s23 =	sadd.s32 $0x0, s14  }
0x30: {  	[tilespmem:s17], [sflag:$0x1] =	stream.linear.gather [hbm4b:s23+s2], $0x80, $0x38;
	[tilespmem:$0x6100] =	vst v63  }
0x31: {  	_ =	swait.ge [sflag:s19], $0x3000  }
0x32: {  	[sflag:s19] =	ssyncset.done $0x0  }
0x33: {  	s30 =	sadd.s32 $0xFFFFFA00, s15;
	[sflag:s19] =	ssyncadd.s32 $0xFFFFD000  }
0x34: {  	[hbm4b:s30+s2] =	stream.linear.scatter [tilespmem:s18], [sflag:$0x3], $0x3000, $0x38;
	[tilespmem:$0x6100] =	vst v63  }
0x35: {  	_ =	swait.ge [sflag:s21], $0x3000  }
0x36: {  	[sflag:s21] =	ssyncset.done $0x0  }
0x37: {  	[sflag:s21] =	ssyncadd.s32 $0xFFFFD000  }
0x38: {  	_ =	swait.ge [sflag:s16], $0x80  }
0x39: {  	[sflag:s16] =	ssyncset.done $0x0  }
0x3a: {  	[sflag:s16] =	ssyncadd.s32 $0xFFFFFF80  }
0x3b: {  	[tilespmem:s20], [sflag:$0x2] =	stream.indirect.gather [hbm4b:s3+s17], $0x60, s17, s17, $0xb8;
	[tilespmem:$0x6100] =	vst v63  }
0x3c: {  	s31 =	sadd.s32 $0x0, s13  }
0x3d: {  	[tilespmem:s2], [sflag:$0x1] =	stream.linear.gather [hbm4b:s31+s2], $0x80, $0x38;
	[tilespmem:$0x6100] =	vst v63  }
0x3e: {  	_ =	swait.ge [sflag:s19], $0x3000  }
0x3f: {  	s24 =	sadd.s32 $0xC00, s15;
	[sflag:s19] =	ssyncset.done $0x0  }
0x40: {  	s25 =	smov.u32 s15;
	s23 =	simm.s32 $0x20;
	[sflag:s19] =	ssyncadd.s32 $0xFFFFD000  }
.LBB2_2:
0x41: {  	[hbm4b:s25+s2] =	stream.linear.scatter [tilespmem:s20], [sflag:$0x3], $0x3000, $0x38;
	[tilespmem:$0x6100] =	vst v63  }
0x42: {  	s26 =	smov.u32 s23;
	s25 =	smov.u32 s24  }
0x43: {  	p0 =	sne.s32 s23, $0x5A0;
	s23 =	sadd.s32 $0x20, s23;
	_ =	swait.ge [sflag:s21], $0x3000  }
0x44: {  	[sflag:s21] =	ssyncset.done $0x0  }
0x45: {  	[sflag:s21] =	ssyncadd.s32 $0xFFFFD000  }
0x46: {  	_ =	swait.ge [sflag:s16], $0x80  }
0x47: {  	[sflag:s16] =	ssyncset.done $0x0  }
0x48: {  	[sflag:s16] =	ssyncadd.s32 $0xFFFFFF80  }
0x49: {  	[tilespmem:s18], [sflag:$0x2] =	stream.indirect.gather [hbm4b:s3+s17], $0x60, s2, s17, $0xb8;
	[tilespmem:$0x6100] =	vst v63  }
0x4a: {  	s28 =	sadd.s32 s26, s14  }
0x4b: {  	[tilespmem:s17], [sflag:$0x1] =	stream.linear.gather [hbm4b:s28+s2], $0x80, $0x38;
	[tilespmem:$0x6100] =	vst v63  }
0x4c: {  	_ =	swait.ge [sflag:s19], $0x3000  }
0x4d: {  	[sflag:s19] =	ssyncset.done $0x0  }
0x4e: {  	s28 =	sadd.s32 $0xFFFFFA00, s24;
	[sflag:s19] =	ssyncadd.s32 $0xFFFFD000  }
0x4f: {  	[hbm4b:s28+s2] =	stream.linear.scatter [tilespmem:s18], [sflag:$0x3], $0x3000, $0x38;
	[tilespmem:$0x6100] =	vst v63  }
0x50: {  	_ =	swait.ge [sflag:s21], $0x3000  }
0x51: {  	[sflag:s21] =	ssyncset.done $0x0  }
0x52: {  	[sflag:s21] =	ssyncadd.s32 $0xFFFFD000  }
0x53: {  	_ =	swait.ge [sflag:s16], $0x80  }
0x54: {  	[sflag:s16] =	ssyncset.done $0x0  }
0x55: {  	[sflag:s16] =	ssyncadd.s32 $0xFFFFFF80  }
0x56: {  	[tilespmem:s20], [sflag:$0x2] =	stream.indirect.gather [hbm4b:s3+s17], $0x60, s17, s17, $0xb8;
	[tilespmem:$0x6100] =	vst v63  }
.Ltmp0:
0x57: {  	s26 =	sadd.s32 s26, s13;
	(pc) =	sbr.rel @p0 .LBB2_2-.Ltmp0, $4  }
0x58: {  	[tilespmem:s2], [sflag:$0x1] =	stream.linear.gather [hbm4b:s26+s2], $0x80, $0x38;
	[tilespmem:$0x6100] =	vst v63  }
0x59: {  	_ =	swait.ge [sflag:s19], $0x3000  }
0x5a: {  	[sflag:s19] =	ssyncset.done $0x0  }
0x5b: {  	s24 =	sadd.s32 $0xC00, s24;
	[sflag:s19] =	ssyncadd.s32 $0xFFFFD000  }
0x5c: {  	[hbm4b:s25+s2] =	stream.linear.scatter [tilespmem:s20], [sflag:$0x3], $0x3000, $0x38;
	[tilespmem:$0x6100] =	vst v63  }
0x5d: {  	_ =	swait.ge [sflag:s21], $0x3000  }
0x5e: {  	[sflag:s21] =	ssyncset.done $0x0  }
0x5f: {  	[sflag:s21] =	ssyncadd.s32 $0xFFFFD000  }
0x60: {  	_ =	swait.ge [sflag:s16], $0x80  }
0x61: {  	[sflag:s16] =	ssyncset.done $0x0  }
0x62: {  	[sflag:s16] =	ssyncadd.s32 $0xFFFFFF80  }
0x63: {  	[tilespmem:s18], [sflag:$0x2] =	stream.indirect.gather [hbm4b:s3+s17], $0x60, s2, s17, $0xb8;
	[tilespmem:$0x6100] =	vst v63  }
0x64: {  	_ = 	snop  }
0x65: {  	[tilespmem:s17], [sflag:$0x1] =	stream.linear.gather [hbm4b:s10+s2], $0x80, $0x38;
	[tilespmem:$0x6100] =	vst v63  }
0x66: {  	_ =	swait.ge [sflag:s19], $0x3000  }
0x67: {  	[sflag:s19] =	ssyncset.done $0x0  }
0x68: {  	[sflag:s19] =	ssyncadd.s32 $0xFFFFD000  }
0x69: {  	[hbm4b:s11+s2] =	stream.linear.scatter [tilespmem:s18], [sflag:$0x3], $0x3000, $0x38;
	[tilespmem:$0x6100] =	vst v63  }
0x6a: {  	_ =	swait.ge [sflag:s21], $0x3000  }
0x6b: {  	[sflag:s21] =	ssyncset.done $0x0  }
0x6c: {  	[sflag:s21] =	ssyncadd.s32 $0xFFFFD000  }
0x6d: {  	_ =	swait.ge [sflag:s16], $0x80  }
0x6e: {  	[sflag:s16] =	ssyncset.done $0x0  }
0x6f: {  	[sflag:s16] =	ssyncadd.s32 $0xFFFFFF80  }
0x70: {  	[tilespmem:s20], [sflag:$0x2] =	stream.indirect.gather [hbm4b:s3+s17], $0x60, s17, s17, $0xb8;
	[tilespmem:$0x6100] =	vst v63  }
0x71: {  	_ =	swait.ge [sflag:s19], $0x3000  }
0x72: {  	[sflag:s19] =	ssyncset.done $0x0  }
0x73: {  	s22 =	sadd.s32 $0x1, s22;
	[sflag:s19] =	ssyncadd.s32 $0xFFFFD000  }
0x74: {  	[hbm4b:s12+s2] =	stream.linear.scatter [tilespmem:s20], [sflag:$0x3], $0x3000, $0x38;
	[tilespmem:$0x6100] =	vst v63  }
0x75: {  	p0 =	sne.s32 s22, s5;
	_ =	swait.ge [sflag:s21], $0x3000  }
.Ltmp1:
0x76: {  	[sflag:s21] =	ssyncset.done $0x0;
	(pc) =	sbr.rel @p0 .LBB2_1-.Ltmp1, $4  }
0x77: {  	[sflag:s21] =	ssyncadd.s32 $0xFFFFD000  }
0x78: {  	_ =	swait.ge [sflag:s21], $0x3000  }
0x79: {  	[sflag:s21] =	ssyncset.done $0x0  }
0x7a: {  	[sflag:s21] =	ssyncadd.s32 $0xFFFFD000  }
0x7b: {  	_ =	sfence.sel $0x180000  }
0x7c: {  	[bflag:$0x0] =	sbarrier.arrive $0xFFFF  }
0x7d: {  	p0 =	sne.s32 s0, $0x0;
	_ =	strace $0x90000047  }
0x7e: {  	s0 =	sadd.s32 @!p0 $0x100000, s1;
	[bflag:$0x2] =	sbarrier.arrive $0xFFFF  }
0x7f: {  	[sflag:s0] =	ssyncadd.tile.s32 @!p0 $0x1;
	_ =	shalt  }
.Lfunc_end2:
_tile_overlayer_lowered:
.L_overlay_start_2:
0x80: {  	(tag) =	ssettag $0x2  }
0x81: {  	s0 =	rddreg [dreg:$0x0];
	s2 =	stileid.u32  }
0x82: {  	s1 =	rddreg [dreg:$0x1];
	p0 =	sne.s32 s2, $0x0  }
0x83: {  	s3 =	rddreg [dreg:$0x2];
	[bflag:$0x3] =	sbarrier.arrive $0xFFFF;
	s2 =	simm.s32 @!p0 $0x1C04  }
0x84: {  	[timem:s3], [sflag:s2] =	dma.local @!p0 [hbm:s0], s1  }
0x85: {  	s0 =	simm.s32 @!p0 $0x4  }
0x86: {  	_ =	swait.ge @!p0 [sflag:s0], s1  }
0x87: {  	s1 =	ssub.s32 @!p0 $0x0, s1;
	[sflag:s0] =	ssyncset.done @!p0 $0x0  }
0x88: {  	[sflag:s0] =	ssyncadd.s32 @!p0 s1  }
0x89: {  	[bflag:$0x3] =	sbarrier.arrive $0xFFFF  }
0x8a: {  	_ =	shalt  }

</sc_bundles>
